<compile_context>
chip_gen: v7x
topology: tpu7x:2x2x1
jax: 0.10.2.dev20260603
libtpu: 0.0.44.dev20260713+nightly
codegen_flags: <defaults>
</compile_context>

<pallas_src>
import functools

import jax
import jax.numpy as jnp
from jax import lax
from jax.experimental import pallas as pl
from jax.experimental.pallas import tpu as pltpu
from jax.experimental.pallas import tpu_sc as plsc

NC = 2
NS = 16
NW = NC * NS
CHUNK = 128
W_TAB = 48
SIZE = 50


def _silu(x):
    return x * jax.nn.sigmoid(x)


def _tc_pre(nodes, coordt, emb_w, emb_b, w_hr, w_hc, b1, n_pad):
    n, _ = nodes.shape
    blk = 1024
    grid = (n_pad // blk,)

    def body(nodes_ref, coordt_ref, embw_ref, embb_ref, whr_ref, whc_ref,
             b1_ref, h_ref, trow_ref, tcol_ref):
        x = nodes_ref[...] @ embw_ref[...] + embb_ref[...]
        h = _silu(x)
        h_ref[...] = h
        c = coordt_ref[...].T
        z = jnp.zeros((h.shape[0], W_TAB - 35), jnp.float32)
        trow_ref[...] = jnp.concatenate(
            [h @ whr_ref[...] + b1_ref[...], c, z], axis=1)
        tcol_ref[...] = jnp.concatenate([h @ whc_ref[...], c, z], axis=1)

    full = lambda a: pl.BlockSpec(a.shape, lambda i: (0,) * a.ndim)
    return pl.pallas_call(
        body,
        grid=grid,
        in_specs=[
            pl.BlockSpec((blk, nodes.shape[1]), lambda i: (i, 0)),
            pl.BlockSpec((3, blk), lambda i: (0, i)),
            full(emb_w), full(emb_b), full(w_hr), full(w_hc), full(b1),
        ],
        out_specs=[
            pl.BlockSpec((blk, 32), lambda i: (i, 0)),
            pl.BlockSpec((blk, W_TAB), lambda i: (i, 0)),
            pl.BlockSpec((blk, W_TAB), lambda i: (i, 0)),
        ],
        out_shape=[
            jax.ShapeDtypeStruct((n_pad, 32), jnp.float32),
            jax.ShapeDtypeStruct((n_pad, W_TAB), jnp.float32),
            jax.ShapeDtypeStruct((n_pad, W_TAB), jnp.float32),
        ],
    )(nodes, coordt, emb_w, emb_b, w_hr, w_hc, b1)


SROWS = 3
SLAB = SROWS * CHUNK


def _sc_gather(trow, tcol, rowi, coli, w_r, e_pad, ns0, ns1):
    srow = SLAB // 4
    mesh = plsc.VectorSubcoreMesh(
        core_axis_name="c", subcore_axis_name="s",
        num_cores=NC, num_subcores=NS)

    @functools.partial(
        pl.kernel,
        out_type=jax.ShapeDtypeStruct((e_pad // 4, 128), jnp.float32),
        mesh=mesh,
        scratch_types=[
            pltpu.VMEM((2, SLAB), jnp.int32),
            pltpu.VMEM((2, SLAB), jnp.int32),
            pltpu.VMEM((2, SLAB, W_TAB), jnp.float32),
            pltpu.VMEM((2, SLAB, W_TAB), jnp.float32),
            pltpu.VMEM((2, srow, 128), jnp.float32),
            pltpu.VMEM((32,), jnp.float32),
            pltpu.SemaphoreType.DMA,
            pltpu.SemaphoreType.DMA,
            pltpu.SemaphoreType.DMA,
        ],
        compiler_params=pltpu.CompilerParams(use_tc_tiling_on_sc=False,
                                             needs_layout_passes=False),
    )
    def gather_k(trow_hbm, tcol_hbm, rowi_hbm, coli_hbm, wr_hbm, g4_hbm,
                 rv, cv, bufa, bufb, gbuf, wrv, sg, sw, si):
        c = lax.axis_index("c")
        s = lax.axis_index("s")
        nsw = lax.select(c == 0, ns0, ns1)
        sbase = lax.select(c == 0, s * ns0, NS * ns0 + s * ns1)
        gbase = sbase * srow
        pltpu.sync_copy(wr_hbm, wrv)
        pltpu.sync_copy(rowi_hbm.at[sbase], rv.at[0])
        pltpu.sync_copy(coli_hbm.at[sbase], cv.at[0])

        def fire_idx(j, p):
            pltpu.async_copy(rowi_hbm.at[sbase + j], rv.at[p], si)
            pltpu.async_copy(coli_hbm.at[sbase + j], cv.at[p], si)

        def drain_idx(j, p):
            pltpu.make_async_copy(rowi_hbm.at[sbase + j], rv.at[p], si).wait()
            pltpu.make_async_copy(coli_hbm.at[sbase + j], cv.at[p], si).wait()

        def fire_gather(j, p):
            pltpu.async_copy(trow_hbm.at[rv.at[p]], bufa.at[p], sg)
            pltpu.async_copy(tcol_hbm.at[cv.at[p]], bufb.at[p], sg)

        def drain_gather(j, p):
            pltpu.make_async_copy(trow_hbm.at[rv.at[p]], bufa.at[p], sg).wait()
            pltpu.make_async_copy(tcol_hbm.at[cv.at[p]], bufb.at[p], sg).wait()

        def fire_write(j, p):
            pltpu.async_copy(
                gbuf.at[p], g4_hbm.at[pl.ds(gbase + j * srow, srow)], sw)

        def drain_write(j, p):
            pltpu.make_async_copy(
                gbuf.at[p], g4_hbm.at[pl.ds(gbase + j * srow, srow)], sw).wait()

        fire_gather(0, 0)

        @pl.when(1 < nsw)
        def _():
            fire_idx(1, 1)

        def body(j, carry):
            p = lax.rem(j, 2)

            @pl.when(j + 1 < nsw)
            def _():
                drain_idx(j + 1, 1 - p)
                fire_gather(j + 1, 1 - p)

            drain_gather(j, p)

            @pl.when(j + 2 < nsw)
            def _():
                fire_idx(j + 2, p)

            @pl.when(j >= 2)
            def _():
                drain_write(j - 2, p)

            w0 = wrv[pl.ds(0, 16)]
            w1 = wrv[pl.ds(16, 16)]

            def combine(i, carry2):
                for u in range(4):
                    e = i * 4 + u
                    d = (bufa[p, e, pl.ds(32, 16)]
                         - bufb[p, e, pl.ds(32, 16)])
                    r = jnp.sum(d * d)
                    g0 = (bufa[p, e, pl.ds(0, 16)]
                          + bufb[p, e, pl.ds(0, 16)] + r * w0)
                    g1 = (bufa[p, e, pl.ds(16, 16)]
                          + bufb[p, e, pl.ds(16, 16)] + r * w1)
                    gbuf[p, i, pl.ds(32 * u, 16)] = g0
                    gbuf[p, i, pl.ds(32 * u + 16, 16)] = g1
                return carry2

            lax.fori_loop(0, srow, combine, 0)
            fire_write(j, p)
            return carry

        lax.fori_loop(0, nsw, body, 0)
        drain_write(nsw - 2, lax.rem(nsw - 2, 2))
        drain_write(nsw - 1, lax.rem(nsw - 1, 2))

    return gather_k(trow, tcol, rowi, coli, w_r)


def _tc_edge(g4, ea4, wea4, e2bd, e2bt, a1bd, a1bt, a2bd, a2bt, sel):
    rows = g4.shape[0]
    blk4 = 512
    grid = (rows // blk4,)

    last_ea_blk = (ea4.shape[0] - 1) // blk4

    def body(g4_ref, ea4_ref, wea4_ref, e2bd_ref, e2bt_ref, a1bd_ref,
             a1bt_ref, a2bd_ref, a2bt_ref, sel_ref, ef_ref):
        x = g4_ref[...] + ea4_ref[...] @ wea4_ref[...]
        m = _silu(x)
        m = _silu(m @ e2bd_ref[...] + e2bt_ref[...])
        t = _silu(m @ a1bd_ref[...] + a1bt_ref[...])
        att = jax.nn.sigmoid(t @ a2bd_ref[...] + a2bt_ref[...])
        ef_ref[...] = m * (att @ sel_ref[...])

    full = lambda a: pl.BlockSpec(a.shape, lambda i: (0,) * a.ndim)
    return pl.pallas_call(
        body,
        grid=grid,
        in_specs=[
            pl.BlockSpec((blk4, 128), lambda i: (i, 0)),
            pl.BlockSpec((blk4, 64), lambda i: (jnp.minimum(i, last_ea_blk), 0)),
            full(wea4), full(e2bd), full(e2bt), full(a1bd), full(a1bt),
            full(a2bd), full(a2bt), full(sel),
        ],
        out_specs=pl.BlockSpec((blk4, 128), lambda i: (i, 0)),
        out_shape=jax.ShapeDtypeStruct((rows, 128), jnp.float32),
    )(g4, ea4, wea4, e2bd, e2bt, a1bd, a1bt, a2bd, a2bt, sel)


def _sc_scatter(ef, rowi_s, zeros_hbm, nacc, nslab):
    epw = nslab * SLAB
    rps = nacc // NS
    mesh = plsc.VectorSubcoreMesh(
        core_axis_name="c", subcore_axis_name="s",
        num_cores=NC, num_subcores=NS)

    @functools.partial(
        pl.kernel,
        out_type=jax.ShapeDtypeStruct((NC, nacc, 32), jnp.float32),
        mesh=mesh,
        scratch_types=[
            pltpu.VMEM((2, SROWS, CHUNK), jnp.int32),
            pltpu.VMEM((2, SLAB, 32), jnp.float32),
            pltpu.VMEM_SHARED((nacc, 32), jnp.float32),
            pltpu.SemaphoreType.DMA,
            pltpu.SemaphoreType.DMA,
        ],
        compiler_params=pltpu.CompilerParams(use_tc_tiling_on_sc=False),
    )
    def scatter_k(ef_hbm, rowi_hbm, z_hbm, out_hbm, idxv, efv, acc, sl, sa):
        c = lax.axis_index("c")
        s = lax.axis_index("s")
        wid = s * NC + c
        base = wid * epw
        pltpu.sync_copy(z_hbm, acc.at[pl.ds(s * rps, rps)])
        plsc.subcore_barrier()

        def fire_load(j, p):
            pltpu.async_copy(ef_hbm.at[pl.ds(base + j * SLAB, SLAB)],
                             efv.at[p], sl)
            pltpu.async_copy(rowi_hbm.at[wid].at[j], idxv.at[p], sl)

        def drain_load(j, p):
            pltpu.make_async_copy(ef_hbm.at[pl.ds(base + j * SLAB, SLAB)],
                                  efv.at[p], sl).wait()
            pltpu.make_async_copy(rowi_hbm.at[wid].at[j], idxv.at[p],
                                  sl).wait()

        def fire_adds(j, p):
            for q in range(SROWS):
                pltpu.async_copy(efv.at[p].at[pl.ds(q * CHUNK, CHUNK)],
                                 acc.at[idxv.at[p].at[q]], sa, add=True)

        def drain_adds(j, p):
            for q in range(SROWS):
                pltpu.make_async_copy(
                    efv.at[p].at[pl.ds(q * CHUNK, CHUNK)],
                    acc.at[idxv.at[p].at[q]], sa).wait()

        fire_load(0, 0)

        def body(j, carry):
            p = lax.rem(j, 2)
            drain_load(j, p)

            @pl.when(j >= 1)
            def _():
                drain_adds(j - 1, 1 - p)

            @pl.when(j + 1 < nslab)
            def _():
                fire_load(j + 1, 1 - p)

            fire_adds(j, p)
            return carry

        lax.fori_loop(0, nslab, body, 0)
        drain_adds(nslab - 1, lax.rem(nslab - 1, 2))
        plsc.subcore_barrier()
        pltpu.sync_copy(acc.at[pl.ds(s * rps, rps)],
                        out_hbm.at[c].at[pl.ds(s * rps, rps)])

    return scatter_k(ef, rowi_s, zeros_hbm)


def _tc_node(h, agg2, node_attr, seg3, n1hw, n1aw, n1nw, n1b, n2w, n2b,
             en1w, en1b, en2w, en2b, n_real):
    n_pad = h.shape[0]
    blk = 1024
    grid = (n_pad // blk,)

    def body(h_ref, agg_ref, na_ref, seg_ref, n1hw_ref, n1aw_ref, n1nw_ref,
             n1b_ref, n2w_ref,
             n2b_ref, en1w_ref, en1b_ref, en2w_ref, en2b_ref, pooled_ref):
        i = pl.program_id(0)
        h = h_ref[...]
        agg = agg_ref[0] + agg_ref[1]
        na_part = lax.dot_general(na_ref[...], n1nw_ref[...],
                                  (((0,), (0,)), ((), ())))
        t = _silu(h @ n1hw_ref[...] + agg @ n1aw_ref[...] + na_part
                  + n1b_ref[...])
        h2 = h + t @ n2w_ref[...] + n2b_ref[...]
        h3 = _silu(h2 @ en1w_ref[...] + en1b_ref[...]) @ en2w_ref[...] + en2b_ref[...]
        ridx = i * blk + lax.broadcasted_iota(jnp.int32, (blk, 1), 0)
        h3 = jnp.where(ridx < n_real, h3, 0.0)
        seg = seg_ref[0, 0, :]
        oh = (lax.broadcasted_iota(jnp.int32, (SIZE, blk), 0)
              == seg[None, :]).astype(jnp.float32)

        @pl.when(i == 0)
        def _():
            pooled_ref[...] = jnp.zeros_like(pooled_ref)

        pooled_ref[...] += oh @ h3

    full = lambda a: pl.BlockSpec(a.shape, lambda i: (0,) * a.ndim)
    return pl.pallas_call(
        body,
        grid=grid,
        in_specs=[
            pl.BlockSpec((blk, 32), lambda i: (i, 0)),
            pl.BlockSpec((2, blk, 32), lambda i: (0, i, 0)),
            pl.BlockSpec((16, blk), lambda i: (0, i)),
            pl.BlockSpec((1, 1, blk), lambda i: (i, 0, 0)),
            full(n1hw), full(n1aw), full(n1nw), full(n1b), full(n2w), full(n2b),
            full(en1w), full(en1b), full(en2w), full(en2b),
        ],
        out_specs=pl.BlockSpec((SIZE, 32), lambda i: (0, 0)),
        out_shape=jax.ShapeDtypeStruct((SIZE, 32), jnp.float32),
    )(h, agg2, node_attr, seg3, n1hw, n1aw, n1nw, n1b, n2w, n2b,
      en1w, en1b, en2w, en2b)


def _tc_decode(pooled, d1w, d1b, d2w, d2b):
    def body(p_ref, d1w_ref, d1b_ref, d2w_ref, d2b_ref, out_ref):
        t = _silu(p_ref[...] @ d1w_ref[...] + d1b_ref[...])
        out_ref[...] = t @ d2w_ref[...] + d2b_ref[...]

    return pl.pallas_call(
        body,
        out_shape=jax.ShapeDtypeStruct((SIZE, 1), jnp.float32),
    )(pooled, d1w, d1b, d2w, d2b)


def kernel(nodes, coord, edges, edge_attr, node_attr, batch, size, params):
    p = params
    n = nodes.shape[0]
    e = edges.shape[1]
    row = edges[0].astype(jnp.int32)
    col = edges[1].astype(jnp.int32)

    nslab = -(-e // (NW * SLAB))
    e_pad = NW * nslab * SLAB
    cpw = e_pad // NW // CHUNK
    pad = e_pad - e
    ns0 = round(2 * nslab * 0.67)
    ns1 = 2 * nslab - ns0

    blkn = 1024
    n_pad = -(-n // blkn) * blkn
    nacc = n_pad

    row_g = jnp.concatenate([row, jnp.zeros((pad,), jnp.int32)])
    col_g = jnp.concatenate([col, jnp.zeros((pad,), jnp.int32)])
    row_s = jnp.concatenate([row, jnp.full((pad,), n, jnp.int32)])
    rowi = row_g.reshape(NW * nslab, SLAB)
    coli = col_g.reshape(NW * nslab, SLAB)
    rowi_s = row_s.reshape(NW, nslab, SROWS, CHUNK)

    e1w = p['e1_w']
    w_hr = e1w[0:32]
    w_hc = e1w[32:64]
    w_r = e1w[64:65]
    w_ea = e1w[65:81]
    r2 = lambda b: b.reshape(1, -1)

    h, trow, tcol = _tc_pre(nodes, coord.T, p['emb_w'], r2(p['emb_b']),
                            w_hr, w_hc, r2(p['e1_b']), n_pad)
    g4 = _sc_gather(trow, tcol, rowi, coli, w_r.reshape(32), e_pad, ns0, ns1)

    eye4 = jnp.eye(4, dtype=jnp.float32)
    wea4 = jnp.kron(eye4, w_ea)
    ea4 = edge_attr.reshape(e // 4, 64)
    e2bd = jnp.kron(eye4, p['e2_w'])
    e2bt = jnp.tile(p['e2_b'], 4).reshape(1, 128)
    a1bd = jnp.kron(eye4, p['a1_w'])
    a1bt = jnp.tile(p['a1_b'], 4).reshape(1, 128)
    a2bd = jnp.kron(eye4, p['a2_w'])
    a2bt = jnp.tile(p['a2_b'], 4).reshape(1, 4)
    sel = jnp.kron(eye4, jnp.ones((1, 32), jnp.float32))

    ef4 = _tc_edge(g4, ea4, wea4, e2bd, e2bt, a1bd, a1bt,
                   a2bd, a2bt, sel)
    ef = ef4.reshape(e_pad, 32)
    zeros_hbm = jnp.zeros((nacc // NS, 32), jnp.float32)
    agg2 = _sc_scatter(ef, rowi_s, zeros_hbm, nacc, nslab)

    seg = jnp.minimum(batch, size - 1).astype(jnp.int32)
    seg = jnp.concatenate([seg, jnp.full((n_pad - n,), -1, jnp.int32)])
    seg3 = seg.reshape(n_pad // blkn, 1, blkn)

    n1w = p['n1_w']
    pooled = _tc_node(h, agg2, node_attr.T, seg3,
                      n1w[0:32], n1w[32:64], n1w[64:80],
                      r2(p['n1_b']), p['n2_w'], r2(p['n2_b']),
                      p['en1_w'], r2(p['en1_b']), p['en2_w'], r2(p['en2_b']),
                      n)
    return _tc_decode(pooled, p['d1_w'], r2(p['d1_b']),
                      p['d2_w'], r2(p['d2_b']))

# --- scband reference (transcript-rebuilt; emitter-appended) ---
"""Pipeline reference for scband-equivariant-graph-network-35974646072148 (READ-ONLY COPY).

The authoritative reference and input builder live on the scoring server;
editing this copy changes nothing except your own understanding.
"""

import jax, jax.numpy as jnp
import numpy as np

N = 50000
E = 800000
D_IN = 128
D_EDGE = 16
D_NODE = 16
H = 32
SIZE = 50


def _silu(x):
    return x * jax.nn.sigmoid(x)


def _make_params(key):
    shapes = {
        'emb': (D_IN, H),
        'e1': (2 * H + D_EDGE + 1, H),
        'e2': (H, H),
        'a1': (H, H),
        'a2': (H, 1),
        'n1': (2 * H + D_NODE, H),
        'n2': (H, H),
        'c1': (H, H),
        'c2': (H, 1),
        'en1': (H, H),
        'en2': (H, H),
        'd1': (H, H),
        'd2': (H, 1),
    }
    params = {}
    for i, (name, (din, dout)) in enumerate(sorted(shapes.items())):
        k = jax.random.fold_in(key, i + 100)
        params[name + '_w'] = jax.random.normal(k, (din, dout), dtype=jnp.float32) * 0.01
        params[name + '_b'] = jnp.ones((dout,), dtype=jnp.float32)
    return params


def _forward(nodes, coord, edges, edge_attr, node_attr, batch, size, params):
    p = params
    row, col = edges[0], edges[1]
    # Embedding
    h = _silu(nodes @ p['emb_w'] + p['emb_b'])
    # RadialOperation
    rij = coord[row] - coord[col]
    radial = jnp.sum(rij * rij, axis=1, keepdims=True)
    # EdgeOperation (EdgeMLP + EdgeAttention gate)
    e_in = jnp.concatenate([h[row], h[col], radial, edge_attr], axis=1)
    m = _silu(e_in @ p['e1_w'] + p['e1_b'])
    m = _silu(m @ p['e2_w'] + p['e2_b'])
    att = jax.nn.sigmoid(_silu(m @ p['a1_w'] + p['a1_b']) @ p['a2_w'] + p['a2_b'])
    edge_feat = m * att
    # CoordinateOperation (aggregation='sum')
    cm = _silu(edge_feat @ p['c1_w'] + p['c1_b']) @ p['c2_w'] + p['c2_b']
    trans = rij * cm
    coord = coord + jax.ops.segment_sum(trans, row, num_segments=nodes.shape[0])
    # NodeOperation with residual
    agg = jax.ops.segment_sum(edge_feat, row, num_segments=nodes.shape[0])
    n_in = jnp.concatenate([h, agg, node_attr], axis=1)
    h = h + (_silu(n_in @ p['n1_w'] + p['n1_b']) @ p['n2_w'] + p['n2_b'])
    # Encoding
    h = _silu(h @ p['en1_w'] + p['en1_b']) @ p['en2_w'] + p['en2_b']
    # global_add_pool over batch ids, then Decoding
    seg_ids = jnp.minimum(batch, size - 1)
    pooled = jax.ops.segment_sum(h, seg_ids, num_segments=SIZE)
    out = _silu(pooled @ p['d1_w'] + p['d1_b']) @ p['d2_w'] + p['d2_b']
    return out


def setup_inputs(seed: int = 0):
    key = jax.random.key(seed)
    inp = {}
    inp['nodes'] = jax.random.normal(jax.random.fold_in(key, 0), (N, D_IN), dtype=jnp.float32)
    inp['coord'] = jax.random.normal(jax.random.fold_in(key, 1), (N, 3), dtype=jnp.float32)
    inp['edges'] = jax.random.randint(jax.random.fold_in(key, 2), (2, E), 0, N)
    inp['edge_attr'] = jax.random.normal(jax.random.fold_in(key, 3), (E, D_EDGE), dtype=jnp.float32)
    inp['node_attr'] = jax.random.normal(jax.random.fold_in(key, 4), (N, D_NODE), dtype=jnp.float32)
    inp['batch'] = jnp.sort(jax.random.randint(jax.random.fold_in(key, 5), (N,), 0, SIZE))
    inp['size'] = SIZE
    inp['params'] = _make_params(key)
    return inp


def reference(nodes, coord, edges, edge_attr, node_attr, batch, size, params):
    return _forward(nodes, coord, edges, edge_attr, node_attr, batch, size, params)

if __name__ == "__main__":
    import jax
    _d = setup_inputs()
    print(jax.jit(kernel)(*tuple(_d.values())))

</pallas_src>

<mosaic_0001>
#map = affine_map<(d0, d1) -> (0, 0)>
#map1 = affine_map<(d0, d1) -> (0)>
module attributes {stable_mosaic.version = 14 : i64} {
  func.func @gather_k(%arg0: i32, %arg1: i32, %arg2: memref<50176x48xf32, #tpu.memory_space<hbm>>, %arg3: memref<50176x48xf32, #tpu.memory_space<hbm>>, %arg4: memref<2112x384xi32, #tpu.memory_space<hbm>>, %arg5: memref<2112x384xi32, #tpu.memory_space<hbm>>, %arg6: memref<32xf32, #tpu.memory_space<hbm>>, %arg7: memref<202752x128xf32, #tpu.memory_space<hbm>>, %arg8: memref<2x384xi32, #tpu.memory_space<vmem>>, %arg9: memref<2x384xi32, #tpu.memory_space<vmem>>, %arg10: memref<2x384x48xf32, #tpu.memory_space<vmem>>, %arg11: memref<2x384x48xf32, #tpu.memory_space<vmem>>, %arg12: memref<2x96x128xf32, #tpu.memory_space<vmem>>, %arg13: memref<32xf32, #tpu.memory_space<vmem>>, %arg14: memref<!tpu.dma_semaphore, #tpu.memory_space<semaphore_mem>>, %arg15: memref<!tpu.dma_semaphore, #tpu.memory_space<semaphore_mem>>, %arg16: memref<!tpu.dma_semaphore, #tpu.memory_space<semaphore_mem>>) attributes {dimension_semantics = [#tpu.dimension_semantics<core_parallel>, #tpu.dimension_semantics<subcore_parallel>], iteration_bounds = array<i64: 2, 16>, scalar_prefetch = 0 : i64, scratch_operands = 9 : i64, tpu.core_type = #tpu.core_type<sc_vector_subcore>, window_params = [{transform_indices = #map}, {transform_indices = #map}, {transform_indices = #map}, {transform_indices = #map}, {transform_indices = #map1}, {transform_indices = #map}]} {
    %eq3A = arith.constant 0 : i32
    %eq3A_0 = arith.cmpi eq, %arg0, %eq3A : i32
    %select_n3A = arith.constant 44 : i32
    %select_n3A_1 = arith.constant 88 : i32
    %select_n3A_2 = arith.select %eq3A_0, %select_n3A_1, %select_n3A : i32
    %eq3A_3 = arith.constant 0 : i32
    %eq3A_4 = arith.cmpi eq, %arg0, %eq3A_3 : i32
    %mul3A = arith.constant 88 : i32
    %mul3A_5 = arith.muli %arg1, %mul3A : i32
    %mul3A_6 = arith.constant 44 : i32
    %mul3A_7 = arith.muli %arg1, %mul3A_6 : i32
    %add3A = arith.constant 1408 : i32
    %add3A_8 = arith.addi %add3A, %mul3A_7 : i32
    %select_n3A_9 = arith.select %eq3A_4, %mul3A_5, %add3A_8 : i32
    %mul3A_10 = arith.constant 96 : i32
    %mul3A_11 = arith.muli %select_n3A_9, %mul3A_10 : i32
    "tpu.region"() ({
      %run_scoped3A_86 = tpu.sem_alloc : memref<!tpu.dma_semaphore, #tpu.memory_space<semaphore_mem>>
      tpu.enqueue_dma source(%arg6 : memref<32xf32, #tpu.memory_space<hbm>>) target(%arg13 : memref<32xf32, #tpu.memory_space<vmem>>) target_semaphore(%run_scoped3A_86 : memref<!tpu.dma_semaphore, #tpu.memory_space<semaphore_mem>>)
      tpu.wait_dma2 semaphore(%run_scoped3A_86 : memref<!tpu.dma_semaphore, #tpu.memory_space<semaphore_mem>>) src(%arg6 : memref<32xf32, #tpu.memory_space<hbm>>) dst(%arg13 : memref<32xf32, #tpu.memory_space<vmem>>)
      tpu.yield
    }) : () -> ()
    %run_scoped3A = arith.constant 0 : i32
    "tpu.region"() ({
      %run_scoped3A_86 = tpu.sem_alloc : memref<!tpu.dma_semaphore, #tpu.memory_space<semaphore_mem>>
      %dma_start3A_87 = arith.constant 0 : i32
      %dma_start3A_88 = tpu.memref_slice %arg8[%run_scoped3A, %dma_start3A_87] : memref<2x384xi32, #tpu.memory_space<vmem>> -> memref<1x384xi32, #tpu.memory_space<vmem>>
      %dma_start3A_89 = tpu.memref_squeeze %dma_start3A_88 : memref<1x384xi32, #tpu.memory_space<vmem>> -> memref<384xi32, #tpu.memory_space<vmem>>
      %dma_start3A_90 = arith.constant 0 : i32
      %dma_start3A_91 = tpu.memref_slice %arg4[%select_n3A_9, %dma_start3A_90] : memref<2112x384xi32, #tpu.memory_space<hbm>> -> memref<1x384xi32, #tpu.memory_space<hbm>>
      %dma_start3A_92 = tpu.memref_squeeze %dma_start3A_91 : memref<1x384xi32, #tpu.memory_space<hbm>> -> memref<384xi32, #tpu.memory_space<hbm>>
      %dma_start3A_93 = arith.constant 0 : i32
      %dma_start3A_94 = tpu.memref_slice %arg8[%run_scoped3A, %dma_start3A_93] : memref<2x384xi32, #tpu.memory_space<vmem>> -> memref<1x384xi32, #tpu.memory_space<vmem>>
      %dma_start3A_95 = tpu.memref_squeeze %dma_start3A_94 : memref<1x384xi32, #tpu.memory_space<vmem>> -> memref<384xi32, #tpu.memory_space<vmem>>
      %dma_start3A_96 = arith.constant 0 : i32
      %dma_start3A_97 = tpu.memref_slice %arg4[%select_n3A_9, %dma_start3A_96] : memref<2112x384xi32, #tpu.memory_space<hbm>> -> memref<1x384xi32, #tpu.memory_space<hbm>>
      %dma_start3A_98 = tpu.memref_squeeze %dma_start3A_97 : memref<1x384xi32, #tpu.memory_space<hbm>> -> memref<384xi32, #tpu.memory_space<hbm>>
      tpu.enqueue_dma source(%dma_start3A_98 : memref<384xi32, #tpu.memory_space<hbm>>) target(%dma_start3A_95 : memref<384xi32, #tpu.memory_space<vmem>>) target_semaphore(%run_scoped3A_86 : memref<!tpu.dma_semaphore, #tpu.memory_space<semaphore_mem>>)
      %dma_wait3A_99 = arith.constant 0 : i32
      %dma_wait3A_100 = tpu.memref_slice %arg8[%run_scoped3A, %dma_wait3A_99] : memref<2x384xi32, #tpu.memory_space<vmem>> -> memref<1x384xi32, #tpu.memory_space<vmem>>
      %dma_wait3A_101 = tpu.memref_squeeze %dma_wait3A_100 : memref<1x384xi32, #tpu.memory_space<vmem>> -> memref<384xi32, #tpu.memory_space<vmem>>
      %dma_wait3A_102 = arith.constant 0 : i32
      %dma_wait3A_103 = tpu.memref_slice %arg4[%select_n3A_9, %dma_wait3A_102] : memref<2112x384xi32, #tpu.memory_space<hbm>> -> memref<1x384xi32, #tpu.memory_space<hbm>>
      %dma_wait3A_104 = tpu.memref_squeeze %dma_wait3A_103 : memref<1x384xi32, #tpu.memory_space<hbm>> -> memref<384xi32, #tpu.memory_space<hbm>>
      %dma_wait3A_105 = arith.constant 0 : i32
      %dma_wait3A_106 = tpu.memref_slice %arg8[%run_scoped3A, %dma_wait3A_105] : memref<2x384xi32, #tpu.memory_space<vmem>> -> memref<1x384xi32, #tpu.memory_space<vmem>>
      %dma_wait3A_107 = tpu.memref_squeeze %dma_wait3A_106 : memref<1x384xi32, #tpu.memory_space<vmem>> -> memref<384xi32, #tpu.memory_space<vmem>>
      %dma_wait3A_108 = arith.constant 0 : i32
      %dma_wait3A_109 = tpu.memref_slice %arg4[%select_n3A_9, %dma_wait3A_108] : memref<2112x384xi32, #tpu.memory_space<hbm>> -> memref<1x384xi32, #tpu.memory_space<hbm>>
      %dma_wait3A_110 = tpu.memref_squeeze %dma_wait3A_109 : memref<1x384xi32, #tpu.memory_space<hbm>> -> memref<384xi32, #tpu.memory_space<hbm>>
      tpu.wait_dma2 semaphore(%run_scoped3A_86 : memref<!tpu.dma_semaphore, #tpu.memory_space<semaphore_mem>>) src(%dma_wait3A_110 : memref<384xi32, #tpu.memory_space<hbm>>) dst(%dma_wait3A_107 : memref<384xi32, #tpu.memory_space<vmem>>)
      tpu.yield
    }) : () -> ()
    %run_scoped3A_12 = arith.constant 0 : i32
    "tpu.region"() ({
      %run_scoped3A_86 = tpu.sem_alloc : memref<!tpu.dma_semaphore, #tpu.memory_space<semaphore_mem>>
      %dma_start3A_87 = arith.constant 0 : i32
      %dma_start3A_88 = tpu.memref_slice %arg9[%run_scoped3A_12, %dma_start3A_87] : memref<2x384xi32, #tpu.memory_space<vmem>> -> memref<1x384xi32, #tpu.memory_space<vmem>>
      %dma_start3A_89 = tpu.memref_squeeze %dma_start3A_88 : memref<1x384xi32, #tpu.memory_space<vmem>> -> memref<384xi32, #tpu.memory_space<vmem>>
      %dma_start3A_90 = arith.constant 0 : i32
      %dma_start3A_91 = tpu.memref_slice %arg5[%select_n3A_9, %dma_start3A_90] : memref<2112x384xi32, #tpu.memory_space<hbm>> -> memref<1x384xi32, #tpu.memory_space<hbm>>
      %dma_start3A_92 = tpu.memref_squeeze %dma_start3A_91 : memref<1x384xi32, #tpu.memory_space<hbm>> -> memref<384xi32, #tpu.memory_space<hbm>>
      %dma_start3A_93 = arith.constant 0 : i32
      %dma_start3A_94 = tpu.memref_slice %arg9[%run_scoped3A_12, %dma_start3A_93] : memref<2x384xi32, #tpu.memory_space<vmem>> -> memref<1x384xi32, #tpu.memory_space<vmem>>
      %dma_start3A_95 = tpu.memref_squeeze %dma_start3A_94 : memref<1x384xi32, #tpu.memory_space<vmem>> -> memref<384xi32, #tpu.memory_space<vmem>>
      %dma_start3A_96 = arith.constant 0 : i32
      %dma_start3A_97 = tpu.memref_slice %arg5[%select_n3A_9, %dma_start3A_96] : memref<2112x384xi32, #tpu.memory_space<hbm>> -> memref<1x384xi32, #tpu.memory_space<hbm>>
      %dma_start3A_98 = tpu.memref_squeeze %dma_start3A_97 : memref<1x384xi32, #tpu.memory_space<hbm>> -> memref<384xi32, #tpu.memory_space<hbm>>
      tpu.enqueue_dma source(%dma_start3A_98 : memref<384xi32, #tpu.memory_space<hbm>>) target(%dma_start3A_95 : memref<384xi32, #tpu.memory_space<vmem>>) target_semaphore(%run_scoped3A_86 : memref<!tpu.dma_semaphore, #tpu.memory_space<semaphore_mem>>)
      %dma_wait3A_99 = arith.constant 0 : i32
      %dma_wait3A_100 = tpu.memref_slice %arg9[%run_scoped3A_12, %dma_wait3A_99] : memref<2x384xi32, #tpu.memory_space<vmem>> -> memref<1x384xi32, #tpu.memory_space<vmem>>
      %dma_wait3A_101 = tpu.memref_squeeze %dma_wait3A_100 : memref<1x384xi32, #tpu.memory_space<vmem>> -> memref<384xi32, #tpu.memory_space<vmem>>
      %dma_wait3A_102 = arith.constant 0 : i32
      %dma_wait3A_103 = tpu.memref_slice %arg5[%select_n3A_9, %dma_wait3A_102] : memref<2112x384xi32, #tpu.memory_space<hbm>> -> memref<1x384xi32, #tpu.memory_space<hbm>>
      %dma_wait3A_104 = tpu.memref_squeeze %dma_wait3A_103 : memref<1x384xi32, #tpu.memory_space<hbm>> -> memref<384xi32, #tpu.memory_space<hbm>>
      %dma_wait3A_105 = arith.constant 0 : i32
      %dma_wait3A_106 = tpu.memref_slice %arg9[%run_scoped3A_12, %dma_wait3A_105] : memref<2x384xi32, #tpu.memory_space<vmem>> -> memref<1x384xi32, #tpu.memory_space<vmem>>
      %dma_wait3A_107 = tpu.memref_squeeze %dma_wait3A_106 : memref<1x384xi32, #tpu.memory_space<vmem>> -> memref<384xi32, #tpu.memory_space<vmem>>
      %dma_wait3A_108 = arith.constant 0 : i32
      %dma_wait3A_109 = tpu.memref_slice %arg5[%select_n3A_9, %dma_wait3A_108] : memref<2112x384xi32, #tpu.memory_space<hbm>> -> memref<1x384xi32, #tpu.memory_space<hbm>>
      %dma_wait3A_110 = tpu.memref_squeeze %dma_wait3A_109 : memref<1x384xi32, #tpu.memory_space<hbm>> -> memref<384xi32, #tpu.memory_space<hbm>>
      tpu.wait_dma2 semaphore(%run_scoped3A_86 : memref<!tpu.dma_semaphore, #tpu.memory_space<semaphore_mem>>) src(%dma_wait3A_110 : memref<384xi32, #tpu.memory_space<hbm>>) dst(%dma_wait3A_107 : memref<384xi32, #tpu.memory_space<vmem>>)
      tpu.yield
    }) : () -> ()
    %dma_start3A = arith.constant 0 : i32
    %dma_start3A_13 = arith.constant 0 : i32
    %dma_start3A_14 = arith.constant 0 : i32
    %dma_start3A_15 = arith.constant 0 : i32
    %dma_start3A_16 = tpu.memref_slice %arg10[%dma_start3A_13, %dma_start3A_14, %dma_start3A_15] : memref<2x384x48xf32, #tpu.memory_space<vmem>> -> memref<1x384x48xf32, #tpu.memory_space<vmem>>
    %dma_start3A_17 = tpu.memref_squeeze %dma_start3A_16 : memref<1x384x48xf32, #tpu.memory_space<vmem>> -> memref<384x48xf32, #tpu.memory_space<vmem>>
    %dma_start3A_18 = arith.constant 0 : i32
    %dma_start3A_19 = tpu.memref_slice %arg8[%dma_start3A, %dma_start3A_18] : memref<2x384xi32, #tpu.memory_space<vmem>> -> memref<1x384xi32, #tpu.memory_space<vmem>>
    %dma_start3A_20 = tpu.memref_squeeze %dma_start3A_19 : memref<1x384xi32, #tpu.memory_space<vmem>> -> memref<384xi32, #tpu.memory_space<vmem>>
    %dma_start3A_21 = arith.constant 0 : i32
    %dma_start3A_22 = arith.constant 0 : i32
    %dma_start3A_23 = tpu.memref_slice %arg2[%dma_start3A_21, %dma_start3A_22] : memref<50176x48xf32, #tpu.memory_space<hbm>> -> memref<50176x48xf32, #tpu.memory_space<hbm>>
    tpu.enqueue_indirect_dma source(%dma_start3A_23 : memref<50176x48xf32, #tpu.memory_space<hbm>>) target(%dma_start3A_17 : memref<384x48xf32, #tpu.memory_space<vmem>>) offsets(%dma_start3A_20 : memref<384xi32, #tpu.memory_space<vmem>>) semaphore(%arg14 : memref<!tpu.dma_semaphore, #tpu.memory_space<semaphore_mem>>)
    %dma_start3A_24 = arith.constant 0 : i32
    %dma_start3A_25 = arith.constant 0 : i32
    %dma_start3A_26 = arith.constant 0 : i32
    %dma_start3A_27 = arith.constant 0 : i32
    %dma_start3A_28 = tpu.memref_slice %arg11[%dma_start3A_25, %dma_start3A_26, %dma_start3A_27] : memref<2x384x48xf32, #tpu.memory_space<vmem>> -> memref<1x384x48xf32, #tpu.memory_space<vmem>>
    %dma_start3A_29 = tpu.memref_squeeze %dma_start3A_28 : memref<1x384x48xf32, #tpu.memory_space<vmem>> -> memref<384x48xf32, #tpu.memory_space<vmem>>
    %dma_start3A_30 = arith.constant 0 : i32
    %dma_start3A_31 = tpu.memref_slice %arg9[%dma_start3A_24, %dma_start3A_30] : memref<2x384xi32, #tpu.memory_space<vmem>> -> memref<1x384xi32, #tpu.memory_space<vmem>>
    %dma_start3A_32 = tpu.memref_squeeze %dma_start3A_31 : memref<1x384xi32, #tpu.memory_space<vmem>> -> memref<384xi32, #tpu.memory_space<vmem>>
    %dma_start3A_33 = arith.constant 0 : i32
    %dma_start3A_34 = arith.constant 0 : i32
    %dma_start3A_35 = tpu.memref_slice %arg3[%dma_start3A_33, %dma_start3A_34] : memref<50176x48xf32, #tpu.memory_space<hbm>> -> memref<50176x48xf32, #tpu.memory_space<hbm>>
    tpu.enqueue_indirect_dma source(%dma_start3A_35 : memref<50176x48xf32, #tpu.memory_space<hbm>>) target(%dma_start3A_29 : memref<384x48xf32, #tpu.memory_space<vmem>>) offsets(%dma_start3A_32 : memref<384xi32, #tpu.memory_space<vmem>>) semaphore(%arg14 : memref<!tpu.dma_semaphore, #tpu.memory_space<semaphore_mem>>)
    %gt3A = arith.constant 1 : i32
    %gt3A_36 = arith.cmpi sgt, %select_n3A_2, %gt3A : i32
    %convert_element_type3A = arith.extui %gt3A_36 : i1 to i32
    %cond3A = arith.constant 0 : i32
    %cond3A_37 = arith.cmpi ne, %convert_element_type3A, %cond3A : i32
    scf.if %cond3A_37 {
      %add3A_86 = arith.constant 1 : i32
      %add3A_87 = arith.addi %select_n3A_9, %add3A_86 : i32
      %dma_start3A_88 = arith.constant 1 : i32
      %dma_start3A_89 = arith.constant 0 : i32
      %dma_start3A_90 = tpu.memref_slice %arg8[%dma_start3A_88, %dma_start3A_89] : memref<2x384xi32, #tpu.memory_space<vmem>> -> memref<1x384xi32, #tpu.memory_space<vmem>>
      %dma_start3A_91 = tpu.memref_squeeze %dma_start3A_90 : memref<1x384xi32, #tpu.memory_space<vmem>> -> memref<384xi32, #tpu.memory_space<vmem>>
      %dma_start3A_92 = arith.constant 0 : i32
      %dma_start3A_93 = tpu.memref_slice %arg4[%add3A_87, %dma_start3A_92] : memref<2112x384xi32, #tpu.memory_space<hbm>> -> memref<1x384xi32, #tpu.memory_space<hbm>>
      %dma_start3A_94 = tpu.memref_squeeze %dma_start3A_93 : memref<1x384xi32, #tpu.memory_space<hbm>> -> memref<384xi32, #tpu.memory_space<hbm>>
      %dma_start3A_95 = arith.constant 0 : i32
      %dma_start3A_96 = tpu.memref_slice %arg8[%dma_start3A_88, %dma_start3A_95] : memref<2x384xi32, #tpu.memory_space<vmem>> -> memref<1x384xi32, #tpu.memory_space<vmem>>
      %dma_start3A_97 = tpu.memref_squeeze %dma_start3A_96 : memref<1x384xi32, #tpu.memory_space<vmem>> -> memref<384xi32, #tpu.memory_space<vmem>>
      %dma_start3A_98 = arith.constant 0 : i32
      %dma_start3A_99 = tpu.memref_slice %arg4[%add3A_87, %dma_start3A_98] : memref<2112x384xi32, #tpu.memory_space<hbm>> -> memref<1x384xi32, #tpu.memory_space<hbm>>
      %dma_start3A_100 = tpu.memref_squeeze %dma_start3A_99 : memref<1x384xi32, #tpu.memory_space<hbm>> -> memref<384xi32, #tpu.memory_space<hbm>>
      tpu.enqueue_dma source(%dma_start3A_100 : memref<384xi32, #tpu.memory_space<hbm>>) target(%dma_start3A_97 : memref<384xi32, #tpu.memory_space<vmem>>) target_semaphore(%arg16 : memref<!tpu.dma_semaphore, #tpu.memory_space<semaphore_mem>>)
      %add3A_101 = arith.constant 1 : i32
      %add3A_102 = arith.addi %select_n3A_9, %add3A_101 : i32
      %dma_start3A_103 = arith.constant 1 : i32
      %dma_start3A_104 = arith.constant 0 : i32
      %dma_start3A_105 = tpu.memref_slice %arg9[%dma_start3A_103, %dma_start3A_104] : memref<2x384xi32, #tpu.memory_space<vmem>> -> memref<1x384xi32, #tpu.memory_space<vmem>>
      %dma_start3A_106 = tpu.memref_squeeze %dma_start3A_105 : memref<1x384xi32, #tpu.memory_space<vmem>> -> memref<384xi32, #tpu.memory_space<vmem>>
      %dma_start3A_107 = arith.constant 0 : i32
      %dma_start3A_108 = tpu.memref_slice %arg5[%add3A_102, %dma_start3A_107] : memref<2112x384xi32, #tpu.memory_space<hbm>> -> memref<1x384xi32, #tpu.memory_space<hbm>>
      %dma_start3A_109 = tpu.memref_squeeze %dma_start3A_108 : memref<1x384xi32, #tpu.memory_space<hbm>> -> memref<384xi32, #tpu.memory_space<hbm>>
      %dma_start3A_110 = arith.constant 0 : i32
      %dma_start3A_111 = tpu.memref_slice %arg9[%dma_start3A_103, %dma_start3A_110] : memref<2x384xi32, #tpu.memory_space<vmem>> -> memref<1x384xi32, #tpu.memory_space<vmem>>
      %dma_start3A_112 = tpu.memref_squeeze %dma_start3A_111 : memref<1x384xi32, #tpu.memory_space<vmem>> -> memref<384xi32, #tpu.memory_space<vmem>>
      %dma_start3A_113 = arith.constant 0 : i32
      %dma_start3A_114 = tpu.memref_slice %arg5[%add3A_102, %dma_start3A_113] : memref<2112x384xi32, #tpu.memory_space<hbm>> -> memref<1x384xi32, #tpu.memory_space<hbm>>
      %dma_start3A_115 = tpu.memref_squeeze %dma_start3A_114 : memref<1x384xi32, #tpu.memory_space<hbm>> -> memref<384xi32, #tpu.memory_space<hbm>>
      tpu.enqueue_dma source(%dma_start3A_115 : memref<384xi32, #tpu.memory_space<hbm>>) target(%dma_start3A_112 : memref<384xi32, #tpu.memory_space<vmem>>) target_semaphore(%arg16 : memref<!tpu.dma_semaphore, #tpu.memory_space<semaphore_mem>>)
    } else {
    }
    %while3A = arith.constant 0 : i32
    %while3A_38 = arith.constant 0 : i32
    %while3A_39 = arith.subi %select_n3A_2, %while3A_38 : i32
    %while3A_40 = arith.addi %while3A_38, %while3A_39 : i32
    %while3A_41 = arith.constant 1 : i32
    %while3A_42 = arith.divsi %while3A_39, %while3A_41 : i32
    %while3A_43 = arith.muli %while3A_42, %while3A_41 : i32
    %while3A_44 = arith.addi %while3A_38, %while3A_43 : i32
    %while3A_45 = arith.constant 1 : i32
    scf.for %while3A_86 = %while3A_38 to %while3A_44 step %while3A_45  : i32 {
      %rem3A_87 = arith.constant 2 : i32
      %rem3A_88 = arith.remsi %while3A_86, %rem3A_87 : i32
      %add3A_89 = arith.constant 1 : i32
      %add3A_90 = arith.addi %while3A_86, %add3A_89 : i32
      %lt3A = arith.cmpi slt, %add3A_90, %select_n3A_2 : i32
      %convert_element_type3A_91 = arith.extui %lt3A : i1 to i32
      %cond3A_92 = arith.constant 0 : i32
      %cond3A_93 = arith.cmpi ne, %convert_element_type3A_91, %cond3A_92 : i32
      scf.if %cond3A_93 {
        %add3A_147 = arith.constant 1 : i32
        %add3A_148 = arith.addi %while3A_86, %add3A_147 : i32
        %sub3A_149 = arith.constant 1 : i32
        %sub3A_150 = arith.subi %sub3A_149, %rem3A_88 : i32
        %add3A_151 = arith.addi %select_n3A_9, %add3A_148 : i32
        %dma_wait3A_152 = arith.constant 0 : i32
        %dma_wait3A_153 = tpu.memref_slice %arg8[%sub3A_150, %dma_wait3A_152] : memref<2x384xi32, #tpu.memory_space<vmem>> -> memref<1x384xi32, #tpu.memory_space<vmem>>
        %dma_wait3A_154 = tpu.memref_squeeze %dma_wait3A_153 : memref<1x384xi32, #tpu.memory_space<vmem>> -> memref<384xi32, #tpu.memory_space<vmem>>
        %dma_wait3A_155 = arith.constant 0 : i32
        %dma_wait3A_156 = tpu.memref_slice %arg4[%add3A_151, %dma_wait3A_155] : memref<2112x384xi32, #tpu.memory_space<hbm>> -> memref<1x384xi32, #tpu.memory_space<hbm>>
        %dma_wait3A_157 = tpu.memref_squeeze %dma_wait3A_156 : memref<1x384xi32, #tpu.memory_space<hbm>> -> memref<384xi32, #tpu.memory_space<hbm>>
        %dma_wait3A_158 = arith.constant 0 : i32
        %dma_wait3A_159 = tpu.memref_slice %arg8[%sub3A_150, %dma_wait3A_158] : memref<2x384xi32, #tpu.memory_space<vmem>> -> memref<1x384xi32, #tpu.memory_space<vmem>>
        %dma_wait3A_160 = tpu.memref_squeeze %dma_wait3A_159 : memref<1x384xi32, #tpu.memory_space<vmem>> -> memref<384xi32, #tpu.memory_space<vmem>>
        %dma_wait3A_161 = arith.constant 0 : i32
        %dma_wait3A_162 = tpu.memref_slice %arg4[%add3A_151, %dma_wait3A_161] : memref<2112x384xi32, #tpu.memory_space<hbm>> -> memref<1x384xi32, #tpu.memory_space<hbm>>
        %dma_wait3A_163 = tpu.memref_squeeze %dma_wait3A_162 : memref<1x384xi32, #tpu.memory_space<hbm>> -> memref<384xi32, #tpu.memory_space<hbm>>
        tpu.wait_dma2 semaphore(%arg16 : memref<!tpu.dma_semaphore, #tpu.memory_space<semaphore_mem>>) src(%dma_wait3A_163 : memref<384xi32, #tpu.memory_space<hbm>>) dst(%dma_wait3A_160 : memref<384xi32, #tpu.memory_space<vmem>>)
        %add3A_164 = arith.addi %select_n3A_9, %add3A_148 : i32
        %dma_wait3A_165 = arith.constant 0 : i32
        %dma_wait3A_166 = tpu.memref_slice %arg9[%sub3A_150, %dma_wait3A_165] : memref<2x384xi32, #tpu.memory_space<vmem>> -> memref<1x384xi32, #tpu.memory_space<vmem>>
        %dma_wait3A_167 = tpu.memref_squeeze %dma_wait3A_166 : memref<1x384xi32, #tpu.memory_space<vmem>> -> memref<384xi32, #tpu.memory_space<vmem>>
        %dma_wait3A_168 = arith.constant 0 : i32
        %dma_wait3A_169 = tpu.memref_slice %arg5[%add3A_164, %dma_wait3A_168] : memref<2112x384xi32, #tpu.memory_space<hbm>> -> memref<1x384xi32, #tpu.memory_space<hbm>>
        %dma_wait3A_170 = tpu.memref_squeeze %dma_wait3A_169 : memref<1x384xi32, #tpu.memory_space<hbm>> -> memref<384xi32, #tpu.memory_space<hbm>>
        %dma_wait3A_171 = arith.constant 0 : i32
        %dma_wait3A_172 = tpu.memref_slice %arg9[%sub3A_150, %dma_wait3A_171] : memref<2x384xi32, #tpu.memory_space<vmem>> -> memref<1x384xi32, #tpu.memory_space<vmem>>
        %dma_wait3A_173 = tpu.memref_squeeze %dma_wait3A_172 : memref<1x384xi32, #tpu.memory_space<vmem>> -> memref<384xi32, #tpu.memory_space<vmem>>
        %dma_wait3A_174 = arith.constant 0 : i32
        %dma_wait3A_175 = tpu.memref_slice %arg5[%add3A_164, %dma_wait3A_174] : memref<2112x384xi32, #tpu.memory_space<hbm>> -> memref<1x384xi32, #tpu.memory_space<hbm>>
        %dma_wait3A_176 = tpu.memref_squeeze %dma_wait3A_175 : memref<1x384xi32, #tpu.memory_space<hbm>> -> memref<384xi32, #tpu.memory_space<hbm>>
        tpu.wait_dma2 semaphore(%arg16 : memref<!tpu.dma_semaphore, #tpu.memory_space<semaphore_mem>>) src(%dma_wait3A_176 : memref<384xi32, #tpu.memory_space<hbm>>) dst(%dma_wait3A_173 : memref<384xi32, #tpu.memory_space<vmem>>)
        %add3A_177 = arith.constant 1 : i32
        %add3A_178 = arith.addi %while3A_86, %add3A_177 : i32
        %sub3A_179 = arith.constant 1 : i32
        %sub3A_180 = arith.subi %sub3A_179, %rem3A_88 : i32
        %dma_start3A_181 = arith.constant 0 : i32
        %dma_start3A_182 = arith.constant 0 : i32
        %dma_start3A_183 = tpu.memref_slice %arg10[%sub3A_180, %dma_start3A_181, %dma_start3A_182] : memref<2x384x48xf32, #tpu.memory_space<vmem>> -> memref<1x384x48xf32, #tpu.memory_space<vmem>>
        %dma_start3A_184 = tpu.memref_squeeze %dma_start3A_183 : memref<1x384x48xf32, #tpu.memory_space<vmem>> -> memref<384x48xf32, #tpu.memory_space<vmem>>
        %dma_start3A_185 = arith.constant 0 : i32
        %dma_start3A_186 = tpu.memref_slice %arg8[%sub3A_180, %dma_start3A_185] : memref<2x384xi32, #tpu.memory_space<vmem>> -> memref<1x384xi32, #tpu.memory_space<vmem>>
        %dma_start3A_187 = tpu.memref_squeeze %dma_start3A_186 : memref<1x384xi32, #tpu.memory_space<vmem>> -> memref<384xi32, #tpu.memory_space<vmem>>
        %dma_start3A_188 = arith.constant 0 : i32
        %dma_start3A_189 = arith.constant 0 : i32
        %dma_start3A_190 = tpu.memref_slice %arg2[%dma_start3A_188, %dma_start3A_189] : memref<50176x48xf32, #tpu.memory_space<hbm>> -> memref<50176x48xf32, #tpu.memory_space<hbm>>
        tpu.enqueue_indirect_dma source(%dma_start3A_190 : memref<50176x48xf32, #tpu.memory_space<hbm>>) target(%dma_start3A_184 : memref<384x48xf32, #tpu.memory_space<vmem>>) offsets(%dma_start3A_187 : memref<384xi32, #tpu.memory_space<vmem>>) semaphore(%arg14 : memref<!tpu.dma_semaphore, #tpu.memory_space<semaphore_mem>>)
        %dma_start3A_191 = arith.constant 0 : i32
        %dma_start3A_192 = arith.constant 0 : i32
        %dma_start3A_193 = tpu.memref_slice %arg11[%sub3A_180, %dma_start3A_191, %dma_start3A_192] : memref<2x384x48xf32, #tpu.memory_space<vmem>> -> memref<1x384x48xf32, #tpu.memory_space<vmem>>
        %dma_start3A_194 = tpu.memref_squeeze %dma_start3A_193 : memref<1x384x48xf32, #tpu.memory_space<vmem>> -> memref<384x48xf32, #tpu.memory_space<vmem>>
        %dma_start3A_195 = arith.constant 0 : i32
        %dma_start3A_196 = tpu.memref_slice %arg9[%sub3A_180, %dma_start3A_195] : memref<2x384xi32, #tpu.memory_space<vmem>> -> memref<1x384xi32, #tpu.memory_space<vmem>>
        %dma_start3A_197 = tpu.memref_squeeze %dma_start3A_196 : memref<1x384xi32, #tpu.memory_space<vmem>> -> memref<384xi32, #tpu.memory_space<vmem>>
        %dma_start3A_198 = arith.constant 0 : i32
        %dma_start3A_199 = arith.constant 0 : i32
        %dma_start3A_200 = tpu.memref_slice %arg3[%dma_start3A_198, %dma_start3A_199] : memref<50176x48xf32, #tpu.memory_space<hbm>> -> memref<50176x48xf32, #tpu.memory_space<hbm>>
        tpu.enqueue_indirect_dma source(%dma_start3A_200 : memref<50176x48xf32, #tpu.memory_space<hbm>>) target(%dma_start3A_194 : memref<384x48xf32, #tpu.memory_space<vmem>>) offsets(%dma_start3A_197 : memref<384xi32, #tpu.memory_space<vmem>>) semaphore(%arg14 : memref<!tpu.dma_semaphore, #tpu.memory_space<semaphore_mem>>)
      } else {
      }
      %dma_wait3A_94 = arith.constant 0 : i32
      %dma_wait3A_95 = arith.constant 0 : i32
      %dma_wait3A_96 = tpu.memref_slice %arg10[%rem3A_88, %dma_wait3A_94, %dma_wait3A_95] : memref<2x384x48xf32, #tpu.memory_space<vmem>> -> memref<1x384x48xf32, #tpu.memory_space<vmem>>
      %dma_wait3A_97 = tpu.memref_squeeze %dma_wait3A_96 : memref<1x384x48xf32, #tpu.memory_space<vmem>> -> memref<384x48xf32, #tpu.memory_space<vmem>>
      %dma_wait3A_98 = arith.constant 0 : i32
      %dma_wait3A_99 = tpu.memref_slice %arg8[%rem3A_88, %dma_wait3A_98] : memref<2x384xi32, #tpu.memory_space<vmem>> -> memref<1x384xi32, #tpu.memory_space<vmem>>
      %dma_wait3A_100 = tpu.memref_squeeze %dma_wait3A_99 : memref<1x384xi32, #tpu.memory_space<vmem>> -> memref<384xi32, #tpu.memory_space<vmem>>
      %dma_wait3A_101 = arith.constant 0 : i32
      %dma_wait3A_102 = arith.constant 0 : i32
      %dma_wait3A_103 = tpu.memref_slice %arg2[%dma_wait3A_101, %dma_wait3A_102] : memref<50176x48xf32, #tpu.memory_space<hbm>> -> memref<50176x48xf32, #tpu.memory_space<hbm>>
      tpu.wait_indirect_dma semaphore(%arg14 : memref<!tpu.dma_semaphore, #tpu.memory_space<semaphore_mem>>) src(%dma_wait3A_103 : memref<50176x48xf32, #tpu.memory_space<hbm>>) dst(%dma_wait3A_97 : memref<384x48xf32, #tpu.memory_space<vmem>>)
      %dma_wait3A_104 = arith.constant 0 : i32
      %dma_wait3A_105 = arith.constant 0 : i32
      %dma_wait3A_106 = tpu.memref_slice %arg11[%rem3A_88, %dma_wait3A_104, %dma_wait3A_105] : memref<2x384x48xf32, #tpu.memory_space<vmem>> -> memref<1x384x48xf32, #tpu.memory_space<vmem>>
      %dma_wait3A_107 = tpu.memref_squeeze %dma_wait3A_106 : memref<1x384x48xf32, #tpu.memory_space<vmem>> -> memref<384x48xf32, #tpu.memory_space<vmem>>
      %dma_wait3A_108 = arith.constant 0 : i32
      %dma_wait3A_109 = tpu.memref_slice %arg9[%rem3A_88, %dma_wait3A_108] : memref<2x384xi32, #tpu.memory_space<vmem>> -> memref<1x384xi32, #tpu.memory_space<vmem>>
      %dma_wait3A_110 = tpu.memref_squeeze %dma_wait3A_109 : memref<1x384xi32, #tpu.memory_space<vmem>> -> memref<384xi32, #tpu.memory_space<vmem>>
      %dma_wait3A_111 = arith.constant 0 : i32
      %dma_wait3A_112 = arith.constant 0 : i32
      %dma_wait3A_113 = tpu.memref_slice %arg3[%dma_wait3A_111, %dma_wait3A_112] : memref<50176x48xf32, #tpu.memory_space<hbm>> -> memref<50176x48xf32, #tpu.memory_space<hbm>>
      tpu.wait_indirect_dma semaphore(%arg14 : memref<!tpu.dma_semaphore, #tpu.memory_space<semaphore_mem>>) src(%dma_wait3A_113 : memref<50176x48xf32, #tpu.memory_space<hbm>>) dst(%dma_wait3A_107 : memref<384x48xf32, #tpu.memory_space<vmem>>)
      %add3A_114 = arith.constant 2 : i32
      %add3A_115 = arith.addi %while3A_86, %add3A_114 : i32
      %lt3A_116 = arith.cmpi slt, %add3A_115, %select_n3A_2 : i32
      %convert_element_type3A_117 = arith.extui %lt3A_116 : i1 to i32
      %cond3A_118 = arith.constant 0 : i32
      %cond3A_119 = arith.cmpi ne, %convert_element_type3A_117, %cond3A_118 : i32
      scf.if %cond3A_119 {
        %add3A_147 = arith.constant 2 : i32
        %add3A_148 = arith.addi %while3A_86, %add3A_147 : i32
        %add3A_149 = arith.addi %select_n3A_9, %add3A_148 : i32
        %dma_start3A_150 = arith.constant 0 : i32
        %dma_start3A_151 = tpu.memref_slice %arg8[%rem3A_88, %dma_start3A_150] : memref<2x384xi32, #tpu.memory_space<vmem>> -> memref<1x384xi32, #tpu.memory_space<vmem>>
        %dma_start3A_152 = tpu.memref_squeeze %dma_start3A_151 : memref<1x384xi32, #tpu.memory_space<vmem>> -> memref<384xi32, #tpu.memory_space<vmem>>
        %dma_start3A_153 = arith.constant 0 : i32
        %dma_start3A_154 = tpu.memref_slice %arg4[%add3A_149, %dma_start3A_153] : memref<2112x384xi32, #tpu.memory_space<hbm>> -> memref<1x384xi32, #tpu.memory_space<hbm>>
        %dma_start3A_155 = tpu.memref_squeeze %dma_start3A_154 : memref<1x384xi32, #tpu.memory_space<hbm>> -> memref<384xi32, #tpu.memory_space<hbm>>
        %dma_start3A_156 = arith.constant 0 : i32
        %dma_start3A_157 = tpu.memref_slice %arg8[%rem3A_88, %dma_start3A_156] : memref<2x384xi32, #tpu.memory_space<vmem>> -> memref<1x384xi32, #tpu.memory_space<vmem>>
        %dma_start3A_158 = tpu.memref_squeeze %dma_start3A_157 : memref<1x384xi32, #tpu.memory_space<vmem>> -> memref<384xi32, #tpu.memory_space<vmem>>
        %dma_start3A_159 = arith.constant 0 : i32
        %dma_start3A_160 = tpu.memref_slice %arg4[%add3A_149, %dma_start3A_159] : memref<2112x384xi32, #tpu.memory_space<hbm>> -> memref<1x384xi32, #tpu.memory_space<hbm>>
        %dma_start3A_161 = tpu.memref_squeeze %dma_start3A_160 : memref<1x384xi32, #tpu.memory_space<hbm>> -> memref<384xi32, #tpu.memory_space<hbm>>
        tpu.enqueue_dma source(%dma_start3A_161 : memref<384xi32, #tpu.memory_space<hbm>>) target(%dma_start3A_158 : memref<384xi32, #tpu.memory_space<vmem>>) target_semaphore(%arg16 : memref<!tpu.dma_semaphore, #tpu.memory_space<semaphore_mem>>)
        %add3A_162 = arith.addi %select_n3A_9, %add3A_148 : i32
        %dma_start3A_163 = arith.constant 0 : i32
        %dma_start3A_164 = tpu.memref_slice %arg9[%rem3A_88, %dma_start3A_163] : memref<2x384xi32, #tpu.memory_space<vmem>> -> memref<1x384xi32, #tpu.memory_space<vmem>>
        %dma_start3A_165 = tpu.memref_squeeze %dma_start3A_164 : memref<1x384xi32, #tpu.memory_space<vmem>> -> memref<384xi32, #tpu.memory_space<vmem>>
        %dma_start3A_166 = arith.constant 0 : i32
        %dma_start3A_167 = tpu.memref_slice %arg5[%add3A_162, %dma_start3A_166] : memref<2112x384xi32, #tpu.memory_space<hbm>> -> memref<1x384xi32, #tpu.memory_space<hbm>>
        %dma_start3A_168 = tpu.memref_squeeze %dma_start3A_167 : memref<1x384xi32, #tpu.memory_space<hbm>> -> memref<384xi32, #tpu.memory_space<hbm>>
        %dma_start3A_169 = arith.constant 0 : i32
        %dma_start3A_170 = tpu.memref_slice %arg9[%rem3A_88, %dma_start3A_169] : memref<2x384xi32, #tpu.memory_space<vmem>> -> memref<1x384xi32, #tpu.memory_space<vmem>>
        %dma_start3A_171 = tpu.memref_squeeze %dma_start3A_170 : memref<1x384xi32, #tpu.memory_space<vmem>> -> memref<384xi32, #tpu.memory_space<vmem>>
        %dma_start3A_172 = arith.constant 0 : i32
        %dma_start3A_173 = tpu.memref_slice %arg5[%add3A_162, %dma_start3A_172] : memref<2112x384xi32, #tpu.memory_space<hbm>> -> memref<1x384xi32, #tpu.memory_space<hbm>>
        %dma_start3A_174 = tpu.memref_squeeze %dma_start3A_173 : memref<1x384xi32, #tpu.memory_space<hbm>> -> memref<384xi32, #tpu.memory_space<hbm>>
        tpu.enqueue_dma source(%dma_start3A_174 : memref<384xi32, #tpu.memory_space<hbm>>) target(%dma_start3A_171 : memref<384xi32, #tpu.memory_space<vmem>>) target_semaphore(%arg16 : memref<!tpu.dma_semaphore, #tpu.memory_space<semaphore_mem>>)
      } else {
      }
      %ge3A = arith.constant 2 : i32
      %ge3A_120 = arith.cmpi sge, %while3A_86, %ge3A : i32
      %convert_element_type3A_121 = arith.extui %ge3A_120 : i1 to i32
      %cond3A_122 = arith.constant 0 : i32
      %cond3A_123 = arith.cmpi ne, %convert_element_type3A_121, %cond3A_122 : i32
      scf.if %cond3A_123 {
        %sub3A_147 = arith.constant 2 : i32
        %sub3A_148 = arith.subi %while3A_86, %sub3A_147 : i32
        %mul3A_149 = arith.constant 96 : i32
        %mul3A_150 = arith.muli %sub3A_148, %mul3A_149 : i32
        %add3A_151 = arith.addi %mul3A_11, %mul3A_150 : i32
        %dma_wait3A_152 = arith.constant 0 : i32
        %dma_wait3A_153 = arith.constant 0 : i32
        %dma_wait3A_154 = tpu.memref_slice %arg12[%rem3A_88, %dma_wait3A_152, %dma_wait3A_153] : memref<2x96x128xf32, #tpu.memory_space<vmem>> -> memref<1x96x128xf32, #tpu.memory_space<vmem>>
        %dma_wait3A_155 = tpu.memref_squeeze %dma_wait3A_154 : memref<1x96x128xf32, #tpu.memory_space<vmem>> -> memref<96x128xf32, #tpu.memory_space<vmem>>
        %dma_wait3A_156 = arith.constant 0 : i32
        %dma_wait3A_157 = tpu.memref_slice %arg7[%add3A_151, %dma_wait3A_156] : memref<202752x128xf32, #tpu.memory_space<hbm>> -> memref<96x128xf32, #tpu.memory_space<hbm>>
        %dma_wait3A_158 = arith.constant 0 : i32
        %dma_wait3A_159 = tpu.memref_slice %arg7[%add3A_151, %dma_wait3A_158] : memref<202752x128xf32, #tpu.memory_space<hbm>> -> memref<96x128xf32, #tpu.memory_space<hbm>>
        %dma_wait3A_160 = arith.constant 0 : i32
        %dma_wait3A_161 = arith.constant 0 : i32
        %dma_wait3A_162 = tpu.memref_slice %arg12[%rem3A_88, %dma_wait3A_160, %dma_wait3A_161] : memref<2x96x128xf32, #tpu.memory_space<vmem>> -> memref<1x96x128xf32, #tpu.memory_space<vmem>>
        %dma_wait3A_163 = tpu.memref_squeeze %dma_wait3A_162 : memref<1x96x128xf32, #tpu.memory_space<vmem>> -> memref<96x128xf32, #tpu.memory_space<vmem>>
        tpu.wait_dma2 semaphore(%arg15 : memref<!tpu.dma_semaphore, #tpu.memory_space<semaphore_mem>>) src(%dma_wait3A_163 : memref<96x128xf32, #tpu.memory_space<vmem>>) dst(%dma_wait3A_159 : memref<96x128xf32, #tpu.memory_space<hbm>>)
      } else {
      }
      %get3A = arith.constant 0 : index
      %get3A_124 = tpu.vector_load %arg13[%get3A] {strides = array<i32>} : memref<32xf32, #tpu.memory_space<vmem>>, vector<16xf32>,
      %get3A_125 = arith.constant 16 : index
      %get3A_126 = tpu.vector_load %arg13[%get3A_125] {strides = array<i32>} : memref<32xf32, #tpu.memory_space<vmem>>, vector<16xf32>,
      %scan3A = arith.constant 0 : i32
      %scan3A_127 = arith.constant 0 : i32
      %scan3A_128 = arith.constant 96 : i32
      %scan3A_129 = arith.addi %scan3A_127, %scan3A_128 : i32
      %scan3A_130 = arith.constant 1 : i32
      scf.for %scan3A_147 = %scan3A_127 to %scan3A_129 step %scan3A_130  : i32 {
        %mul3A_148 = arith.constant 4 : i32
        %mul3A_149 = arith.muli %scan3A_147, %mul3A_148 : i32
        %add3A_150 = arith.constant 0 : i32
        %add3A_151 = arith.addi %mul3A_149, %add3A_150 : i32
        %get3A_152 = arith.index_cast %rem3A_88 : i32 to index
        %get3A_153 = arith.index_cast %add3A_151 : i32 to index
        %get3A_154 = arith.constant 32 : index
        %get3A_155 = tpu.vector_load %arg10[%get3A_152, %get3A_153, %get3A_154] {strides = array<i32>} : memref<2x384x48xf32, #tpu.memory_space<vmem>>, vector<16xf32>,
        %get3A_156 = arith.index_cast %rem3A_88 : i32 to index
        %get3A_157 = arith.index_cast %add3A_151 : i32 to index
        %get3A_158 = arith.constant 32 : index
        %get3A_159 = tpu.vector_load %arg11[%get3A_156, %get3A_157, %get3A_158] {strides = array<i32>} : memref<2x384x48xf32, #tpu.memory_space<vmem>>, vector<16xf32>,
        %sub3A_160 = arith.subf %get3A_155, %get3A_159 : vector<16xf32>
        %mul3A_161 = arith.mulf %sub3A_160, %sub3A_160 : vector<16xf32>
        %reduce_sum3A = arith.constant true
        %reduce_sum3A_162 = vector.broadcast %reduce_sum3A : i1 to vector<16xi1>
        %reduce_sum3A_163 = tpu.scan <sum>, %mul3A_161 masked %reduce_sum3A_162 : vector<16xf32>, vector<16xi1> -> vector<16xf32>
        %reduce_sum3A_164 = vector.extract %reduce_sum3A_163[15] : f32 from vector<16xf32>
        %get3A_165 = arith.index_cast %rem3A_88 : i32 to index
        %get3A_166 = arith.index_cast %add3A_151 : i32 to index
        %get3A_167 = arith.constant 0 : index
        %get3A_168 = tpu.vector_load %arg10[%get3A_165, %get3A_166, %get3A_167] {strides = array<i32>} : memref<2x384x48xf32, #tpu.memory_space<vmem>>, vector<16xf32>,
        %get3A_169 = arith.index_cast %rem3A_88 : i32 to index
        %get3A_170 = arith.index_cast %add3A_151 : i32 to index
        %get3A_171 = arith.constant 0 : index
        %get3A_172 = tpu.vector_load %arg11[%get3A_169, %get3A_170, %get3A_171] {strides = array<i32>} : memref<2x384x48xf32, #tpu.memory_space<vmem>>, vector<16xf32>,
        %add3A_173 = arith.addf %get3A_168, %get3A_172 : vector<16xf32>
        %mul3A_174 = vector.broadcast %reduce_sum3A_164 : f32 to vector<16xf32>
        %mul3A_175 = arith.mulf %mul3A_174, %get3A_124 : vector<16xf32>
        %add3A_176 = arith.addf %add3A_173, %mul3A_175 : vector<16xf32>
        %get3A_177 = arith.index_cast %rem3A_88 : i32 to index
        %get3A_178 = arith.index_cast %add3A_151 : i32 to index
        %get3A_179 = arith.constant 16 : index
        %get3A_180 = tpu.vector_load %arg10[%get3A_177, %get3A_178, %get3A_179] {strides = array<i32>} : memref<2x384x48xf32, #tpu.memory_space<vmem>>, vector<16xf32>,
        %get3A_181 = arith.index_cast %rem3A_88 : i32 to index
        %get3A_182 = arith.index_cast %add3A_151 : i32 to index
        %get3A_183 = arith.constant 16 : index
        %get3A_184 = tpu.vector_load %arg11[%get3A_181, %get3A_182, %get3A_183] {strides = array<i32>} : memref<2x384x48xf32, #tpu.memory_space<vmem>>, vector<16xf32>,
        %add3A_185 = arith.addf %get3A_180, %get3A_184 : vector<16xf32>
        %mul3A_186 = vector.broadcast %reduce_sum3A_164 : f32 to vector<16xf32>
        %mul3A_187 = arith.mulf %mul3A_186, %get3A_126 : vector<16xf32>
        %add3A_188 = arith.addf %add3A_185, %mul3A_187 : vector<16xf32>
        %swap3A = arith.index_cast %rem3A_88 : i32 to index
        %swap3A_189 = arith.index_cast %scan3A_147 : i32 to index
        %swap3A_190 = arith.constant 0 : index
        %swap3A_191 = tpu.vector_load %arg12[%swap3A, %swap3A_189, %swap3A_190] {strides = array<i32>} : memref<2x96x128xf32, #tpu.memory_space<vmem>>, vector<16xf32>,
        tpu.vector_store %arg12[%swap3A, %swap3A_189, %swap3A_190], %add3A_176 {strides = array<i32>} : memref<2x96x128xf32, #tpu.memory_space<vmem>>, vector<16xf32>,
        %swap3A_192 = arith.index_cast %rem3A_88 : i32 to index
        %swap3A_193 = arith.index_cast %scan3A_147 : i32 to index
        %swap3A_194 = arith.constant 16 : index
        %swap3A_195 = tpu.vector_load %arg12[%swap3A_192, %swap3A_193, %swap3A_194] {strides = array<i32>} : memref<2x96x128xf32, #tpu.memory_space<vmem>>, vector<16xf32>,
        tpu.vector_store %arg12[%swap3A_192, %swap3A_193, %swap3A_194], %add3A_188 {strides = array<i32>} : memref<2x96x128xf32, #tpu.memory_space<vmem>>, vector<16xf32>,
        %mul3A_196 = arith.constant 4 : i32
        %mul3A_197 = arith.muli %scan3A_147, %mul3A_196 : i32
        %add3A_198 = arith.constant 1 : i32
        %add3A_199 = arith.addi %mul3A_197, %add3A_198 : i32
        %get3A_200 = arith.index_cast %rem3A_88 : i32 to index
        %get3A_201 = arith.index_cast %add3A_199 : i32 to index
        %get3A_202 = arith.constant 32 : index
        %get3A_203 = tpu.vector_load %arg10[%get3A_200, %get3A_201, %get3A_202] {strides = array<i32>} : memref<2x384x48xf32, #tpu.memory_space<vmem>>, vector<16xf32>,
        %get3A_204 = arith.index_cast %rem3A_88 : i32 to index
        %get3A_205 = arith.index_cast %add3A_199 : i32 to index
        %get3A_206 = arith.constant 32 : index
        %get3A_207 = tpu.vector_load %arg11[%get3A_204, %get3A_205, %get3A_206] {strides = array<i32>} : memref<2x384x48xf32, #tpu.memory_space<vmem>>, vector<16xf32>,
        %sub3A_208 = arith.subf %get3A_203, %get3A_207 : vector<16xf32>
        %mul3A_209 = arith.mulf %sub3A_208, %sub3A_208 : vector<16xf32>
        %reduce_sum3A_210 = arith.constant true
        %reduce_sum3A_211 = vector.broadcast %reduce_sum3A_210 : i1 to vector<16xi1>
        %reduce_sum3A_212 = tpu.scan <sum>, %mul3A_209 masked %reduce_sum3A_211 : vector<16xf32>, vector<16xi1> -> vector<16xf32>
        %reduce_sum3A_213 = vector.extract %reduce_sum3A_212[15] : f32 from vector<16xf32>
        %get3A_214 = arith.index_cast %rem3A_88 : i32 to index
        %get3A_215 = arith.index_cast %add3A_199 : i32 to index
        %get3A_216 = arith.constant 0 : index
        %get3A_217 = tpu.vector_load %arg10[%get3A_214, %get3A_215, %get3A_216] {strides = array<i32>} : memref<2x384x48xf32, #tpu.memory_space<vmem>>, vector<16xf32>,
        %get3A_218 = arith.index_cast %rem3A_88 : i32 to index
        %get3A_219 = arith.index_cast %add3A_199 : i32 to index
        %get3A_220 = arith.constant 0 : index
        %get3A_221 = tpu.vector_load %arg11[%get3A_218, %get3A_219, %get3A_220] {strides = array<i32>} : memref<2x384x48xf32, #tpu.memory_space<vmem>>, vector<16xf32>,
        %add3A_222 = arith.addf %get3A_217, %get3A_221 : vector<16xf32>
        %mul3A_223 = vector.broadcast %reduce_sum3A_213 : f32 to vector<16xf32>
        %mul3A_224 = arith.mulf %mul3A_223, %get3A_124 : vector<16xf32>
        %add3A_225 = arith.addf %add3A_222, %mul3A_224 : vector<16xf32>
        %get3A_226 = arith.index_cast %rem3A_88 : i32 to index
        %get3A_227 = arith.index_cast %add3A_199 : i32 to index
        %get3A_228 = arith.constant 16 : index
        %get3A_229 = tpu.vector_load %arg10[%get3A_226, %get3A_227, %get3A_228] {strides = array<i32>} : memref<2x384x48xf32, #tpu.memory_space<vmem>>, vector<16xf32>,
        %get3A_230 = arith.index_cast %rem3A_88 : i32 to index
        %get3A_231 = arith.index_cast %add3A_199 : i32 to index
        %get3A_232 = arith.constant 16 : index
        %get3A_233 = tpu.vector_load %arg11[%get3A_230, %get3A_231, %get3A_232] {strides = array<i32>} : memref<2x384x48xf32, #tpu.memory_space<vmem>>, vector<16xf32>,
        %add3A_234 = arith.addf %get3A_229, %get3A_233 : vector<16xf32>
        %mul3A_235 = vector.broadcast %reduce_sum3A_213 : f32 to vector<16xf32>
        %mul3A_236 = arith.mulf %mul3A_235, %get3A_126 : vector<16xf32>
        %add3A_237 = arith.addf %add3A_234, %mul3A_236 : vector<16xf32>
        %swap3A_238 = arith.index_cast %rem3A_88 : i32 to index
        %swap3A_239 = arith.index_cast %scan3A_147 : i32 to index
        %swap3A_240 = arith.constant 32 : index
        %swap3A_241 = tpu.vector_load %arg12[%swap3A_238, %swap3A_239, %swap3A_240] {strides = array<i32>} : memref<2x96x128xf32, #tpu.memory_space<vmem>>, vector<16xf32>,
        tpu.vector_store %arg12[%swap3A_238, %swap3A_239, %swap3A_240], %add3A_225 {strides = array<i32>} : memref<2x96x128xf32, #tpu.memory_space<vmem>>, vector<16xf32>,
        %swap3A_242 = arith.index_cast %rem3A_88 : i32 to index
        %swap3A_243 = arith.index_cast %scan3A_147 : i32 to index
        %swap3A_244 = arith.constant 48 : index
        %swap3A_245 = tpu.vector_load %arg12[%swap3A_242, %swap3A_243, %swap3A_244] {strides = array<i32>} : memref<2x96x128xf32, #tpu.memory_space<vmem>>, vector<16xf32>,
        tpu.vector_store %arg12[%swap3A_242, %swap3A_243, %swap3A_244], %add3A_237 {strides = array<i32>} : memref<2x96x128xf32, #tpu.memory_space<vmem>>, vector<16xf32>,
        %mul3A_246 = arith.constant 4 : i32
        %mul3A_247 = arith.muli %scan3A_147, %mul3A_246 : i32
        %add3A_248 = arith.constant 2 : i32
        %add3A_249 = arith.addi %mul3A_247, %add3A_248 : i32
        %get3A_250 = arith.index_cast %rem3A_88 : i32 to index
        %get3A_251 = arith.index_cast %add3A_249 : i32 to index
        %get3A_252 = arith.constant 32 : index
        %get3A_253 = tpu.vector_load %arg10[%get3A_250, %get3A_251, %get3A_252] {strides = array<i32>} : memref<2x384x48xf32, #tpu.memory_space<vmem>>, vector<16xf32>,
        %get3A_254 = arith.index_cast %rem3A_88 : i32 to index
        %get3A_255 = arith.index_cast %add3A_249 : i32 to index
        %get3A_256 = arith.constant 32 : index
        %get3A_257 = tpu.vector_load %arg11[%get3A_254, %get3A_255, %get3A_256] {strides = array<i32>} : memref<2x384x48xf32, #tpu.memory_space<vmem>>, vector<16xf32>,
        %sub3A_258 = arith.subf %get3A_253, %get3A_257 : vector<16xf32>
        %mul3A_259 = arith.mulf %sub3A_258, %sub3A_258 : vector<16xf32>
        %reduce_sum3A_260 = arith.constant true
        %reduce_sum3A_261 = vector.broadcast %reduce_sum3A_260 : i1 to vector<16xi1>
        %reduce_sum3A_262 = tpu.scan <sum>, %mul3A_259 masked %reduce_sum3A_261 : vector<16xf32>, vector<16xi1> -> vector<16xf32>
        %reduce_sum3A_263 = vector.extract %reduce_sum3A_262[15] : f32 from vector<16xf32>
        %get3A_264 = arith.index_cast %rem3A_88 : i32 to index
        %get3A_265 = arith.index_cast %add3A_249 : i32 to index
        %get3A_266 = arith.constant 0 : index
        %get3A_267 = tpu.vector_load %arg10[%get3A_264, %get3A_265, %get3A_266] {strides = array<i32>} : memref<2x384x48xf32, #tpu.memory_space<vmem>>, vector<16xf32>,
        %get3A_268 = arith.index_cast %rem3A_88 : i32 to index
        %get3A_269 = arith.index_cast %add3A_249 : i32 to index
        %get3A_270 = arith.constant 0 : index
        %get3A_271 = tpu.vector_load %arg11[%get3A_268, %get3A_269, %get3A_270] {strides = array<i32>} : memref<2x384x48xf32, #tpu.memory_space<vmem>>, vector<16xf32>,
        %add3A_272 = arith.addf %get3A_267, %get3A_271 : vector<16xf32>
        %mul3A_273 = vector.broadcast %reduce_sum3A_263 : f32 to vector<16xf32>
        %mul3A_274 = arith.mulf %mul3A_273, %get3A_124 : vector<16xf32>
        %add3A_275 = arith.addf %add3A_272, %mul3A_274 : vector<16xf32>
        %get3A_276 = arith.index_cast %rem3A_88 : i32 to index
        %get3A_277 = arith.index_cast %add3A_249 : i32 to index
        %get3A_278 = arith.constant 16 : index
        %get3A_279 = tpu.vector_load %arg10[%get3A_276, %get3A_277, %get3A_278] {strides = array<i32>} : memref<2x384x48xf32, #tpu.memory_space<vmem>>, vector<16xf32>,
        %get3A_280 = arith.index_cast %rem3A_88 : i32 to index
        %get3A_281 = arith.index_cast %add3A_249 : i32 to index
        %get3A_282 = arith.constant 16 : index
        %get3A_283 = tpu.vector_load %arg11[%get3A_280, %get3A_281, %get3A_282] {strides = array<i32>} : memref<2x384x48xf32, #tpu.memory_space<vmem>>, vector<16xf32>,
        %add3A_284 = arith.addf %get3A_279, %get3A_283 : vector<16xf32>
        %mul3A_285 = vector.broadcast %reduce_sum3A_263 : f32 to vector<16xf32>
        %mul3A_286 = arith.mulf %mul3A_285, %get3A_126 : vector<16xf32>
        %add3A_287 = arith.addf %add3A_284, %mul3A_286 : vector<16xf32>
        %swap3A_288 = arith.index_cast %rem3A_88 : i32 to index
        %swap3A_289 = arith.index_cast %scan3A_147 : i32 to index
        %swap3A_290 = arith.constant 64 : index
        %swap3A_291 = tpu.vector_load %arg12[%swap3A_288, %swap3A_289, %swap3A_290] {strides = array<i32>} : memref<2x96x128xf32, #tpu.memory_space<vmem>>, vector<16xf32>,
        tpu.vector_store %arg12[%swap3A_288, %swap3A_289, %swap3A_290], %add3A_275 {strides = array<i32>} : memref<2x96x128xf32, #tpu.memory_space<vmem>>, vector<16xf32>,
        %swap3A_292 = arith.index_cast %rem3A_88 : i32 to index
        %swap3A_293 = arith.index_cast %scan3A_147 : i32 to index
        %swap3A_294 = arith.constant 80 : index
        %swap3A_295 = tpu.vector_load %arg12[%swap3A_292, %swap3A_293, %swap3A_294] {strides = array<i32>} : memref<2x96x128xf32, #tpu.memory_space<vmem>>, vector<16xf32>,
        tpu.vector_store %arg12[%swap3A_292, %swap3A_293, %swap3A_294], %add3A_287 {strides = array<i32>} : memref<2x96x128xf32, #tpu.memory_space<vmem>>, vector<16xf32>,
        %mul3A_296 = arith.constant 4 : i32
        %mul3A_297 = arith.muli %scan3A_147, %mul3A_296 : i32
        %add3A_298 = arith.constant 3 : i32
        %add3A_299 = arith.addi %mul3A_297, %add3A_298 : i32
        %get3A_300 = arith.index_cast %rem3A_88 : i32 to index
        %get3A_301 = arith.index_cast %add3A_299 : i32 to index
        %get3A_302 = arith.constant 32 : index
        %get3A_303 = tpu.vector_load %arg10[%get3A_300, %get3A_301, %get3A_302] {strides = array<i32>} : memref<2x384x48xf32, #tpu.memory_space<vmem>>, vector<16xf32>,
        %get3A_304 = arith.index_cast %rem3A_88 : i32 to index
        %get3A_305 = arith.index_cast %add3A_299 : i32 to index
        %get3A_306 = arith.constant 32 : index
        %get3A_307 = tpu.vector_load %arg11[%get3A_304, %get3A_305, %get3A_306] {strides = array<i32>} : memref<2x384x48xf32, #tpu.memory_space<vmem>>, vector<16xf32>,
        %sub3A_308 = arith.subf %get3A_303, %get3A_307 : vector<16xf32>
        %mul3A_309 = arith.mulf %sub3A_308, %sub3A_308 : vector<16xf32>
        %reduce_sum3A_310 = arith.constant true
        %reduce_sum3A_311 = vector.broadcast %reduce_sum3A_310 : i1 to vector<16xi1>
        %reduce_sum3A_312 = tpu.scan <sum>, %mul3A_309 masked %reduce_sum3A_311 : vector<16xf32>, vector<16xi1> -> vector<16xf32>
        %reduce_sum3A_313 = vector.extract %reduce_sum3A_312[15] : f32 from vector<16xf32>
        %get3A_314 = arith.index_cast %rem3A_88 : i32 to index
        %get3A_315 = arith.index_cast %add3A_299 : i32 to index
        %get3A_316 = arith.constant 0 : index
        %get3A_317 = tpu.vector_load %arg10[%get3A_314, %get3A_315, %get3A_316] {strides = array<i32>} : memref<2x384x48xf32, #tpu.memory_space<vmem>>, vector<16xf32>,
        %get3A_318 = arith.index_cast %rem3A_88 : i32 to index
        %get3A_319 = arith.index_cast %add3A_299 : i32 to index
        %get3A_320 = arith.constant 0 : index
        %get3A_321 = tpu.vector_load %arg11[%get3A_318, %get3A_319, %get3A_320] {strides = array<i32>} : memref<2x384x48xf32, #tpu.memory_space<vmem>>, vector<16xf32>,
        %add3A_322 = arith.addf %get3A_317, %get3A_321 : vector<16xf32>
        %mul3A_323 = vector.broadcast %reduce_sum3A_313 : f32 to vector<16xf32>
        %mul3A_324 = arith.mulf %mul3A_323, %get3A_124 : vector<16xf32>
        %add3A_325 = arith.addf %add3A_322, %mul3A_324 : vector<16xf32>
        %get3A_326 = arith.index_cast %rem3A_88 : i32 to index
        %get3A_327 = arith.index_cast %add3A_299 : i32 to index
        %get3A_328 = arith.constant 16 : index
        %get3A_329 = tpu.vector_load %arg10[%get3A_326, %get3A_327, %get3A_328] {strides = array<i32>} : memref<2x384x48xf32, #tpu.memory_space<vmem>>, vector<16xf32>,
        %get3A_330 = arith.index_cast %rem3A_88 : i32 to index
        %get3A_331 = arith.index_cast %add3A_299 : i32 to index
        %get3A_332 = arith.constant 16 : index
        %get3A_333 = tpu.vector_load %arg11[%get3A_330, %get3A_331, %get3A_332] {strides = array<i32>} : memref<2x384x48xf32, #tpu.memory_space<vmem>>, vector<16xf32>,
        %add3A_334 = arith.addf %get3A_329, %get3A_333 : vector<16xf32>
        %mul3A_335 = vector.broadcast %reduce_sum3A_313 : f32 to vector<16xf32>
        %mul3A_336 = arith.mulf %mul3A_335, %get3A_126 : vector<16xf32>
        %add3A_337 = arith.addf %add3A_334, %mul3A_336 : vector<16xf32>
        %swap3A_338 = arith.index_cast %rem3A_88 : i32 to index
        %swap3A_339 = arith.index_cast %scan3A_147 : i32 to index
        %swap3A_340 = arith.constant 96 : index
        %swap3A_341 = tpu.vector_load %arg12[%swap3A_338, %swap3A_339, %swap3A_340] {strides = array<i32>} : memref<2x96x128xf32, #tpu.memory_space<vmem>>, vector<16xf32>,
        tpu.vector_store %arg12[%swap3A_338, %swap3A_339, %swap3A_340], %add3A_325 {strides = array<i32>} : memref<2x96x128xf32, #tpu.memory_space<vmem>>, vector<16xf32>,
        %swap3A_342 = arith.index_cast %rem3A_88 : i32 to index
        %swap3A_343 = arith.index_cast %scan3A_147 : i32 to index
        %swap3A_344 = arith.constant 112 : index
        %swap3A_345 = tpu.vector_load %arg12[%swap3A_342, %swap3A_343, %swap3A_344] {strides = array<i32>} : memref<2x96x128xf32, #tpu.memory_space<vmem>>, vector<16xf32>,
        tpu.vector_store %arg12[%swap3A_342, %swap3A_343, %swap3A_344], %add3A_337 {strides = array<i32>} : memref<2x96x128xf32, #tpu.memory_space<vmem>>, vector<16xf32>,
      }
      %scan3A_131 = arith.constant 96 : i32
      %mul3A_132 = arith.constant 96 : i32
      %mul3A_133 = arith.muli %while3A_86, %mul3A_132 : i32
      %add3A_134 = arith.addi %mul3A_11, %mul3A_133 : i32
      %dma_start3A_135 = arith.constant 0 : i32
      %dma_start3A_136 = arith.constant 0 : i32
      %dma_start3A_137 = tpu.memref_slice %arg12[%rem3A_88, %dma_start3A_135, %dma_start3A_136] : memref<2x96x128xf32, #tpu.memory_space<vmem>> -> memref<1x96x128xf32, #tpu.memory_space<vmem>>
      %dma_start3A_138 = tpu.memref_squeeze %dma_start3A_137 : memref<1x96x128xf32, #tpu.memory_space<vmem>> -> memref<96x128xf32, #tpu.memory_space<vmem>>
      %dma_start3A_139 = arith.constant 0 : i32
      %dma_start3A_140 = tpu.memref_slice %arg7[%add3A_134, %dma_start3A_139] : memref<202752x128xf32, #tpu.memory_space<hbm>> -> memref<96x128xf32, #tpu.memory_space<hbm>>
      %dma_start3A_141 = arith.constant 0 : i32
      %dma_start3A_142 = tpu.memref_slice %arg7[%add3A_134, %dma_start3A_141] : memref<202752x128xf32, #tpu.memory_space<hbm>> -> memref<96x128xf32, #tpu.memory_space<hbm>>
      %dma_start3A_143 = arith.constant 0 : i32
      %dma_start3A_144 = arith.constant 0 : i32
      %dma_start3A_145 = tpu.memref_slice %arg12[%rem3A_88, %dma_start3A_143, %dma_start3A_144] : memref<2x96x128xf32, #tpu.memory_space<vmem>> -> memref<1x96x128xf32, #tpu.memory_space<vmem>>
      %dma_start3A_146 = tpu.memref_squeeze %dma_start3A_145 : memref<1x96x128xf32, #tpu.memory_space<vmem>> -> memref<96x128xf32, #tpu.memory_space<vmem>>
      tpu.enqueue_dma source(%dma_start3A_146 : memref<96x128xf32, #tpu.memory_space<vmem>>) target(%dma_start3A_142 : memref<96x128xf32, #tpu.memory_space<hbm>>) target_semaphore(%arg15 : memref<!tpu.dma_semaphore, #tpu.memory_space<semaphore_mem>>)
    }
    %while3A_46 = arith.constant 1 : i32
    scf.for %while3A_86 = %while3A_44 to %while3A_40 step %while3A_46  : i32 {
      %rem3A_87 = arith.constant 2 : i32
      %rem3A_88 = arith.remsi %while3A_86, %rem3A_87 : i32
      %add3A_89 = arith.constant 1 : i32
      %add3A_90 = arith.addi %while3A_86, %add3A_89 : i32
      %lt3A = arith.cmpi slt, %add3A_90, %select_n3A_2 : i32
      %convert_element_type3A_91 = arith.extui %lt3A : i1 to i32
      %cond3A_92 = arith.constant 0 : i32
      %cond3A_93 = arith.cmpi ne, %convert_element_type3A_91, %cond3A_92 : i32
      scf.if %cond3A_93 {
        %add3A_147 = arith.constant 1 : i32
        %add3A_148 = arith.addi %while3A_86, %add3A_147 : i32
        %sub3A_149 = arith.constant 1 : i32
        %sub3A_150 = arith.subi %sub3A_149, %rem3A_88 : i32
        %add3A_151 = arith.addi %select_n3A_9, %add3A_148 : i32
        %dma_wait3A_152 = arith.constant 0 : i32
        %dma_wait3A_153 = tpu.memref_slice %arg8[%sub3A_150, %dma_wait3A_152] : memref<2x384xi32, #tpu.memory_space<vmem>> -> memref<1x384xi32, #tpu.memory_space<vmem>>
        %dma_wait3A_154 = tpu.memref_squeeze %dma_wait3A_153 : memref<1x384xi32, #tpu.memory_space<vmem>> -> memref<384xi32, #tpu.memory_space<vmem>>
        %dma_wait3A_155 = arith.constant 0 : i32
        %dma_wait3A_156 = tpu.memref_slice %arg4[%add3A_151, %dma_wait3A_155] : memref<2112x384xi32, #tpu.memory_space<hbm>> -> memref<1x384xi32, #tpu.memory_space<hbm>>
        %dma_wait3A_157 = tpu.memref_squeeze %dma_wait3A_156 : memref<1x384xi32, #tpu.memory_space<hbm>> -> memref<384xi32, #tpu.memory_space<hbm>>
        %dma_wait3A_158 = arith.constant 0 : i32
        %dma_wait3A_159 = tpu.memref_slice %arg8[%sub3A_150, %dma_wait3A_158] : memref<2x384xi32, #tpu.memory_space<vmem>> -> memref<1x384xi32, #tpu.memory_space<vmem>>
        %dma_wait3A_160 = tpu.memref_squeeze %dma_wait3A_159 : memref<1x384xi32, #tpu.memory_space<vmem>> -> memref<384xi32, #tpu.memory_space<vmem>>
        %dma_wait3A_161 = arith.constant 0 : i32
        %dma_wait3A_162 = tpu.memref_slice %arg4[%add3A_151, %dma_wait3A_161] : memref<2112x384xi32, #tpu.memory_space<hbm>> -> memref<1x384xi32, #tpu.memory_space<hbm>>
        %dma_wait3A_163 = tpu.memref_squeeze %dma_wait3A_162 : memref<1x384xi32, #tpu.memory_space<hbm>> -> memref<384xi32, #tpu.memory_space<hbm>>
        tpu.wait_dma2 semaphore(%arg16 : memref<!tpu.dma_semaphore, #tpu.memory_space<semaphore_mem>>) src(%dma_wait3A_163 : memref<384xi32, #tpu.memory_space<hbm>>) dst(%dma_wait3A_160 : memref<384xi32, #tpu.memory_space<vmem>>)
        %add3A_164 = arith.addi %select_n3A_9, %add3A_148 : i32
        %dma_wait3A_165 = arith.constant 0 : i32
        %dma_wait3A_166 = tpu.memref_slice %arg9[%sub3A_150, %dma_wait3A_165] : memref<2x384xi32, #tpu.memory_space<vmem>> -> memref<1x384xi32, #tpu.memory_space<vmem>>
        %dma_wait3A_167 = tpu.memref_squeeze %dma_wait3A_166 : memref<1x384xi32, #tpu.memory_space<vmem>> -> memref<384xi32, #tpu.memory_space<vmem>>
        %dma_wait3A_168 = arith.constant 0 : i32
        %dma_wait3A_169 = tpu.memref_slice %arg5[%add3A_164, %dma_wait3A_168] : memref<2112x384xi32, #tpu.memory_space<hbm>> -> memref<1x384xi32, #tpu.memory_space<hbm>>
        %dma_wait3A_170 = tpu.memref_squeeze %dma_wait3A_169 : memref<1x384xi32, #tpu.memory_space<hbm>> -> memref<384xi32, #tpu.memory_space<hbm>>
        %dma_wait3A_171 = arith.constant 0 : i32
        %dma_wait3A_172 = tpu.memref_slice %arg9[%sub3A_150, %dma_wait3A_171] : memref<2x384xi32, #tpu.memory_space<vmem>> -> memref<1x384xi32, #tpu.memory_space<vmem>>
        %dma_wait3A_173 = tpu.memref_squeeze %dma_wait3A_172 : memref<1x384xi32, #tpu.memory_space<vmem>> -> memref<384xi32, #tpu.memory_space<vmem>>
        %dma_wait3A_174 = arith.constant 0 : i32
        %dma_wait3A_175 = tpu.memref_slice %arg5[%add3A_164, %dma_wait3A_174] : memref<2112x384xi32, #tpu.memory_space<hbm>> -> memref<1x384xi32, #tpu.memory_space<hbm>>
        %dma_wait3A_176 = tpu.memref_squeeze %dma_wait3A_175 : memref<1x384xi32, #tpu.memory_space<hbm>> -> memref<384xi32, #tpu.memory_space<hbm>>
        tpu.wait_dma2 semaphore(%arg16 : memref<!tpu.dma_semaphore, #tpu.memory_space<semaphore_mem>>) src(%dma_wait3A_176 : memref<384xi32, #tpu.memory_space<hbm>>) dst(%dma_wait3A_173 : memref<384xi32, #tpu.memory_space<vmem>>)
        %add3A_177 = arith.constant 1 : i32
        %add3A_178 = arith.addi %while3A_86, %add3A_177 : i32
        %sub3A_179 = arith.constant 1 : i32
        %sub3A_180 = arith.subi %sub3A_179, %rem3A_88 : i32
        %dma_start3A_181 = arith.constant 0 : i32
        %dma_start3A_182 = arith.constant 0 : i32
        %dma_start3A_183 = tpu.memref_slice %arg10[%sub3A_180, %dma_start3A_181, %dma_start3A_182] : memref<2x384x48xf32, #tpu.memory_space<vmem>> -> memref<1x384x48xf32, #tpu.memory_space<vmem>>
        %dma_start3A_184 = tpu.memref_squeeze %dma_start3A_183 : memref<1x384x48xf32, #tpu.memory_space<vmem>> -> memref<384x48xf32, #tpu.memory_space<vmem>>
        %dma_start3A_185 = arith.constant 0 : i32
        %dma_start3A_186 = tpu.memref_slice %arg8[%sub3A_180, %dma_start3A_185] : memref<2x384xi32, #tpu.memory_space<vmem>> -> memref<1x384xi32, #tpu.memory_space<vmem>>
        %dma_start3A_187 = tpu.memref_squeeze %dma_start3A_186 : memref<1x384xi32, #tpu.memory_space<vmem>> -> memref<384xi32, #tpu.memory_space<vmem>>
        %dma_start3A_188 = arith.constant 0 : i32
        %dma_start3A_189 = arith.constant 0 : i32
        %dma_start3A_190 = tpu.memref_slice %arg2[%dma_start3A_188, %dma_start3A_189] : memref<50176x48xf32, #tpu.memory_space<hbm>> -> memref<50176x48xf32, #tpu.memory_space<hbm>>
        tpu.enqueue_indirect_dma source(%dma_start3A_190 : memref<50176x48xf32, #tpu.memory_space<hbm>>) target(%dma_start3A_184 : memref<384x48xf32, #tpu.memory_space<vmem>>) offsets(%dma_start3A_187 : memref<384xi32, #tpu.memory_space<vmem>>) semaphore(%arg14 : memref<!tpu.dma_semaphore, #tpu.memory_space<semaphore_mem>>)
        %dma_start3A_191 = arith.constant 0 : i32
        %dma_start3A_192 = arith.constant 0 : i32
        %dma_start3A_193 = tpu.memref_slice %arg11[%sub3A_180, %dma_start3A_191, %dma_start3A_192] : memref<2x384x48xf32, #tpu.memory_space<vmem>> -> memref<1x384x48xf32, #tpu.memory_space<vmem>>
        %dma_start3A_194 = tpu.memref_squeeze %dma_start3A_193 : memref<1x384x48xf32, #tpu.memory_space<vmem>> -> memref<384x48xf32, #tpu.memory_space<vmem>>
        %dma_start3A_195 = arith.constant 0 : i32
        %dma_start3A_196 = tpu.memref_slice %arg9[%sub3A_180, %dma_start3A_195] : memref<2x384xi32, #tpu.memory_space<vmem>> -> memref<1x384xi32, #tpu.memory_space<vmem>>
        %dma_start3A_197 = tpu.memref_squeeze %dma_start3A_196 : memref<1x384xi32, #tpu.memory_space<vmem>> -> memref<384xi32, #tpu.memory_space<vmem>>
        %dma_start3A_198 = arith.constant 0 : i32
        %dma_start3A_199 = arith.constant 0 : i32
        %dma_start3A_200 = tpu.memref_slice %arg3[%dma_start3A_198, %dma_start3A_199] : memref<50176x48xf32, #tpu.memory_space<hbm>> -> memref<50176x48xf32, #tpu.memory_space<hbm>>
        tpu.enqueue_indirect_dma source(%dma_start3A_200 : memref<50176x48xf32, #tpu.memory_space<hbm>>) target(%dma_start3A_194 : memref<384x48xf32, #tpu.memory_space<vmem>>) offsets(%dma_start3A_197 : memref<384xi32, #tpu.memory_space<vmem>>) semaphore(%arg14 : memref<!tpu.dma_semaphore, #tpu.memory_space<semaphore_mem>>)
      } else {
      }
      %dma_wait3A_94 = arith.constant 0 : i32
      %dma_wait3A_95 = arith.constant 0 : i32
      %dma_wait3A_96 = tpu.memref_slice %arg10[%rem3A_88, %dma_wait3A_94, %dma_wait3A_95] : memref<2x384x48xf32, #tpu.memory_space<vmem>> -> memref<1x384x48xf32, #tpu.memory_space<vmem>>
      %dma_wait3A_97 = tpu.memref_squeeze %dma_wait3A_96 : memref<1x384x48xf32, #tpu.memory_space<vmem>> -> memref<384x48xf32, #tpu.memory_space<vmem>>
      %dma_wait3A_98 = arith.constant 0 : i32
      %dma_wait3A_99 = tpu.memref_slice %arg8[%rem3A_88, %dma_wait3A_98] : memref<2x384xi32, #tpu.memory_space<vmem>> -> memref<1x384xi32, #tpu.memory_space<vmem>>
      %dma_wait3A_100 = tpu.memref_squeeze %dma_wait3A_99 : memref<1x384xi32, #tpu.memory_space<vmem>> -> memref<384xi32, #tpu.memory_space<vmem>>
      %dma_wait3A_101 = arith.constant 0 : i32
      %dma_wait3A_102 = arith.constant 0 : i32
      %dma_wait3A_103 = tpu.memref_slice %arg2[%dma_wait3A_101, %dma_wait3A_102] : memref<50176x48xf32, #tpu.memory_space<hbm>> -> memref<50176x48xf32, #tpu.memory_space<hbm>>
      tpu.wait_indirect_dma semaphore(%arg14 : memref<!tpu.dma_semaphore, #tpu.memory_space<semaphore_mem>>) src(%dma_wait3A_103 : memref<50176x48xf32, #tpu.memory_space<hbm>>) dst(%dma_wait3A_97 : memref<384x48xf32, #tpu.memory_space<vmem>>)
      %dma_wait3A_104 = arith.constant 0 : i32
      %dma_wait3A_105 = arith.constant 0 : i32
      %dma_wait3A_106 = tpu.memref_slice %arg11[%rem3A_88, %dma_wait3A_104, %dma_wait3A_105] : memref<2x384x48xf32, #tpu.memory_space<vmem>> -> memref<1x384x48xf32, #tpu.memory_space<vmem>>
      %dma_wait3A_107 = tpu.memref_squeeze %dma_wait3A_106 : memref<1x384x48xf32, #tpu.memory_space<vmem>> -> memref<384x48xf32, #tpu.memory_space<vmem>>
      %dma_wait3A_108 = arith.constant 0 : i32
      %dma_wait3A_109 = tpu.memref_slice %arg9[%rem3A_88, %dma_wait3A_108] : memref<2x384xi32, #tpu.memory_space<vmem>> -> memref<1x384xi32, #tpu.memory_space<vmem>>
      %dma_wait3A_110 = tpu.memref_squeeze %dma_wait3A_109 : memref<1x384xi32, #tpu.memory_space<vmem>> -> memref<384xi32, #tpu.memory_space<vmem>>
      %dma_wait3A_111 = arith.constant 0 : i32
      %dma_wait3A_112 = arith.constant 0 : i32
      %dma_wait3A_113 = tpu.memref_slice %arg3[%dma_wait3A_111, %dma_wait3A_112] : memref<50176x48xf32, #tpu.memory_space<hbm>> -> memref<50176x48xf32, #tpu.memory_space<hbm>>
      tpu.wait_indirect_dma semaphore(%arg14 : memref<!tpu.dma_semaphore, #tpu.memory_space<semaphore_mem>>) src(%dma_wait3A_113 : memref<50176x48xf32, #tpu.memory_space<hbm>>) dst(%dma_wait3A_107 : memref<384x48xf32, #tpu.memory_space<vmem>>)
      %add3A_114 = arith.constant 2 : i32
      %add3A_115 = arith.addi %while3A_86, %add3A_114 : i32
      %lt3A_116 = arith.cmpi slt, %add3A_115, %select_n3A_2 : i32
      %convert_element_type3A_117 = arith.extui %lt3A_116 : i1 to i32
      %cond3A_118 = arith.constant 0 : i32
      %cond3A_119 = arith.cmpi ne, %convert_element_type3A_117, %cond3A_118 : i32
      scf.if %cond3A_119 {
        %add3A_147 = arith.constant 2 : i32
        %add3A_148 = arith.addi %while3A_86, %add3A_147 : i32
        %add3A_149 = arith.addi %select_n3A_9, %add3A_148 : i32
        %dma_start3A_150 = arith.constant 0 : i32
        %dma_start3A_151 = tpu.memref_slice %arg8[%rem3A_88, %dma_start3A_150] : memref<2x384xi32, #tpu.memory_space<vmem>> -> memref<1x384xi32, #tpu.memory_space<vmem>>
        %dma_start3A_152 = tpu.memref_squeeze %dma_start3A_151 : memref<1x384xi32, #tpu.memory_space<vmem>> -> memref<384xi32, #tpu.memory_space<vmem>>
        %dma_start3A_153 = arith.constant 0 : i32
        %dma_start3A_154 = tpu.memref_slice %arg4[%add3A_149, %dma_start3A_153] : memref<2112x384xi32, #tpu.memory_space<hbm>> -> memref<1x384xi32, #tpu.memory_space<hbm>>
        %dma_start3A_155 = tpu.memref_squeeze %dma_start3A_154 : memref<1x384xi32, #tpu.memory_space<hbm>> -> memref<384xi32, #tpu.memory_space<hbm>>
        %dma_start3A_156 = arith.constant 0 : i32
        %dma_start3A_157 = tpu.memref_slice %arg8[%rem3A_88, %dma_start3A_156] : memref<2x384xi32, #tpu.memory_space<vmem>> -> memref<1x384xi32, #tpu.memory_space<vmem>>
        %dma_start3A_158 = tpu.memref_squeeze %dma_start3A_157 : memref<1x384xi32, #tpu.memory_space<vmem>> -> memref<384xi32, #tpu.memory_space<vmem>>
        %dma_start3A_159 = arith.constant 0 : i32
        %dma_start3A_160 = tpu.memref_slice %arg4[%add3A_149, %dma_start3A_159] : memref<2112x384xi32, #tpu.memory_space<hbm>> -> memref<1x384xi32, #tpu.memory_space<hbm>>
        %dma_start3A_161 = tpu.memref_squeeze %dma_start3A_160 : memref<1x384xi32, #tpu.memory_space<hbm>> -> memref<384xi32, #tpu.memory_space<hbm>>
        tpu.enqueue_dma source(%dma_start3A_161 : memref<384xi32, #tpu.memory_space<hbm>>) target(%dma_start3A_158 : memref<384xi32, #tpu.memory_space<vmem>>) target_semaphore(%arg16 : memref<!tpu.dma_semaphore, #tpu.memory_space<semaphore_mem>>)
        %add3A_162 = arith.addi %select_n3A_9, %add3A_148 : i32
        %dma_start3A_163 = arith.constant 0 : i32
        %dma_start3A_164 = tpu.memref_slice %arg9[%rem3A_88, %dma_start3A_163] : memref<2x384xi32, #tpu.memory_space<vmem>> -> memref<1x384xi32, #tpu.memory_space<vmem>>
        %dma_start3A_165 = tpu.memref_squeeze %dma_start3A_164 : memref<1x384xi32, #tpu.memory_space<vmem>> -> memref<384xi32, #tpu.memory_space<vmem>>
        %dma_start3A_166 = arith.constant 0 : i32
        %dma_start3A_167 = tpu.memref_slice %arg5[%add3A_162, %dma_start3A_166] : memref<2112x384xi32, #tpu.memory_space<hbm>> -> memref<1x384xi32, #tpu.memory_space<hbm>>
        %dma_start3A_168 = tpu.memref_squeeze %dma_start3A_167 : memref<1x384xi32, #tpu.memory_space<hbm>> -> memref<384xi32, #tpu.memory_space<hbm>>
        %dma_start3A_169 = arith.constant 0 : i32
        %dma_start3A_170 = tpu.memref_slice %arg9[%rem3A_88, %dma_start3A_169] : memref<2x384xi32, #tpu.memory_space<vmem>> -> memref<1x384xi32, #tpu.memory_space<vmem>>
        %dma_start3A_171 = tpu.memref_squeeze %dma_start3A_170 : memref<1x384xi32, #tpu.memory_space<vmem>> -> memref<384xi32, #tpu.memory_space<vmem>>
        %dma_start3A_172 = arith.constant 0 : i32
        %dma_start3A_173 = tpu.memref_slice %arg5[%add3A_162, %dma_start3A_172] : memref<2112x384xi32, #tpu.memory_space<hbm>> -> memref<1x384xi32, #tpu.memory_space<hbm>>
        %dma_start3A_174 = tpu.memref_squeeze %dma_start3A_173 : memref<1x384xi32, #tpu.memory_space<hbm>> -> memref<384xi32, #tpu.memory_space<hbm>>
        tpu.enqueue_dma source(%dma_start3A_174 : memref<384xi32, #tpu.memory_space<hbm>>) target(%dma_start3A_171 : memref<384xi32, #tpu.memory_space<vmem>>) target_semaphore(%arg16 : memref<!tpu.dma_semaphore, #tpu.memory_space<semaphore_mem>>)
      } else {
      }
      %ge3A = arith.constant 2 : i32
      %ge3A_120 = arith.cmpi sge, %while3A_86, %ge3A : i32
      %convert_element_type3A_121 = arith.extui %ge3A_120 : i1 to i32
      %cond3A_122 = arith.constant 0 : i32
      %cond3A_123 = arith.cmpi ne, %convert_element_type3A_121, %cond3A_122 : i32
      scf.if %cond3A_123 {
        %sub3A_147 = arith.constant 2 : i32
        %sub3A_148 = arith.subi %while3A_86, %sub3A_147 : i32
        %mul3A_149 = arith.constant 96 : i32
        %mul3A_150 = arith.muli %sub3A_148, %mul3A_149 : i32
        %add3A_151 = arith.addi %mul3A_11, %mul3A_150 : i32
        %dma_wait3A_152 = arith.constant 0 : i32
        %dma_wait3A_153 = arith.constant 0 : i32
        %dma_wait3A_154 = tpu.memref_slice %arg12[%rem3A_88, %dma_wait3A_152, %dma_wait3A_153] : memref<2x96x128xf32, #tpu.memory_space<vmem>> -> memref<1x96x128xf32, #tpu.memory_space<vmem>>
        %dma_wait3A_155 = tpu.memref_squeeze %dma_wait3A_154 : memref<1x96x128xf32, #tpu.memory_space<vmem>> -> memref<96x128xf32, #tpu.memory_space<vmem>>
        %dma_wait3A_156 = arith.constant 0 : i32
        %dma_wait3A_157 = tpu.memref_slice %arg7[%add3A_151, %dma_wait3A_156] : memref<202752x128xf32, #tpu.memory_space<hbm>> -> memref<96x128xf32, #tpu.memory_space<hbm>>
        %dma_wait3A_158 = arith.constant 0 : i32
        %dma_wait3A_159 = tpu.memref_slice %arg7[%add3A_151, %dma_wait3A_158] : memref<202752x128xf32, #tpu.memory_space<hbm>> -> memref<96x128xf32, #tpu.memory_space<hbm>>
        %dma_wait3A_160 = arith.constant 0 : i32
        %dma_wait3A_161 = arith.constant 0 : i32
        %dma_wait3A_162 = tpu.memref_slice %arg12[%rem3A_88, %dma_wait3A_160, %dma_wait3A_161] : memref<2x96x128xf32, #tpu.memory_space<vmem>> -> memref<1x96x128xf32, #tpu.memory_space<vmem>>
        %dma_wait3A_163 = tpu.memref_squeeze %dma_wait3A_162 : memref<1x96x128xf32, #tpu.memory_space<vmem>> -> memref<96x128xf32, #tpu.memory_space<vmem>>
        tpu.wait_dma2 semaphore(%arg15 : memref<!tpu.dma_semaphore, #tpu.memory_space<semaphore_mem>>) src(%dma_wait3A_163 : memref<96x128xf32, #tpu.memory_space<vmem>>) dst(%dma_wait3A_159 : memref<96x128xf32, #tpu.memory_space<hbm>>)
      } else {
      }
      %get3A = arith.constant 0 : index
      %get3A_124 = tpu.vector_load %arg13[%get3A] {strides = array<i32>} : memref<32xf32, #tpu.memory_space<vmem>>, vector<16xf32>,
      %get3A_125 = arith.constant 16 : index
      %get3A_126 = tpu.vector_load %arg13[%get3A_125] {strides = array<i32>} : memref<32xf32, #tpu.memory_space<vmem>>, vector<16xf32>,
      %scan3A = arith.constant 0 : i32
      %scan3A_127 = arith.constant 0 : i32
      %scan3A_128 = arith.constant 96 : i32
      %scan3A_129 = arith.addi %scan3A_127, %scan3A_128 : i32
      %scan3A_130 = arith.constant 1 : i32
      scf.for %scan3A_147 = %scan3A_127 to %scan3A_129 step %scan3A_130  : i32 {
        %mul3A_148 = arith.constant 4 : i32
        %mul3A_149 = arith.muli %scan3A_147, %mul3A_148 : i32
        %add3A_150 = arith.constant 0 : i32
        %add3A_151 = arith.addi %mul3A_149, %add3A_150 : i32
        %get3A_152 = arith.index_cast %rem3A_88 : i32 to index
        %get3A_153 = arith.index_cast %add3A_151 : i32 to index
        %get3A_154 = arith.constant 32 : index
        %get3A_155 = tpu.vector_load %arg10[%get3A_152, %get3A_153, %get3A_154] {strides = array<i32>} : memref<2x384x48xf32, #tpu.memory_space<vmem>>, vector<16xf32>,
        %get3A_156 = arith.index_cast %rem3A_88 : i32 to index
        %get3A_157 = arith.index_cast %add3A_151 : i32 to index
        %get3A_158 = arith.constant 32 : index
        %get3A_159 = tpu.vector_load %arg11[%get3A_156, %get3A_157, %get3A_158] {strides = array<i32>} : memref<2x384x48xf32, #tpu.memory_space<vmem>>, vector<16xf32>,
        %sub3A_160 = arith.subf %get3A_155, %get3A_159 : vector<16xf32>
        %mul3A_161 = arith.mulf %sub3A_160, %sub3A_160 : vector<16xf32>
        %reduce_sum3A = arith.constant true
        %reduce_sum3A_162 = vector.broadcast %reduce_sum3A : i1 to vector<16xi1>
        %reduce_sum3A_163 = tpu.scan <sum>, %mul3A_161 masked %reduce_sum3A_162 : vector<16xf32>, vector<16xi1> -> vector<16xf32>
        %reduce_sum3A_164 = vector.extract %reduce_sum3A_163[15] : f32 from vector<16xf32>
        %get3A_165 = arith.index_cast %rem3A_88 : i32 to index
        %get3A_166 = arith.index_cast %add3A_151 : i32 to index
        %get3A_167 = arith.constant 0 : index
        %get3A_168 = tpu.vector_load %arg10[%get3A_165, %get3A_166, %get3A_167] {strides = array<i32>} : memref<2x384x48xf32, #tpu.memory_space<vmem>>, vector<16xf32>,
        %get3A_169 = arith.index_cast %rem3A_88 : i32 to index
        %get3A_170 = arith.index_cast %add3A_151 : i32 to index
        %get3A_171 = arith.constant 0 : index
        %get3A_172 = tpu.vector_load %arg11[%get3A_169, %get3A_170, %get3A_171] {strides = array<i32>} : memref<2x384x48xf32, #tpu.memory_space<vmem>>, vector<16xf32>,
        %add3A_173 = arith.addf %get3A_168, %get3A_172 : vector<16xf32>
        %mul3A_174 = vector.broadcast %reduce_sum3A_164 : f32 to vector<16xf32>
        %mul3A_175 = arith.mulf %mul3A_174, %get3A_124 : vector<16xf32>
        %add3A_176 = arith.addf %add3A_173, %mul3A_175 : vector<16xf32>
        %get3A_177 = arith.index_cast %rem3A_88 : i32 to index
        %get3A_178 = arith.index_cast %add3A_151 : i32 to index
        %get3A_179 = arith.constant 16 : index
        %get3A_180 = tpu.vector_load %arg10[%get3A_177, %get3A_178, %get3A_179] {strides = array<i32>} : memref<2x384x48xf32, #tpu.memory_space<vmem>>, vector<16xf32>,
        %get3A_181 = arith.index_cast %rem3A_88 : i32 to index
        %get3A_182 = arith.index_cast %add3A_151 : i32 to index
        %get3A_183 = arith.constant 16 : index
        %get3A_184 = tpu.vector_load %arg11[%get3A_181, %get3A_182, %get3A_183] {strides = array<i32>} : memref<2x384x48xf32, #tpu.memory_space<vmem>>, vector<16xf32>,
        %add3A_185 = arith.addf %get3A_180, %get3A_184 : vector<16xf32>
        %mul3A_186 = vector.broadcast %reduce_sum3A_164 : f32 to vector<16xf32>
        %mul3A_187 = arith.mulf %mul3A_186, %get3A_126 : vector<16xf32>
        %add3A_188 = arith.addf %add3A_185, %mul3A_187 : vector<16xf32>
        %swap3A = arith.index_cast %rem3A_88 : i32 to index
        %swap3A_189 = arith.index_cast %scan3A_147 : i32 to index
        %swap3A_190 = arith.constant 0 : index
        %swap3A_191 = tpu.vector_load %arg12[%swap3A, %swap3A_189, %swap3A_190] {strides = array<i32>} : memref<2x96x128xf32, #tpu.memory_space<vmem>>, vector<16xf32>,
        tpu.vector_store %arg12[%swap3A, %swap3A_189, %swap3A_190], %add3A_176 {strides = array<i32>} : memref<2x96x128xf32, #tpu.memory_space<vmem>>, vector<16xf32>,
        %swap3A_192 = arith.index_cast %rem3A_88 : i32 to index
        %swap3A_193 = arith.index_cast %scan3A_147 : i32 to index
        %swap3A_194 = arith.constant 16 : index
        %swap3A_195 = tpu.vector_load %arg12[%swap3A_192, %swap3A_193, %swap3A_194] {strides = array<i32>} : memref<2x96x128xf32, #tpu.memory_space<vmem>>, vector<16xf32>,
        tpu.vector_store %arg12[%swap3A_192, %swap3A_193, %swap3A_194], %add3A_188 {strides = array<i32>} : memref<2x96x128xf32, #tpu.memory_space<vmem>>, vector<16xf32>,
        %mul3A_196 = arith.constant 4 : i32
        %mul3A_197 = arith.muli %scan3A_147, %mul3A_196 : i32
        %add3A_198 = arith.constant 1 : i32
        %add3A_199 = arith.addi %mul3A_197, %add3A_198 : i32
        %get3A_200 = arith.index_cast %rem3A_88 : i32 to index
        %get3A_201 = arith.index_cast %add3A_199 : i32 to index
        %get3A_202 = arith.constant 32 : index
        %get3A_203 = tpu.vector_load %arg10[%get3A_200, %get3A_201, %get3A_202] {strides = array<i32>} : memref<2x384x48xf32, #tpu.memory_space<vmem>>, vector<16xf32>,
        %get3A_204 = arith.index_cast %rem3A_88 : i32 to index
        %get3A_205 = arith.index_cast %add3A_199 : i32 to index
        %get3A_206 = arith.constant 32 : index
        %get3A_207 = tpu.vector_load %arg11[%get3A_204, %get3A_205, %get3A_206] {strides = array<i32>} : memref<2x384x48xf32, #tpu.memory_space<vmem>>, vector<16xf32>,
        %sub3A_208 = arith.subf %get3A_203, %get3A_207 : vector<16xf32>
        %mul3A_209 = arith.mulf %sub3A_208, %sub3A_208 : vector<16xf32>
        %reduce_sum3A_210 = arith.constant true
        %reduce_sum3A_211 = vector.broadcast %reduce_sum3A_210 : i1 to vector<16xi1>
        %reduce_sum3A_212 = tpu.scan <sum>, %mul3A_209 masked %reduce_sum3A_211 : vector<16xf32>, vector<16xi1> -> vector<16xf32>
        %reduce_sum3A_213 = vector.extract %reduce_sum3A_212[15] : f32 from vector<16xf32>
        %get3A_214 = arith.index_cast %rem3A_88 : i32 to index
        %get3A_215 = arith.index_cast %add3A_199 : i32 to index
        %get3A_216 = arith.constant 0 : index
        %get3A_217 = tpu.vector_load %arg10[%get3A_214, %get3A_215, %get3A_216] {strides = array<i32>} : memref<2x384x48xf32, #tpu.memory_space<vmem>>, vector<16xf32>,
        %get3A_218 = arith.index_cast %rem3A_88 : i32 to index
        %get3A_219 = arith.index_cast %add3A_199 : i32 to index
        %get3A_220 = arith.constant 0 : index
        %get3A_221 = tpu.vector_load %arg11[%get3A_218, %get3A_219, %get3A_220] {strides = array<i32>} : memref<2x384x48xf32, #tpu.memory_space<vmem>>, vector<16xf32>,
        %add3A_222 = arith.addf %get3A_217, %get3A_221 : vector<16xf32>
        %mul3A_223 = vector.broadcast %reduce_sum3A_213 : f32 to vector<16xf32>
        %mul3A_224 = arith.mulf %mul3A_223, %get3A_124 : vector<16xf32>
        %add3A_225 = arith.addf %add3A_222, %mul3A_224 : vector<16xf32>
        %get3A_226 = arith.index_cast %rem3A_88 : i32 to index
        %get3A_227 = arith.index_cast %add3A_199 : i32 to index
        %get3A_228 = arith.constant 16 : index
        %get3A_229 = tpu.vector_load %arg10[%get3A_226, %get3A_227, %get3A_228] {strides = array<i32>} : memref<2x384x48xf32, #tpu.memory_space<vmem>>, vector<16xf32>,
        %get3A_230 = arith.index_cast %rem3A_88 : i32 to index
        %get3A_231 = arith.index_cast %add3A_199 : i32 to index
        %get3A_232 = arith.constant 16 : index
        %get3A_233 = tpu.vector_load %arg11[%get3A_230, %get3A_231, %get3A_232] {strides = array<i32>} : memref<2x384x48xf32, #tpu.memory_space<vmem>>, vector<16xf32>,
        %add3A_234 = arith.addf %get3A_229, %get3A_233 : vector<16xf32>
        %mul3A_235 = vector.broadcast %reduce_sum3A_213 : f32 to vector<16xf32>
        %mul3A_236 = arith.mulf %mul3A_235, %get3A_126 : vector<16xf32>
        %add3A_237 = arith.addf %add3A_234, %mul3A_236 : vector<16xf32>
        %swap3A_238 = arith.index_cast %rem3A_88 : i32 to index
        %swap3A_239 = arith.index_cast %scan3A_147 : i32 to index
        %swap3A_240 = arith.constant 32 : index
        %swap3A_241 = tpu.vector_load %arg12[%swap3A_238, %swap3A_239, %swap3A_240] {strides = array<i32>} : memref<2x96x128xf32, #tpu.memory_space<vmem>>, vector<16xf32>,
        tpu.vector_store %arg12[%swap3A_238, %swap3A_239, %swap3A_240], %add3A_225 {strides = array<i32>} : memref<2x96x128xf32, #tpu.memory_space<vmem>>, vector<16xf32>,
        %swap3A_242 = arith.index_cast %rem3A_88 : i32 to index
        %swap3A_243 = arith.index_cast %scan3A_147 : i32 to index
        %swap3A_244 = arith.constant 48 : index
        %swap3A_245 = tpu.vector_load %arg12[%swap3A_242, %swap3A_243, %swap3A_244] {strides = array<i32>} : memref<2x96x128xf32, #tpu.memory_space<vmem>>, vector<16xf32>,
        tpu.vector_store %arg12[%swap3A_242, %swap3A_243, %swap3A_244], %add3A_237 {strides = array<i32>} : memref<2x96x128xf32, #tpu.memory_space<vmem>>, vector<16xf32>,
        %mul3A_246 = arith.constant 4 : i32
        %mul3A_247 = arith.muli %scan3A_147, %mul3A_246 : i32
        %add3A_248 = arith.constant 2 : i32
        %add3A_249 = arith.addi %mul3A_247, %add3A_248 : i32
        %get3A_250 = arith.index_cast %rem3A_88 : i32 to index
        %get3A_251 = arith.index_cast %add3A_249 : i32 to index
        %get3A_252 = arith.constant 32 : index
        %get3A_253 = tpu.vector_load %arg10[%get3A_250, %get3A_251, %get3A_252] {strides = array<i32>} : memref<2x384x48xf32, #tpu.memory_space<vmem>>, vector<16xf32>,
        %get3A_254 = arith.index_cast %rem3A_88 : i32 to index
        %get3A_255 = arith.index_cast %add3A_249 : i32 to index
        %get3A_256 = arith.constant 32 : index
        %get3A_257 = tpu.vector_load %arg11[%get3A_254, %get3A_255, %get3A_256] {strides = array<i32>} : memref<2x384x48xf32, #tpu.memory_space<vmem>>, vector<16xf32>,
        %sub3A_258 = arith.subf %get3A_253, %get3A_257 : vector<16xf32>
        %mul3A_259 = arith.mulf %sub3A_258, %sub3A_258 : vector<16xf32>
        %reduce_sum3A_260 = arith.constant true
        %reduce_sum3A_261 = vector.broadcast %reduce_sum3A_260 : i1 to vector<16xi1>
        %reduce_sum3A_262 = tpu.scan <sum>, %mul3A_259 masked %reduce_sum3A_261 : vector<16xf32>, vector<16xi1> -> vector<16xf32>
        %reduce_sum3A_263 = vector.extract %reduce_sum3A_262[15] : f32 from vector<16xf32>
        %get3A_264 = arith.index_cast %rem3A_88 : i32 to index
        %get3A_265 = arith.index_cast %add3A_249 : i32 to index
        %get3A_266 = arith.constant 0 : index
        %get3A_267 = tpu.vector_load %arg10[%get3A_264, %get3A_265, %get3A_266] {strides = array<i32>} : memref<2x384x48xf32, #tpu.memory_space<vmem>>, vector<16xf32>,
        %get3A_268 = arith.index_cast %rem3A_88 : i32 to index
        %get3A_269 = arith.index_cast %add3A_249 : i32 to index
        %get3A_270 = arith.constant 0 : index
        %get3A_271 = tpu.vector_load %arg11[%get3A_268, %get3A_269, %get3A_270] {strides = array<i32>} : memref<2x384x48xf32, #tpu.memory_space<vmem>>, vector<16xf32>,
        %add3A_272 = arith.addf %get3A_267, %get3A_271 : vector<16xf32>
        %mul3A_273 = vector.broadcast %reduce_sum3A_263 : f32 to vector<16xf32>
        %mul3A_274 = arith.mulf %mul3A_273, %get3A_124 : vector<16xf32>
        %add3A_275 = arith.addf %add3A_272, %mul3A_274 : vector<16xf32>
        %get3A_276 = arith.index_cast %rem3A_88 : i32 to index
        %get3A_277 = arith.index_cast %add3A_249 : i32 to index
        %get3A_278 = arith.constant 16 : index
        %get3A_279 = tpu.vector_load %arg10[%get3A_276, %get3A_277, %get3A_278] {strides = array<i32>} : memref<2x384x48xf32, #tpu.memory_space<vmem>>, vector<16xf32>,
        %get3A_280 = arith.index_cast %rem3A_88 : i32 to index
        %get3A_281 = arith.index_cast %add3A_249 : i32 to index
        %get3A_282 = arith.constant 16 : index
        %get3A_283 = tpu.vector_load %arg11[%get3A_280, %get3A_281, %get3A_282] {strides = array<i32>} : memref<2x384x48xf32, #tpu.memory_space<vmem>>, vector<16xf32>,
        %add3A_284 = arith.addf %get3A_279, %get3A_283 : vector<16xf32>
        %mul3A_285 = vector.broadcast %reduce_sum3A_263 : f32 to vector<16xf32>
        %mul3A_286 = arith.mulf %mul3A_285, %get3A_126 : vector<16xf32>
        %add3A_287 = arith.addf %add3A_284, %mul3A_286 : vector<16xf32>
        %swap3A_288 = arith.index_cast %rem3A_88 : i32 to index
        %swap3A_289 = arith.index_cast %scan3A_147 : i32 to index
        %swap3A_290 = arith.constant 64 : index
        %swap3A_291 = tpu.vector_load %arg12[%swap3A_288, %swap3A_289, %swap3A_290] {strides = array<i32>} : memref<2x96x128xf32, #tpu.memory_space<vmem>>, vector<16xf32>,
        tpu.vector_store %arg12[%swap3A_288, %swap3A_289, %swap3A_290], %add3A_275 {strides = array<i32>} : memref<2x96x128xf32, #tpu.memory_space<vmem>>, vector<16xf32>,
        %swap3A_292 = arith.index_cast %rem3A_88 : i32 to index
        %swap3A_293 = arith.index_cast %scan3A_147 : i32 to index
        %swap3A_294 = arith.constant 80 : index
        %swap3A_295 = tpu.vector_load %arg12[%swap3A_292, %swap3A_293, %swap3A_294] {strides = array<i32>} : memref<2x96x128xf32, #tpu.memory_space<vmem>>, vector<16xf32>,
        tpu.vector_store %arg12[%swap3A_292, %swap3A_293, %swap3A_294], %add3A_287 {strides = array<i32>} : memref<2x96x128xf32, #tpu.memory_space<vmem>>, vector<16xf32>,
        %mul3A_296 = arith.constant 4 : i32
        %mul3A_297 = arith.muli %scan3A_147, %mul3A_296 : i32
        %add3A_298 = arith.constant 3 : i32
        %add3A_299 = arith.addi %mul3A_297, %add3A_298 : i32
        %get3A_300 = arith.index_cast %rem3A_88 : i32 to index
        %get3A_301 = arith.index_cast %add3A_299 : i32 to index
        %get3A_302 = arith.constant 32 : index
        %get3A_303 = tpu.vector_load %arg10[%get3A_300, %get3A_301, %get3A_302] {strides = array<i32>} : memref<2x384x48xf32, #tpu.memory_space<vmem>>, vector<16xf32>,
        %get3A_304 = arith.index_cast %rem3A_88 : i32 to index
        %get3A_305 = arith.index_cast %add3A_299 : i32 to index
        %get3A_306 = arith.constant 32 : index
        %get3A_307 = tpu.vector_load %arg11[%get3A_304, %get3A_305, %get3A_306] {strides = array<i32>} : memref<2x384x48xf32, #tpu.memory_space<vmem>>, vector<16xf32>,
        %sub3A_308 = arith.subf %get3A_303, %get3A_307 : vector<16xf32>
        %mul3A_309 = arith.mulf %sub3A_308, %sub3A_308 : vector<16xf32>
        %reduce_sum3A_310 = arith.constant true
        %reduce_sum3A_311 = vector.broadcast %reduce_sum3A_310 : i1 to vector<16xi1>
        %reduce_sum3A_312 = tpu.scan <sum>, %mul3A_309 masked %reduce_sum3A_311 : vector<16xf32>, vector<16xi1> -> vector<16xf32>
        %reduce_sum3A_313 = vector.extract %reduce_sum3A_312[15] : f32 from vector<16xf32>
        %get3A_314 = arith.index_cast %rem3A_88 : i32 to index
        %get3A_315 = arith.index_cast %add3A_299 : i32 to index
        %get3A_316 = arith.constant 0 : index
        %get3A_317 = tpu.vector_load %arg10[%get3A_314, %get3A_315, %get3A_316] {strides = array<i32>} : memref<2x384x48xf32, #tpu.memory_space<vmem>>, vector<16xf32>,
        %get3A_318 = arith.index_cast %rem3A_88 : i32 to index
        %get3A_319 = arith.index_cast %add3A_299 : i32 to index
        %get3A_320 = arith.constant 0 : index
        %get3A_321 = tpu.vector_load %arg11[%get3A_318, %get3A_319, %get3A_320] {strides = array<i32>} : memref<2x384x48xf32, #tpu.memory_space<vmem>>, vector<16xf32>,
        %add3A_322 = arith.addf %get3A_317, %get3A_321 : vector<16xf32>
        %mul3A_323 = vector.broadcast %reduce_sum3A_313 : f32 to vector<16xf32>
        %mul3A_324 = arith.mulf %mul3A_323, %get3A_124 : vector<16xf32>
        %add3A_325 = arith.addf %add3A_322, %mul3A_324 : vector<16xf32>
        %get3A_326 = arith.index_cast %rem3A_88 : i32 to index
        %get3A_327 = arith.index_cast %add3A_299 : i32 to index
        %get3A_328 = arith.constant 16 : index
        %get3A_329 = tpu.vector_load %arg10[%get3A_326, %get3A_327, %get3A_328] {strides = array<i32>} : memref<2x384x48xf32, #tpu.memory_space<vmem>>, vector<16xf32>,
        %get3A_330 = arith.index_cast %rem3A_88 : i32 to index
        %get3A_331 = arith.index_cast %add3A_299 : i32 to index
        %get3A_332 = arith.constant 16 : index
        %get3A_333 = tpu.vector_load %arg11[%get3A_330, %get3A_331, %get3A_332] {strides = array<i32>} : memref<2x384x48xf32, #tpu.memory_space<vmem>>, vector<16xf32>,
        %add3A_334 = arith.addf %get3A_329, %get3A_333 : vector<16xf32>
        %mul3A_335 = vector.broadcast %reduce_sum3A_313 : f32 to vector<16xf32>
        %mul3A_336 = arith.mulf %mul3A_335, %get3A_126 : vector<16xf32>
        %add3A_337 = arith.addf %add3A_334, %mul3A_336 : vector<16xf32>
        %swap3A_338 = arith.index_cast %rem3A_88 : i32 to index
        %swap3A_339 = arith.index_cast %scan3A_147 : i32 to index
        %swap3A_340 = arith.constant 96 : index
        %swap3A_341 = tpu.vector_load %arg12[%swap3A_338, %swap3A_339, %swap3A_340] {strides = array<i32>} : memref<2x96x128xf32, #tpu.memory_space<vmem>>, vector<16xf32>,
        tpu.vector_store %arg12[%swap3A_338, %swap3A_339, %swap3A_340], %add3A_325 {strides = array<i32>} : memref<2x96x128xf32, #tpu.memory_space<vmem>>, vector<16xf32>,
        %swap3A_342 = arith.index_cast %rem3A_88 : i32 to index
        %swap3A_343 = arith.index_cast %scan3A_147 : i32 to index
        %swap3A_344 = arith.constant 112 : index
        %swap3A_345 = tpu.vector_load %arg12[%swap3A_342, %swap3A_343, %swap3A_344] {strides = array<i32>} : memref<2x96x128xf32, #tpu.memory_space<vmem>>, vector<16xf32>,
        tpu.vector_store %arg12[%swap3A_342, %swap3A_343, %swap3A_344], %add3A_337 {strides = array<i32>} : memref<2x96x128xf32, #tpu.memory_space<vmem>>, vector<16xf32>,
      }
      %scan3A_131 = arith.constant 96 : i32
      %mul3A_132 = arith.constant 96 : i32
      %mul3A_133 = arith.muli %while3A_86, %mul3A_132 : i32
      %add3A_134 = arith.addi %mul3A_11, %mul3A_133 : i32
      %dma_start3A_135 = arith.constant 0 : i32
      %dma_start3A_136 = arith.constant 0 : i32
      %dma_start3A_137 = tpu.memref_slice %arg12[%rem3A_88, %dma_start3A_135, %dma_start3A_136] : memref<2x96x128xf32, #tpu.memory_space<vmem>> -> memref<1x96x128xf32, #tpu.memory_space<vmem>>
      %dma_start3A_138 = tpu.memref_squeeze %dma_start3A_137 : memref<1x96x128xf32, #tpu.memory_space<vmem>> -> memref<96x128xf32, #tpu.memory_space<vmem>>
      %dma_start3A_139 = arith.constant 0 : i32
      %dma_start3A_140 = tpu.memref_slice %arg7[%add3A_134, %dma_start3A_139] : memref<202752x128xf32, #tpu.memory_space<hbm>> -> memref<96x128xf32, #tpu.memory_space<hbm>>
      %dma_start3A_141 = arith.constant 0 : i32
      %dma_start3A_142 = tpu.memref_slice %arg7[%add3A_134, %dma_start3A_141] : memref<202752x128xf32, #tpu.memory_space<hbm>> -> memref<96x128xf32, #tpu.memory_space<hbm>>
      %dma_start3A_143 = arith.constant 0 : i32
      %dma_start3A_144 = arith.constant 0 : i32
      %dma_start3A_145 = tpu.memref_slice %arg12[%rem3A_88, %dma_start3A_143, %dma_start3A_144] : memref<2x96x128xf32, #tpu.memory_space<vmem>> -> memref<1x96x128xf32, #tpu.memory_space<vmem>>
      %dma_start3A_146 = tpu.memref_squeeze %dma_start3A_145 : memref<1x96x128xf32, #tpu.memory_space<vmem>> -> memref<96x128xf32, #tpu.memory_space<vmem>>
      tpu.enqueue_dma source(%dma_start3A_146 : memref<96x128xf32, #tpu.memory_space<vmem>>) target(%dma_start3A_142 : memref<96x128xf32, #tpu.memory_space<hbm>>) target_semaphore(%arg15 : memref<!tpu.dma_semaphore, #tpu.memory_space<semaphore_mem>>)
    }
    %sub3A = arith.constant 2 : i32
    %sub3A_47 = arith.subi %select_n3A_2, %sub3A : i32
    %sub3A_48 = arith.constant 2 : i32
    %sub3A_49 = arith.subi %select_n3A_2, %sub3A_48 : i32
    %rem3A = arith.constant 2 : i32
    %rem3A_50 = arith.remsi %sub3A_49, %rem3A : i32
    %mul3A_51 = arith.constant 96 : i32
    %mul3A_52 = arith.muli %sub3A_47, %mul3A_51 : i32
    %add3A_53 = arith.addi %mul3A_11, %mul3A_52 : i32
    %dma_wait3A = arith.constant 0 : i32
    %dma_wait3A_54 = arith.constant 0 : i32
    %dma_wait3A_55 = tpu.memref_slice %arg12[%rem3A_50, %dma_wait3A, %dma_wait3A_54] : memref<2x96x128xf32, #tpu.memory_space<vmem>> -> memref<1x96x128xf32, #tpu.memory_space<vmem>>
    %dma_wait3A_56 = tpu.memref_squeeze %dma_wait3A_55 : memref<1x96x128xf32, #tpu.memory_space<vmem>> -> memref<96x128xf32, #tpu.memory_space<vmem>>
    %dma_wait3A_57 = arith.constant 0 : i32
    %dma_wait3A_58 = tpu.memref_slice %arg7[%add3A_53, %dma_wait3A_57] : memref<202752x128xf32, #tpu.memory_space<hbm>> -> memref<96x128xf32, #tpu.memory_space<hbm>>
    %dma_wait3A_59 = arith.constant 0 : i32
    %dma_wait3A_60 = tpu.memref_slice %arg7[%add3A_53, %dma_wait3A_59] : memref<202752x128xf32, #tpu.memory_space<hbm>> -> memref<96x128xf32, #tpu.memory_space<hbm>>
    %dma_wait3A_61 = arith.constant 0 : i32
    %dma_wait3A_62 = arith.constant 0 : i32
    %dma_wait3A_63 = tpu.memref_slice %arg12[%rem3A_50, %dma_wait3A_61, %dma_wait3A_62] : memref<2x96x128xf32, #tpu.memory_space<vmem>> -> memref<1x96x128xf32, #tpu.memory_space<vmem>>
    %dma_wait3A_64 = tpu.memref_squeeze %dma_wait3A_63 : memref<1x96x128xf32, #tpu.memory_space<vmem>> -> memref<96x128xf32, #tpu.memory_space<vmem>>
    tpu.wait_dma2 semaphore(%arg15 : memref<!tpu.dma_semaphore, #tpu.memory_space<semaphore_mem>>) src(%dma_wait3A_64 : memref<96x128xf32, #tpu.memory_space<vmem>>) dst(%dma_wait3A_60 : memref<96x128xf32, #tpu.memory_space<hbm>>)
    %sub3A_65 = arith.constant 1 : i32
    %sub3A_66 = arith.subi %select_n3A_2, %sub3A_65 : i32
    %sub3A_67 = arith.constant 1 : i32
    %sub3A_68 = arith.subi %select_n3A_2, %sub3A_67 : i32
    %rem3A_69 = arith.constant 2 : i32
    %rem3A_70 = arith.remsi %sub3A_68, %rem3A_69 : i32
    %mul3A_71 = arith.constant 96 : i32
    %mul3A_72 = arith.muli %sub3A_66, %mul3A_71 : i32
    %add3A_73 = arith.addi %mul3A_11, %mul3A_72 : i32
    %dma_wait3A_74 = arith.constant 0 : i32
    %dma_wait3A_75 = arith.constant 0 : i32
    %dma_wait3A_76 = tpu.memref_slice %arg12[%rem3A_70, %dma_wait3A_74, %dma_wait3A_75] : memref<2x96x128xf32, #tpu.memory_space<vmem>> -> memref<1x96x128xf32, #tpu.memory_space<vmem>>
    %dma_wait3A_77 = tpu.memref_squeeze %dma_wait3A_76 : memref<1x96x128xf32, #tpu.memory_space<vmem>> -> memref<96x128xf32, #tpu.memory_space<vmem>>
    %dma_wait3A_78 = arith.constant 0 : i32
    %dma_wait3A_79 = tpu.memref_slice %arg7[%add3A_73, %dma_wait3A_78] : memref<202752x128xf32, #tpu.memory_space<hbm>> -> memref<96x128xf32, #tpu.memory_space<hbm>>
    %dma_wait3A_80 = arith.constant 0 : i32
    %dma_wait3A_81 = tpu.memref_slice %arg7[%add3A_73, %dma_wait3A_80] : memref<202752x128xf32, #tpu.memory_space<hbm>> -> memref<96x128xf32, #tpu.memory_space<hbm>>
    %dma_wait3A_82 = arith.constant 0 : i32
    %dma_wait3A_83 = arith.constant 0 : i32
    %dma_wait3A_84 = tpu.memref_slice %arg12[%rem3A_70, %dma_wait3A_82, %dma_wait3A_83] : memref<2x96x128xf32, #tpu.memory_space<vmem>> -> memref<1x96x128xf32, #tpu.memory_space<vmem>>
    %dma_wait3A_85 = tpu.memref_squeeze %dma_wait3A_84 : memref<1x96x128xf32, #tpu.memory_space<vmem>> -> memref<96x128xf32, #tpu.memory_space<vmem>>
    tpu.wait_dma2 semaphore(%arg15 : memref<!tpu.dma_semaphore, #tpu.memory_space<semaphore_mem>>) src(%dma_wait3A_85 : memref<96x128xf32, #tpu.memory_space<vmem>>) dst(%dma_wait3A_81 : memref<96x128xf32, #tpu.memory_space<hbm>>)
    return
  }
}

#map = affine_map<(d0, d1) -> (0, 0)>
#map1 = affine_map<(d0, d1) -> (0, 0, 0, 0)>
#map2 = affine_map<(d0, d1) -> (0, 0, 0)>
module attributes {stable_mosaic.version = 14 : i64} {
  func.func @scatter_k(%arg0: i32, %arg1: i32, %arg2: memref<811008x32xf32, #tpu.memory_space<hbm>>, %arg3: memref<32x66x3x128xi32, #tpu.memory_space<hbm>>, %arg4: memref<3136x32xf32, #tpu.memory_space<hbm>>, %arg5: memref<2x50176x32xf32, #tpu.memory_space<hbm>>, %arg6: memref<2x3x128xi32, #tpu.memory_space<vmem>>, %arg7: memref<2x384x32xf32, #tpu.memory_space<vmem>>, %arg8: memref<50176x32xf32, #tpu.memory_space<vmem_shared>>, %arg9: memref<!tpu.dma_semaphore, #tpu.memory_space<semaphore_mem>>, %arg10: memref<!tpu.dma_semaphore, #tpu.memory_space<semaphore_mem>>) attributes {dimension_semantics = [#tpu.dimension_semantics<core_parallel>, #tpu.dimension_semantics<subcore_parallel>], iteration_bounds = array<i64: 2, 16>, scalar_prefetch = 0 : i64, scratch_operands = 5 : i64, tpu.core_type = #tpu.core_type<sc_vector_subcore>, window_params = [{transform_indices = #map}, {transform_indices = #map1}, {transform_indices = #map}, {transform_indices = #map2}]} {
    %mul3A = arith.constant 2 : i32
    %mul3A_0 = arith.muli %arg1, %mul3A : i32
    %add3A = arith.addi %mul3A_0, %arg0 : i32
    %mul3A_1 = arith.constant 25344 : i32
    %mul3A_2 = arith.muli %add3A, %mul3A_1 : i32
    %mul3A_3 = arith.constant 3136 : i32
    %mul3A_4 = arith.muli %arg1, %mul3A_3 : i32
    "tpu.region"() ({
      %run_scoped3A = tpu.sem_alloc : memref<!tpu.dma_semaphore, #tpu.memory_space<semaphore_mem>>
      %dma_start3A_112 = arith.constant 0 : i32
      %dma_start3A_113 = tpu.memref_slice %arg8[%mul3A_4, %dma_start3A_112] : memref<50176x32xf32, #tpu.memory_space<vmem_shared>> -> memref<3136x32xf32, #tpu.memory_space<vmem_shared>>
      tpu.enqueue_dma source(%arg4 : memref<3136x32xf32, #tpu.memory_space<hbm>>) target(%dma_start3A_113 : memref<3136x32xf32, #tpu.memory_space<vmem_shared>>) target_semaphore(%run_scoped3A : memref<!tpu.dma_semaphore, #tpu.memory_space<semaphore_mem>>)
      %dma_wait3A_114 = arith.constant 0 : i32
      %dma_wait3A_115 = tpu.memref_slice %arg8[%mul3A_4, %dma_wait3A_114] : memref<50176x32xf32, #tpu.memory_space<vmem_shared>> -> memref<3136x32xf32, #tpu.memory_space<vmem_shared>>
      tpu.wait_dma2 semaphore(%run_scoped3A : memref<!tpu.dma_semaphore, #tpu.memory_space<semaphore_mem>>) src(%arg4 : memref<3136x32xf32, #tpu.memory_space<hbm>>) dst(%dma_wait3A_115 : memref<3136x32xf32, #tpu.memory_space<vmem_shared>>)
      tpu.yield
    }) : () -> ()
    %barrier3A = arith.constant 0 : index
    tpu.barrier barrier_id(%barrier3A)
    %add3A_5 = arith.constant 0 : i32
    %add3A_6 = arith.addi %mul3A_2, %add3A_5 : i32
    %dma_start3A = arith.constant 0 : i32
    %dma_start3A_7 = arith.constant 0 : i32
    %dma_start3A_8 = arith.constant 0 : i32
    %dma_start3A_9 = tpu.memref_slice %arg7[%dma_start3A, %dma_start3A_7, %dma_start3A_8] : memref<2x384x32xf32, #tpu.memory_space<vmem>> -> memref<1x384x32xf32, #tpu.memory_space<vmem>>
    %dma_start3A_10 = tpu.memref_squeeze %dma_start3A_9 : memref<1x384x32xf32, #tpu.memory_space<vmem>> -> memref<384x32xf32, #tpu.memory_space<vmem>>
    %dma_start3A_11 = arith.constant 0 : i32
    %dma_start3A_12 = tpu.memref_slice %arg2[%add3A_6, %dma_start3A_11] : memref<811008x32xf32, #tpu.memory_space<hbm>> -> memref<384x32xf32, #tpu.memory_space<hbm>>
    %dma_start3A_13 = arith.constant 0 : i32
    %dma_start3A_14 = arith.constant 0 : i32
    %dma_start3A_15 = tpu.memref_slice %arg7[%dma_start3A, %dma_start3A_13, %dma_start3A_14] : memref<2x384x32xf32, #tpu.memory_space<vmem>> -> memref<1x384x32xf32, #tpu.memory_space<vmem>>
    %dma_start3A_16 = tpu.memref_squeeze %dma_start3A_15 : memref<1x384x32xf32, #tpu.memory_space<vmem>> -> memref<384x32xf32, #tpu.memory_space<vmem>>
    %dma_start3A_17 = arith.constant 0 : i32
    %dma_start3A_18 = tpu.memref_slice %arg2[%add3A_6, %dma_start3A_17] : memref<811008x32xf32, #tpu.memory_space<hbm>> -> memref<384x32xf32, #tpu.memory_space<hbm>>
    tpu.enqueue_dma source(%dma_start3A_18 : memref<384x32xf32, #tpu.memory_space<hbm>>) target(%dma_start3A_16 : memref<384x32xf32, #tpu.memory_space<vmem>>) target_semaphore(%arg9 : memref<!tpu.dma_semaphore, #tpu.memory_space<semaphore_mem>>)
    %dma_start3A_19 = arith.constant 0 : i32
    %dma_start3A_20 = arith.constant 0 : i32
    %dma_start3A_21 = arith.constant 0 : i32
    %dma_start3A_22 = arith.constant 0 : i32
    %dma_start3A_23 = tpu.memref_slice %arg6[%dma_start3A_20, %dma_start3A_21, %dma_start3A_22] : memref<2x3x128xi32, #tpu.memory_space<vmem>> -> memref<1x3x128xi32, #tpu.memory_space<vmem>>
    %dma_start3A_24 = tpu.memref_squeeze %dma_start3A_23 : memref<1x3x128xi32, #tpu.memory_space<vmem>> -> memref<3x128xi32, #tpu.memory_space<vmem>>
    %dma_start3A_25 = arith.constant 0 : i32
    %dma_start3A_26 = arith.constant 0 : i32
    %dma_start3A_27 = arith.constant 0 : i32
    %dma_start3A_28 = tpu.memref_slice %arg3[%add3A, %dma_start3A_25, %dma_start3A_26, %dma_start3A_27] : memref<32x66x3x128xi32, #tpu.memory_space<hbm>> -> memref<1x66x3x128xi32, #tpu.memory_space<hbm>>
    %dma_start3A_29 = tpu.memref_squeeze %dma_start3A_28 : memref<1x66x3x128xi32, #tpu.memory_space<hbm>> -> memref<66x3x128xi32, #tpu.memory_space<hbm>>
    %dma_start3A_30 = arith.constant 0 : i32
    %dma_start3A_31 = arith.constant 0 : i32
    %dma_start3A_32 = tpu.memref_slice %dma_start3A_29[%dma_start3A_19, %dma_start3A_30, %dma_start3A_31] : memref<66x3x128xi32, #tpu.memory_space<hbm>> -> memref<1x3x128xi32, #tpu.memory_space<hbm>>
    %dma_start3A_33 = tpu.memref_squeeze %dma_start3A_32 : memref<1x3x128xi32, #tpu.memory_space<hbm>> -> memref<3x128xi32, #tpu.memory_space<hbm>>
    %dma_start3A_34 = arith.constant 0 : i32
    %dma_start3A_35 = arith.constant 0 : i32
    %dma_start3A_36 = tpu.memref_slice %arg6[%dma_start3A_20, %dma_start3A_34, %dma_start3A_35] : memref<2x3x128xi32, #tpu.memory_space<vmem>> -> memref<1x3x128xi32, #tpu.memory_space<vmem>>
    %dma_start3A_37 = tpu.memref_squeeze %dma_start3A_36 : memref<1x3x128xi32, #tpu.memory_space<vmem>> -> memref<3x128xi32, #tpu.memory_space<vmem>>
    %dma_start3A_38 = arith.constant 0 : i32
    %dma_start3A_39 = arith.constant 0 : i32
    %dma_start3A_40 = arith.constant 0 : i32
    %dma_start3A_41 = tpu.memref_slice %arg3[%add3A, %dma_start3A_38, %dma_start3A_39, %dma_start3A_40] : memref<32x66x3x128xi32, #tpu.memory_space<hbm>> -> memref<1x66x3x128xi32, #tpu.memory_space<hbm>>
    %dma_start3A_42 = tpu.memref_squeeze %dma_start3A_41 : memref<1x66x3x128xi32, #tpu.memory_space<hbm>> -> memref<66x3x128xi32, #tpu.memory_space<hbm>>
    %dma_start3A_43 = arith.constant 0 : i32
    %dma_start3A_44 = arith.constant 0 : i32
    %dma_start3A_45 = tpu.memref_slice %dma_start3A_42[%dma_start3A_19, %dma_start3A_43, %dma_start3A_44] : memref<66x3x128xi32, #tpu.memory_space<hbm>> -> memref<1x3x128xi32, #tpu.memory_space<hbm>>
    %dma_start3A_46 = tpu.memref_squeeze %dma_start3A_45 : memref<1x3x128xi32, #tpu.memory_space<hbm>> -> memref<3x128xi32, #tpu.memory_space<hbm>>
    tpu.enqueue_dma source(%dma_start3A_46 : memref<3x128xi32, #tpu.memory_space<hbm>>) target(%dma_start3A_37 : memref<3x128xi32, #tpu.memory_space<vmem>>) target_semaphore(%arg9 : memref<!tpu.dma_semaphore, #tpu.memory_space<semaphore_mem>>)
    %scan3A = arith.constant 0 : i32
    %scan3A_47 = arith.constant 0 : i32
    %scan3A_48 = arith.constant 66 : i32
    %scan3A_49 = arith.addi %scan3A_47, %scan3A_48 : i32
    %scan3A_50 = arith.constant 1 : i32
    scf.for %scan3A_112 = %scan3A_47 to %scan3A_49 step %scan3A_50  : i32 {
      %rem3A_113 = arith.constant 2 : i32
      %rem3A_114 = arith.remsi %scan3A_112, %rem3A_113 : i32
      %mul3A_115 = arith.constant 384 : i32
      %mul3A_116 = arith.muli %scan3A_112, %mul3A_115 : i32
      %add3A_117 = arith.addi %mul3A_2, %mul3A_116 : i32
      %dma_wait3A_118 = arith.constant 0 : i32
      %dma_wait3A_119 = arith.constant 0 : i32
      %dma_wait3A_120 = tpu.memref_slice %arg7[%rem3A_114, %dma_wait3A_118, %dma_wait3A_119] : memref<2x384x32xf32, #tpu.memory_space<vmem>> -> memref<1x384x32xf32, #tpu.memory_space<vmem>>
      %dma_wait3A_121 = tpu.memref_squeeze %dma_wait3A_120 : memref<1x384x32xf32, #tpu.memory_space<vmem>> -> memref<384x32xf32, #tpu.memory_space<vmem>>
      %dma_wait3A_122 = arith.constant 0 : i32
      %dma_wait3A_123 = tpu.memref_slice %arg2[%add3A_117, %dma_wait3A_122] : memref<811008x32xf32, #tpu.memory_space<hbm>> -> memref<384x32xf32, #tpu.memory_space<hbm>>
      %dma_wait3A_124 = arith.constant 0 : i32
      %dma_wait3A_125 = arith.constant 0 : i32
      %dma_wait3A_126 = tpu.memref_slice %arg7[%rem3A_114, %dma_wait3A_124, %dma_wait3A_125] : memref<2x384x32xf32, #tpu.memory_space<vmem>> -> memref<1x384x32xf32, #tpu.memory_space<vmem>>
      %dma_wait3A_127 = tpu.memref_squeeze %dma_wait3A_126 : memref<1x384x32xf32, #tpu.memory_space<vmem>> -> memref<384x32xf32, #tpu.memory_space<vmem>>
      %dma_wait3A_128 = arith.constant 0 : i32
      %dma_wait3A_129 = tpu.memref_slice %arg2[%add3A_117, %dma_wait3A_128] : memref<811008x32xf32, #tpu.memory_space<hbm>> -> memref<384x32xf32, #tpu.memory_space<hbm>>
      tpu.wait_dma2 semaphore(%arg9 : memref<!tpu.dma_semaphore, #tpu.memory_space<semaphore_mem>>) src(%dma_wait3A_129 : memref<384x32xf32, #tpu.memory_space<hbm>>) dst(%dma_wait3A_127 : memref<384x32xf32, #tpu.memory_space<vmem>>)
      %dma_wait3A_130 = arith.constant 0 : i32
      %dma_wait3A_131 = arith.constant 0 : i32
      %dma_wait3A_132 = tpu.memref_slice %arg6[%rem3A_114, %dma_wait3A_130, %dma_wait3A_131] : memref<2x3x128xi32, #tpu.memory_space<vmem>> -> memref<1x3x128xi32, #tpu.memory_space<vmem>>
      %dma_wait3A_133 = tpu.memref_squeeze %dma_wait3A_132 : memref<1x3x128xi32, #tpu.memory_space<vmem>> -> memref<3x128xi32, #tpu.memory_space<vmem>>
      %dma_wait3A_134 = arith.constant 0 : i32
      %dma_wait3A_135 = arith.constant 0 : i32
      %dma_wait3A_136 = arith.constant 0 : i32
      %dma_wait3A_137 = tpu.memref_slice %arg3[%add3A, %dma_wait3A_134, %dma_wait3A_135, %dma_wait3A_136] : memref<32x66x3x128xi32, #tpu.memory_space<hbm>> -> memref<1x66x3x128xi32, #tpu.memory_space<hbm>>
      %dma_wait3A_138 = tpu.memref_squeeze %dma_wait3A_137 : memref<1x66x3x128xi32, #tpu.memory_space<hbm>> -> memref<66x3x128xi32, #tpu.memory_space<hbm>>
      %dma_wait3A_139 = arith.constant 0 : i32
      %dma_wait3A_140 = arith.constant 0 : i32
      %dma_wait3A_141 = tpu.memref_slice %dma_wait3A_138[%scan3A_112, %dma_wait3A_139, %dma_wait3A_140] : memref<66x3x128xi32, #tpu.memory_space<hbm>> -> memref<1x3x128xi32, #tpu.memory_space<hbm>>
      %dma_wait3A_142 = tpu.memref_squeeze %dma_wait3A_141 : memref<1x3x128xi32, #tpu.memory_space<hbm>> -> memref<3x128xi32, #tpu.memory_space<hbm>>
      %dma_wait3A_143 = arith.constant 0 : i32
      %dma_wait3A_144 = arith.constant 0 : i32
      %dma_wait3A_145 = tpu.memref_slice %arg6[%rem3A_114, %dma_wait3A_143, %dma_wait3A_144] : memref<2x3x128xi32, #tpu.memory_space<vmem>> -> memref<1x3x128xi32, #tpu.memory_space<vmem>>
      %dma_wait3A_146 = tpu.memref_squeeze %dma_wait3A_145 : memref<1x3x128xi32, #tpu.memory_space<vmem>> -> memref<3x128xi32, #tpu.memory_space<vmem>>
      %dma_wait3A_147 = arith.constant 0 : i32
      %dma_wait3A_148 = arith.constant 0 : i32
      %dma_wait3A_149 = arith.constant 0 : i32
      %dma_wait3A_150 = tpu.memref_slice %arg3[%add3A, %dma_wait3A_147, %dma_wait3A_148, %dma_wait3A_149] : memref<32x66x3x128xi32, #tpu.memory_space<hbm>> -> memref<1x66x3x128xi32, #tpu.memory_space<hbm>>
      %dma_wait3A_151 = tpu.memref_squeeze %dma_wait3A_150 : memref<1x66x3x128xi32, #tpu.memory_space<hbm>> -> memref<66x3x128xi32, #tpu.memory_space<hbm>>
      %dma_wait3A_152 = arith.constant 0 : i32
      %dma_wait3A_153 = arith.constant 0 : i32
      %dma_wait3A_154 = tpu.memref_slice %dma_wait3A_151[%scan3A_112, %dma_wait3A_152, %dma_wait3A_153] : memref<66x3x128xi32, #tpu.memory_space<hbm>> -> memref<1x3x128xi32, #tpu.memory_space<hbm>>
      %dma_wait3A_155 = tpu.memref_squeeze %dma_wait3A_154 : memref<1x3x128xi32, #tpu.memory_space<hbm>> -> memref<3x128xi32, #tpu.memory_space<hbm>>
      tpu.wait_dma2 semaphore(%arg9 : memref<!tpu.dma_semaphore, #tpu.memory_space<semaphore_mem>>) src(%dma_wait3A_155 : memref<3x128xi32, #tpu.memory_space<hbm>>) dst(%dma_wait3A_146 : memref<3x128xi32, #tpu.memory_space<vmem>>)
      %ge3A = arith.constant 1 : i32
      %ge3A_156 = arith.cmpi sge, %scan3A_112, %ge3A : i32
      %convert_element_type3A = arith.extui %ge3A_156 : i1 to i32
      %cond3A = arith.constant 0 : i32
      %cond3A_157 = arith.cmpi ne, %convert_element_type3A, %cond3A : i32
      scf.if %cond3A_157 {
        %sub3A = arith.constant 1 : i32
        %sub3A_218 = arith.subi %scan3A_112, %sub3A : i32
        %sub3A_219 = arith.constant 1 : i32
        %sub3A_220 = arith.subi %sub3A_219, %rem3A_114 : i32
        %dma_wait3A_221 = arith.constant 0 : i32
        %dma_wait3A_222 = arith.constant 0 : i32
        %dma_wait3A_223 = arith.constant 0 : i32
        %dma_wait3A_224 = tpu.memref_slice %arg7[%sub3A_220, %dma_wait3A_222, %dma_wait3A_223] : memref<2x384x32xf32, #tpu.memory_space<vmem>> -> memref<1x384x32xf32, #tpu.memory_space<vmem>>
        %dma_wait3A_225 = tpu.memref_squeeze %dma_wait3A_224 : memref<1x384x32xf32, #tpu.memory_space<vmem>> -> memref<384x32xf32, #tpu.memory_space<vmem>>
        %dma_wait3A_226 = arith.constant 0 : i32
        %dma_wait3A_227 = arith.constant 0 : i32
        %dma_wait3A_228 = tpu.memref_slice %dma_wait3A_225[%dma_wait3A_226, %dma_wait3A_227] : memref<384x32xf32, #tpu.memory_space<vmem>> -> memref<128x32xf32, #tpu.memory_space<vmem>>
        %dma_wait3A_229 = arith.constant 0 : i32
        %dma_wait3A_230 = arith.constant 0 : i32
        %dma_wait3A_231 = tpu.memref_slice %arg6[%sub3A_220, %dma_wait3A_229, %dma_wait3A_230] : memref<2x3x128xi32, #tpu.memory_space<vmem>> -> memref<1x3x128xi32, #tpu.memory_space<vmem>>
        %dma_wait3A_232 = tpu.memref_squeeze %dma_wait3A_231 : memref<1x3x128xi32, #tpu.memory_space<vmem>> -> memref<3x128xi32, #tpu.memory_space<vmem>>
        %dma_wait3A_233 = arith.constant 0 : i32
        %dma_wait3A_234 = tpu.memref_slice %dma_wait3A_232[%dma_wait3A_221, %dma_wait3A_233] : memref<3x128xi32, #tpu.memory_space<vmem>> -> memref<1x128xi32, #tpu.memory_space<vmem>>
        %dma_wait3A_235 = tpu.memref_squeeze %dma_wait3A_234 : memref<1x128xi32, #tpu.memory_space<vmem>> -> memref<128xi32, #tpu.memory_space<vmem>>
        %dma_wait3A_236 = arith.constant 0 : i32
        %dma_wait3A_237 = arith.constant 0 : i32
        %dma_wait3A_238 = tpu.memref_slice %arg8[%dma_wait3A_236, %dma_wait3A_237] : memref<50176x32xf32, #tpu.memory_space<vmem_shared>> -> memref<50176x32xf32, #tpu.memory_space<vmem_shared>>
        tpu.wait_indirect_dma semaphore(%arg10 : memref<!tpu.dma_semaphore, #tpu.memory_space<semaphore_mem>>) src(%dma_wait3A_228 : memref<128x32xf32, #tpu.memory_space<vmem>>) dst(%dma_wait3A_238 : memref<50176x32xf32, #tpu.memory_space<vmem_shared>>)
        %dma_wait3A_239 = arith.constant 1 : i32
        %dma_wait3A_240 = arith.constant 0 : i32
        %dma_wait3A_241 = arith.constant 0 : i32
        %dma_wait3A_242 = tpu.memref_slice %arg7[%sub3A_220, %dma_wait3A_240, %dma_wait3A_241] : memref<2x384x32xf32, #tpu.memory_space<vmem>> -> memref<1x384x32xf32, #tpu.memory_space<vmem>>
        %dma_wait3A_243 = tpu.memref_squeeze %dma_wait3A_242 : memref<1x384x32xf32, #tpu.memory_space<vmem>> -> memref<384x32xf32, #tpu.memory_space<vmem>>
        %dma_wait3A_244 = arith.constant 128 : i32
        %dma_wait3A_245 = arith.constant 0 : i32
        %dma_wait3A_246 = tpu.memref_slice %dma_wait3A_243[%dma_wait3A_244, %dma_wait3A_245] : memref<384x32xf32, #tpu.memory_space<vmem>> -> memref<128x32xf32, #tpu.memory_space<vmem>>
        %dma_wait3A_247 = arith.constant 0 : i32
        %dma_wait3A_248 = arith.constant 0 : i32
        %dma_wait3A_249 = tpu.memref_slice %arg6[%sub3A_220, %dma_wait3A_247, %dma_wait3A_248] : memref<2x3x128xi32, #tpu.memory_space<vmem>> -> memref<1x3x128xi32, #tpu.memory_space<vmem>>
        %dma_wait3A_250 = tpu.memref_squeeze %dma_wait3A_249 : memref<1x3x128xi32, #tpu.memory_space<vmem>> -> memref<3x128xi32, #tpu.memory_space<vmem>>
        %dma_wait3A_251 = arith.constant 0 : i32
        %dma_wait3A_252 = tpu.memref_slice %dma_wait3A_250[%dma_wait3A_239, %dma_wait3A_251] : memref<3x128xi32, #tpu.memory_space<vmem>> -> memref<1x128xi32, #tpu.memory_space<vmem>>
        %dma_wait3A_253 = tpu.memref_squeeze %dma_wait3A_252 : memref<1x128xi32, #tpu.memory_space<vmem>> -> memref<128xi32, #tpu.memory_space<vmem>>
        %dma_wait3A_254 = arith.constant 0 : i32
        %dma_wait3A_255 = arith.constant 0 : i32
        %dma_wait3A_256 = tpu.memref_slice %arg8[%dma_wait3A_254, %dma_wait3A_255] : memref<50176x32xf32, #tpu.memory_space<vmem_shared>> -> memref<50176x32xf32, #tpu.memory_space<vmem_shared>>
        tpu.wait_indirect_dma semaphore(%arg10 : memref<!tpu.dma_semaphore, #tpu.memory_space<semaphore_mem>>) src(%dma_wait3A_246 : memref<128x32xf32, #tpu.memory_space<vmem>>) dst(%dma_wait3A_256 : memref<50176x32xf32, #tpu.memory_space<vmem_shared>>)
        %dma_wait3A_257 = arith.constant 2 : i32
        %dma_wait3A_258 = arith.constant 0 : i32
        %dma_wait3A_259 = arith.constant 0 : i32
        %dma_wait3A_260 = tpu.memref_slice %arg7[%sub3A_220, %dma_wait3A_258, %dma_wait3A_259] : memref<2x384x32xf32, #tpu.memory_space<vmem>> -> memref<1x384x32xf32, #tpu.memory_space<vmem>>
        %dma_wait3A_261 = tpu.memref_squeeze %dma_wait3A_260 : memref<1x384x32xf32, #tpu.memory_space<vmem>> -> memref<384x32xf32, #tpu.memory_space<vmem>>
        %dma_wait3A_262 = arith.constant 256 : i32
        %dma_wait3A_263 = arith.constant 0 : i32
        %dma_wait3A_264 = tpu.memref_slice %dma_wait3A_261[%dma_wait3A_262, %dma_wait3A_263] : memref<384x32xf32, #tpu.memory_space<vmem>> -> memref<128x32xf32, #tpu.memory_space<vmem>>
        %dma_wait3A_265 = arith.constant 0 : i32
        %dma_wait3A_266 = arith.constant 0 : i32
        %dma_wait3A_267 = tpu.memref_slice %arg6[%sub3A_220, %dma_wait3A_265, %dma_wait3A_266] : memref<2x3x128xi32, #tpu.memory_space<vmem>> -> memref<1x3x128xi32, #tpu.memory_space<vmem>>
        %dma_wait3A_268 = tpu.memref_squeeze %dma_wait3A_267 : memref<1x3x128xi32, #tpu.memory_space<vmem>> -> memref<3x128xi32, #tpu.memory_space<vmem>>
        %dma_wait3A_269 = arith.constant 0 : i32
        %dma_wait3A_270 = tpu.memref_slice %dma_wait3A_268[%dma_wait3A_257, %dma_wait3A_269] : memref<3x128xi32, #tpu.memory_space<vmem>> -> memref<1x128xi32, #tpu.memory_space<vmem>>
        %dma_wait3A_271 = tpu.memref_squeeze %dma_wait3A_270 : memref<1x128xi32, #tpu.memory_space<vmem>> -> memref<128xi32, #tpu.memory_space<vmem>>
        %dma_wait3A_272 = arith.constant 0 : i32
        %dma_wait3A_273 = arith.constant 0 : i32
        %dma_wait3A_274 = tpu.memref_slice %arg8[%dma_wait3A_272, %dma_wait3A_273] : memref<50176x32xf32, #tpu.memory_space<vmem_shared>> -> memref<50176x32xf32, #tpu.memory_space<vmem_shared>>
        tpu.wait_indirect_dma semaphore(%arg10 : memref<!tpu.dma_semaphore, #tpu.memory_space<semaphore_mem>>) src(%dma_wait3A_264 : memref<128x32xf32, #tpu.memory_space<vmem>>) dst(%dma_wait3A_274 : memref<50176x32xf32, #tpu.memory_space<vmem_shared>>)
      } else {
      }
      %add3A_158 = arith.constant 1 : i32
      %add3A_159 = arith.addi %scan3A_112, %add3A_158 : i32
      %lt3A = arith.constant 66 : i32
      %lt3A_160 = arith.cmpi slt, %add3A_159, %lt3A : i32
      %convert_element_type3A_161 = arith.extui %lt3A_160 : i1 to i32
      %cond3A_162 = arith.constant 0 : i32
      %cond3A_163 = arith.cmpi ne, %convert_element_type3A_161, %cond3A_162 : i32
      scf.if %cond3A_163 {
        %add3A_218 = arith.constant 1 : i32
        %add3A_219 = arith.addi %scan3A_112, %add3A_218 : i32
        %sub3A = arith.constant 1 : i32
        %sub3A_220 = arith.subi %sub3A, %rem3A_114 : i32
        %mul3A_221 = arith.constant 384 : i32
        %mul3A_222 = arith.muli %add3A_219, %mul3A_221 : i32
        %add3A_223 = arith.addi %mul3A_2, %mul3A_222 : i32
        %dma_start3A_224 = arith.constant 0 : i32
        %dma_start3A_225 = arith.constant 0 : i32
        %dma_start3A_226 = tpu.memref_slice %arg7[%sub3A_220, %dma_start3A_224, %dma_start3A_225] : memref<2x384x32xf32, #tpu.memory_space<vmem>> -> memref<1x384x32xf32, #tpu.memory_space<vmem>>
        %dma_start3A_227 = tpu.memref_squeeze %dma_start3A_226 : memref<1x384x32xf32, #tpu.memory_space<vmem>> -> memref<384x32xf32, #tpu.memory_space<vmem>>
        %dma_start3A_228 = arith.constant 0 : i32
        %dma_start3A_229 = tpu.memref_slice %arg2[%add3A_223, %dma_start3A_228] : memref<811008x32xf32, #tpu.memory_space<hbm>> -> memref<384x32xf32, #tpu.memory_space<hbm>>
        %dma_start3A_230 = arith.constant 0 : i32
        %dma_start3A_231 = arith.constant 0 : i32
        %dma_start3A_232 = tpu.memref_slice %arg7[%sub3A_220, %dma_start3A_230, %dma_start3A_231] : memref<2x384x32xf32, #tpu.memory_space<vmem>> -> memref<1x384x32xf32, #tpu.memory_space<vmem>>
        %dma_start3A_233 = tpu.memref_squeeze %dma_start3A_232 : memref<1x384x32xf32, #tpu.memory_space<vmem>> -> memref<384x32xf32, #tpu.memory_space<vmem>>
        %dma_start3A_234 = arith.constant 0 : i32
        %dma_start3A_235 = tpu.memref_slice %arg2[%add3A_223, %dma_start3A_234] : memref<811008x32xf32, #tpu.memory_space<hbm>> -> memref<384x32xf32, #tpu.memory_space<hbm>>
        tpu.enqueue_dma source(%dma_start3A_235 : memref<384x32xf32, #tpu.memory_space<hbm>>) target(%dma_start3A_233 : memref<384x32xf32, #tpu.memory_space<vmem>>) target_semaphore(%arg9 : memref<!tpu.dma_semaphore, #tpu.memory_space<semaphore_mem>>)
        %dma_start3A_236 = arith.constant 0 : i32
        %dma_start3A_237 = arith.constant 0 : i32
        %dma_start3A_238 = tpu.memref_slice %arg6[%sub3A_220, %dma_start3A_236, %dma_start3A_237] : memref<2x3x128xi32, #tpu.memory_space<vmem>> -> memref<1x3x128xi32, #tpu.memory_space<vmem>>
        %dma_start3A_239 = tpu.memref_squeeze %dma_start3A_238 : memref<1x3x128xi32, #tpu.memory_space<vmem>> -> memref<3x128xi32, #tpu.memory_space<vmem>>
        %dma_start3A_240 = arith.constant 0 : i32
        %dma_start3A_241 = arith.constant 0 : i32
        %dma_start3A_242 = arith.constant 0 : i32
        %dma_start3A_243 = tpu.memref_slice %arg3[%add3A, %dma_start3A_240, %dma_start3A_241, %dma_start3A_242] : memref<32x66x3x128xi32, #tpu.memory_space<hbm>> -> memref<1x66x3x128xi32, #tpu.memory_space<hbm>>
        %dma_start3A_244 = tpu.memref_squeeze %dma_start3A_243 : memref<1x66x3x128xi32, #tpu.memory_space<hbm>> -> memref<66x3x128xi32, #tpu.memory_space<hbm>>
        %dma_start3A_245 = arith.constant 0 : i32
        %dma_start3A_246 = arith.constant 0 : i32
        %dma_start3A_247 = tpu.memref_slice %dma_start3A_244[%add3A_219, %dma_start3A_245, %dma_start3A_246] : memref<66x3x128xi32, #tpu.memory_space<hbm>> -> memref<1x3x128xi32, #tpu.memory_space<hbm>>
        %dma_start3A_248 = tpu.memref_squeeze %dma_start3A_247 : memref<1x3x128xi32, #tpu.memory_space<hbm>> -> memref<3x128xi32, #tpu.memory_space<hbm>>
        %dma_start3A_249 = arith.constant 0 : i32
        %dma_start3A_250 = arith.constant 0 : i32
        %dma_start3A_251 = tpu.memref_slice %arg6[%sub3A_220, %dma_start3A_249, %dma_start3A_250] : memref<2x3x128xi32, #tpu.memory_space<vmem>> -> memref<1x3x128xi32, #tpu.memory_space<vmem>>
        %dma_start3A_252 = tpu.memref_squeeze %dma_start3A_251 : memref<1x3x128xi32, #tpu.memory_space<vmem>> -> memref<3x128xi32, #tpu.memory_space<vmem>>
        %dma_start3A_253 = arith.constant 0 : i32
        %dma_start3A_254 = arith.constant 0 : i32
        %dma_start3A_255 = arith.constant 0 : i32
        %dma_start3A_256 = tpu.memref_slice %arg3[%add3A, %dma_start3A_253, %dma_start3A_254, %dma_start3A_255] : memref<32x66x3x128xi32, #tpu.memory_space<hbm>> -> memref<1x66x3x128xi32, #tpu.memory_space<hbm>>
        %dma_start3A_257 = tpu.memref_squeeze %dma_start3A_256 : memref<1x66x3x128xi32, #tpu.memory_space<hbm>> -> memref<66x3x128xi32, #tpu.memory_space<hbm>>
        %dma_start3A_258 = arith.constant 0 : i32
        %dma_start3A_259 = arith.constant 0 : i32
        %dma_start3A_260 = tpu.memref_slice %dma_start3A_257[%add3A_219, %dma_start3A_258, %dma_start3A_259] : memref<66x3x128xi32, #tpu.memory_space<hbm>> -> memref<1x3x128xi32, #tpu.memory_space<hbm>>
        %dma_start3A_261 = tpu.memref_squeeze %dma_start3A_260 : memref<1x3x128xi32, #tpu.memory_space<hbm>> -> memref<3x128xi32, #tpu.memory_space<hbm>>
        tpu.enqueue_dma source(%dma_start3A_261 : memref<3x128xi32, #tpu.memory_space<hbm>>) target(%dma_start3A_252 : memref<3x128xi32, #tpu.memory_space<vmem>>) target_semaphore(%arg9 : memref<!tpu.dma_semaphore, #tpu.memory_space<semaphore_mem>>)
      } else {
      }
      %dma_start3A_164 = arith.constant 0 : i32
      %dma_start3A_165 = arith.constant 0 : i32
      %dma_start3A_166 = arith.constant 0 : i32
      %dma_start3A_167 = tpu.memref_slice %arg7[%rem3A_114, %dma_start3A_165, %dma_start3A_166] : memref<2x384x32xf32, #tpu.memory_space<vmem>> -> memref<1x384x32xf32, #tpu.memory_space<vmem>>
      %dma_start3A_168 = tpu.memref_squeeze %dma_start3A_167 : memref<1x384x32xf32, #tpu.memory_space<vmem>> -> memref<384x32xf32, #tpu.memory_space<vmem>>
      %dma_start3A_169 = arith.constant 0 : i32
      %dma_start3A_170 = arith.constant 0 : i32
      %dma_start3A_171 = tpu.memref_slice %dma_start3A_168[%dma_start3A_169, %dma_start3A_170] : memref<384x32xf32, #tpu.memory_space<vmem>> -> memref<128x32xf32, #tpu.memory_space<vmem>>
      %dma_start3A_172 = arith.constant 0 : i32
      %dma_start3A_173 = arith.constant 0 : i32
      %dma_start3A_174 = tpu.memref_slice %arg6[%rem3A_114, %dma_start3A_172, %dma_start3A_173] : memref<2x3x128xi32, #tpu.memory_space<vmem>> -> memref<1x3x128xi32, #tpu.memory_space<vmem>>
      %dma_start3A_175 = tpu.memref_squeeze %dma_start3A_174 : memref<1x3x128xi32, #tpu.memory_space<vmem>> -> memref<3x128xi32, #tpu.memory_space<vmem>>
      %dma_start3A_176 = arith.constant 0 : i32
      %dma_start3A_177 = tpu.memref_slice %dma_start3A_175[%dma_start3A_164, %dma_start3A_176] : memref<3x128xi32, #tpu.memory_space<vmem>> -> memref<1x128xi32, #tpu.memory_space<vmem>>
      %dma_start3A_178 = tpu.memref_squeeze %dma_start3A_177 : memref<1x128xi32, #tpu.memory_space<vmem>> -> memref<128xi32, #tpu.memory_space<vmem>>
      %dma_start3A_179 = arith.constant 0 : i32
      %dma_start3A_180 = arith.constant 0 : i32
      %dma_start3A_181 = tpu.memref_slice %arg8[%dma_start3A_179, %dma_start3A_180] : memref<50176x32xf32, #tpu.memory_space<vmem_shared>> -> memref<50176x32xf32, #tpu.memory_space<vmem_shared>>
      tpu.enqueue_indirect_dma source(%dma_start3A_171 : memref<128x32xf32, #tpu.memory_space<vmem>>) target(%dma_start3A_181 : memref<50176x32xf32, #tpu.memory_space<vmem_shared>>) offsets(%dma_start3A_178 : memref<128xi32, #tpu.memory_space<vmem>>) semaphore(%arg10 : memref<!tpu.dma_semaphore, #tpu.memory_space<semaphore_mem>>) {add = true}
      %dma_start3A_182 = arith.constant 1 : i32
      %dma_start3A_183 = arith.constant 0 : i32
      %dma_start3A_184 = arith.constant 0 : i32
      %dma_start3A_185 = tpu.memref_slice %arg7[%rem3A_114, %dma_start3A_183, %dma_start3A_184] : memref<2x384x32xf32, #tpu.memory_space<vmem>> -> memref<1x384x32xf32, #tpu.memory_space<vmem>>
      %dma_start3A_186 = tpu.memref_squeeze %dma_start3A_185 : memref<1x384x32xf32, #tpu.memory_space<vmem>> -> memref<384x32xf32, #tpu.memory_space<vmem>>
      %dma_start3A_187 = arith.constant 128 : i32
      %dma_start3A_188 = arith.constant 0 : i32
      %dma_start3A_189 = tpu.memref_slice %dma_start3A_186[%dma_start3A_187, %dma_start3A_188] : memref<384x32xf32, #tpu.memory_space<vmem>> -> memref<128x32xf32, #tpu.memory_space<vmem>>
      %dma_start3A_190 = arith.constant 0 : i32
      %dma_start3A_191 = arith.constant 0 : i32
      %dma_start3A_192 = tpu.memref_slice %arg6[%rem3A_114, %dma_start3A_190, %dma_start3A_191] : memref<2x3x128xi32, #tpu.memory_space<vmem>> -> memref<1x3x128xi32, #tpu.memory_space<vmem>>
      %dma_start3A_193 = tpu.memref_squeeze %dma_start3A_192 : memref<1x3x128xi32, #tpu.memory_space<vmem>> -> memref<3x128xi32, #tpu.memory_space<vmem>>
      %dma_start3A_194 = arith.constant 0 : i32
      %dma_start3A_195 = tpu.memref_slice %dma_start3A_193[%dma_start3A_182, %dma_start3A_194] : memref<3x128xi32, #tpu.memory_space<vmem>> -> memref<1x128xi32, #tpu.memory_space<vmem>>
      %dma_start3A_196 = tpu.memref_squeeze %dma_start3A_195 : memref<1x128xi32, #tpu.memory_space<vmem>> -> memref<128xi32, #tpu.memory_space<vmem>>
      %dma_start3A_197 = arith.constant 0 : i32
      %dma_start3A_198 = arith.constant 0 : i32
      %dma_start3A_199 = tpu.memref_slice %arg8[%dma_start3A_197, %dma_start3A_198] : memref<50176x32xf32, #tpu.memory_space<vmem_shared>> -> memref<50176x32xf32, #tpu.memory_space<vmem_shared>>
      tpu.enqueue_indirect_dma source(%dma_start3A_189 : memref<128x32xf32, #tpu.memory_space<vmem>>) target(%dma_start3A_199 : memref<50176x32xf32, #tpu.memory_space<vmem_shared>>) offsets(%dma_start3A_196 : memref<128xi32, #tpu.memory_space<vmem>>) semaphore(%arg10 : memref<!tpu.dma_semaphore, #tpu.memory_space<semaphore_mem>>) {add = true}
      %dma_start3A_200 = arith.constant 2 : i32
      %dma_start3A_201 = arith.constant 0 : i32
      %dma_start3A_202 = arith.constant 0 : i32
      %dma_start3A_203 = tpu.memref_slice %arg7[%rem3A_114, %dma_start3A_201, %dma_start3A_202] : memref<2x384x32xf32, #tpu.memory_space<vmem>> -> memref<1x384x32xf32, #tpu.memory_space<vmem>>
      %dma_start3A_204 = tpu.memref_squeeze %dma_start3A_203 : memref<1x384x32xf32, #tpu.memory_space<vmem>> -> memref<384x32xf32, #tpu.memory_space<vmem>>
      %dma_start3A_205 = arith.constant 256 : i32
      %dma_start3A_206 = arith.constant 0 : i32
      %dma_start3A_207 = tpu.memref_slice %dma_start3A_204[%dma_start3A_205, %dma_start3A_206] : memref<384x32xf32, #tpu.memory_space<vmem>> -> memref<128x32xf32, #tpu.memory_space<vmem>>
      %dma_start3A_208 = arith.constant 0 : i32
      %dma_start3A_209 = arith.constant 0 : i32
      %dma_start3A_210 = tpu.memref_slice %arg6[%rem3A_114, %dma_start3A_208, %dma_start3A_209] : memref<2x3x128xi32, #tpu.memory_space<vmem>> -> memref<1x3x128xi32, #tpu.memory_space<vmem>>
      %dma_start3A_211 = tpu.memref_squeeze %dma_start3A_210 : memref<1x3x128xi32, #tpu.memory_space<vmem>> -> memref<3x128xi32, #tpu.memory_space<vmem>>
      %dma_start3A_212 = arith.constant 0 : i32
      %dma_start3A_213 = tpu.memref_slice %dma_start3A_211[%dma_start3A_200, %dma_start3A_212] : memref<3x128xi32, #tpu.memory_space<vmem>> -> memref<1x128xi32, #tpu.memory_space<vmem>>
      %dma_start3A_214 = tpu.memref_squeeze %dma_start3A_213 : memref<1x128xi32, #tpu.memory_space<vmem>> -> memref<128xi32, #tpu.memory_space<vmem>>
      %dma_start3A_215 = arith.constant 0 : i32
      %dma_start3A_216 = arith.constant 0 : i32
      %dma_start3A_217 = tpu.memref_slice %arg8[%dma_start3A_215, %dma_start3A_216] : memref<50176x32xf32, #tpu.memory_space<vmem_shared>> -> memref<50176x32xf32, #tpu.memory_space<vmem_shared>>
      tpu.enqueue_indirect_dma source(%dma_start3A_207 : memref<128x32xf32, #tpu.memory_space<vmem>>) target(%dma_start3A_217 : memref<50176x32xf32, #tpu.memory_space<vmem_shared>>) offsets(%dma_start3A_214 : memref<128xi32, #tpu.memory_space<vmem>>) semaphore(%arg10 : memref<!tpu.dma_semaphore, #tpu.memory_space<semaphore_mem>>) {add = true}
    }
    %scan3A_51 = arith.constant 66 : i32
    %rem3A = arith.constant 65 : i32
    %rem3A_52 = arith.constant 2 : i32
    %rem3A_53 = arith.remsi %rem3A, %rem3A_52 : i32
    %dma_wait3A = arith.constant 0 : i32
    %dma_wait3A_54 = arith.constant 0 : i32
    %dma_wait3A_55 = arith.constant 0 : i32
    %dma_wait3A_56 = tpu.memref_slice %arg7[%rem3A_53, %dma_wait3A_54, %dma_wait3A_55] : memref<2x384x32xf32, #tpu.memory_space<vmem>> -> memref<1x384x32xf32, #tpu.memory_space<vmem>>
    %dma_wait3A_57 = tpu.memref_squeeze %dma_wait3A_56 : memref<1x384x32xf32, #tpu.memory_space<vmem>> -> memref<384x32xf32, #tpu.memory_space<vmem>>
    %dma_wait3A_58 = arith.constant 0 : i32
    %dma_wait3A_59 = arith.constant 0 : i32
    %dma_wait3A_60 = tpu.memref_slice %dma_wait3A_57[%dma_wait3A_58, %dma_wait3A_59] : memref<384x32xf32, #tpu.memory_space<vmem>> -> memref<128x32xf32, #tpu.memory_space<vmem>>
    %dma_wait3A_61 = arith.constant 0 : i32
    %dma_wait3A_62 = arith.constant 0 : i32
    %dma_wait3A_63 = tpu.memref_slice %arg6[%rem3A_53, %dma_wait3A_61, %dma_wait3A_62] : memref<2x3x128xi32, #tpu.memory_space<vmem>> -> memref<1x3x128xi32, #tpu.memory_space<vmem>>
    %dma_wait3A_64 = tpu.memref_squeeze %dma_wait3A_63 : memref<1x3x128xi32, #tpu.memory_space<vmem>> -> memref<3x128xi32, #tpu.memory_space<vmem>>
    %dma_wait3A_65 = arith.constant 0 : i32
    %dma_wait3A_66 = tpu.memref_slice %dma_wait3A_64[%dma_wait3A, %dma_wait3A_65] : memref<3x128xi32, #tpu.memory_space<vmem>> -> memref<1x128xi32, #tpu.memory_space<vmem>>
    %dma_wait3A_67 = tpu.memref_squeeze %dma_wait3A_66 : memref<1x128xi32, #tpu.memory_space<vmem>> -> memref<128xi32, #tpu.memory_space<vmem>>
    %dma_wait3A_68 = arith.constant 0 : i32
    %dma_wait3A_69 = arith.constant 0 : i32
    %dma_wait3A_70 = tpu.memref_slice %arg8[%dma_wait3A_68, %dma_wait3A_69] : memref<50176x32xf32, #tpu.memory_space<vmem_shared>> -> memref<50176x32xf32, #tpu.memory_space<vmem_shared>>
    tpu.wait_indirect_dma semaphore(%arg10 : memref<!tpu.dma_semaphore, #tpu.memory_space<semaphore_mem>>) src(%dma_wait3A_60 : memref<128x32xf32, #tpu.memory_space<vmem>>) dst(%dma_wait3A_70 : memref<50176x32xf32, #tpu.memory_space<vmem_shared>>)
    %dma_wait3A_71 = arith.constant 1 : i32
    %dma_wait3A_72 = arith.constant 0 : i32
    %dma_wait3A_73 = arith.constant 0 : i32
    %dma_wait3A_74 = tpu.memref_slice %arg7[%rem3A_53, %dma_wait3A_72, %dma_wait3A_73] : memref<2x384x32xf32, #tpu.memory_space<vmem>> -> memref<1x384x32xf32, #tpu.memory_space<vmem>>
    %dma_wait3A_75 = tpu.memref_squeeze %dma_wait3A_74 : memref<1x384x32xf32, #tpu.memory_space<vmem>> -> memref<384x32xf32, #tpu.memory_space<vmem>>
    %dma_wait3A_76 = arith.constant 128 : i32
    %dma_wait3A_77 = arith.constant 0 : i32
    %dma_wait3A_78 = tpu.memref_slice %dma_wait3A_75[%dma_wait3A_76, %dma_wait3A_77] : memref<384x32xf32, #tpu.memory_space<vmem>> -> memref<128x32xf32, #tpu.memory_space<vmem>>
    %dma_wait3A_79 = arith.constant 0 : i32
    %dma_wait3A_80 = arith.constant 0 : i32
    %dma_wait3A_81 = tpu.memref_slice %arg6[%rem3A_53, %dma_wait3A_79, %dma_wait3A_80] : memref<2x3x128xi32, #tpu.memory_space<vmem>> -> memref<1x3x128xi32, #tpu.memory_space<vmem>>
    %dma_wait3A_82 = tpu.memref_squeeze %dma_wait3A_81 : memref<1x3x128xi32, #tpu.memory_space<vmem>> -> memref<3x128xi32, #tpu.memory_space<vmem>>
    %dma_wait3A_83 = arith.constant 0 : i32
    %dma_wait3A_84 = tpu.memref_slice %dma_wait3A_82[%dma_wait3A_71, %dma_wait3A_83] : memref<3x128xi32, #tpu.memory_space<vmem>> -> memref<1x128xi32, #tpu.memory_space<vmem>>
    %dma_wait3A_85 = tpu.memref_squeeze %dma_wait3A_84 : memref<1x128xi32, #tpu.memory_space<vmem>> -> memref<128xi32, #tpu.memory_space<vmem>>
    %dma_wait3A_86 = arith.constant 0 : i32
    %dma_wait3A_87 = arith.constant 0 : i32
    %dma_wait3A_88 = tpu.memref_slice %arg8[%dma_wait3A_86, %dma_wait3A_87] : memref<50176x32xf32, #tpu.memory_space<vmem_shared>> -> memref<50176x32xf32, #tpu.memory_space<vmem_shared>>
    tpu.wait_indirect_dma semaphore(%arg10 : memref<!tpu.dma_semaphore, #tpu.memory_space<semaphore_mem>>) src(%dma_wait3A_78 : memref<128x32xf32, #tpu.memory_space<vmem>>) dst(%dma_wait3A_88 : memref<50176x32xf32, #tpu.memory_space<vmem_shared>>)
    %dma_wait3A_89 = arith.constant 2 : i32
    %dma_wait3A_90 = arith.constant 0 : i32
    %dma_wait3A_91 = arith.constant 0 : i32
    %dma_wait3A_92 = tpu.memref_slice %arg7[%rem3A_53, %dma_wait3A_90, %dma_wait3A_91] : memref<2x384x32xf32, #tpu.memory_space<vmem>> -> memref<1x384x32xf32, #tpu.memory_space<vmem>>
    %dma_wait3A_93 = tpu.memref_squeeze %dma_wait3A_92 : memref<1x384x32xf32, #tpu.memory_space<vmem>> -> memref<384x32xf32, #tpu.memory_space<vmem>>
    %dma_wait3A_94 = arith.constant 256 : i32
    %dma_wait3A_95 = arith.constant 0 : i32
    %dma_wait3A_96 = tpu.memref_slice %dma_wait3A_93[%dma_wait3A_94, %dma_wait3A_95] : memref<384x32xf32, #tpu.memory_space<vmem>> -> memref<128x32xf32, #tpu.memory_space<vmem>>
    %dma_wait3A_97 = arith.constant 0 : i32
    %dma_wait3A_98 = arith.constant 0 : i32
    %dma_wait3A_99 = tpu.memref_slice %arg6[%rem3A_53, %dma_wait3A_97, %dma_wait3A_98] : memref<2x3x128xi32, #tpu.memory_space<vmem>> -> memref<1x3x128xi32, #tpu.memory_space<vmem>>
    %dma_wait3A_100 = tpu.memref_squeeze %dma_wait3A_99 : memref<1x3x128xi32, #tpu.memory_space<vmem>> -> memref<3x128xi32, #tpu.memory_space<vmem>>
    %dma_wait3A_101 = arith.constant 0 : i32
    %dma_wait3A_102 = tpu.memref_slice %dma_wait3A_100[%dma_wait3A_89, %dma_wait3A_101] : memref<3x128xi32, #tpu.memory_space<vmem>> -> memref<1x128xi32, #tpu.memory_space<vmem>>
    %dma_wait3A_103 = tpu.memref_squeeze %dma_wait3A_102 : memref<1x128xi32, #tpu.memory_space<vmem>> -> memref<128xi32, #tpu.memory_space<vmem>>
    %dma_wait3A_104 = arith.constant 0 : i32
    %dma_wait3A_105 = arith.constant 0 : i32
    %dma_wait3A_106 = tpu.memref_slice %arg8[%dma_wait3A_104, %dma_wait3A_105] : memref<50176x32xf32, #tpu.memory_space<vmem_shared>> -> memref<50176x32xf32, #tpu.memory_space<vmem_shared>>
    tpu.wait_indirect_dma semaphore(%arg10 : memref<!tpu.dma_semaphore, #tpu.memory_space<semaphore_mem>>) src(%dma_wait3A_96 : memref<128x32xf32, #tpu.memory_space<vmem>>) dst(%dma_wait3A_106 : memref<50176x32xf32, #tpu.memory_space<vmem_shared>>)
    %barrier3A_107 = arith.constant 0 : index
    tpu.barrier barrier_id(%barrier3A_107)
    %mul3A_108 = arith.constant 3136 : i32
    %mul3A_109 = arith.muli %arg1, %mul3A_108 : i32
    %mul3A_110 = arith.constant 3136 : i32
    %mul3A_111 = arith.muli %arg1, %mul3A_110 : i32
    "tpu.region"() ({
      %run_scoped3A = tpu.sem_alloc : memref<!tpu.dma_semaphore, #tpu.memory_space<semaphore_mem>>
      %dma_start3A_112 = arith.constant 0 : i32
      %dma_start3A_113 = arith.constant 0 : i32
      %dma_start3A_114 = tpu.memref_slice %arg5[%arg0, %dma_start3A_112, %dma_start3A_113] : memref<2x50176x32xf32, #tpu.memory_space<hbm>> -> memref<1x50176x32xf32, #tpu.memory_space<hbm>>
      %dma_start3A_115 = tpu.memref_squeeze %dma_start3A_114 : memref<1x50176x32xf32, #tpu.memory_space<hbm>> -> memref<50176x32xf32, #tpu.memory_space<hbm>>
      %dma_start3A_116 = arith.constant 0 : i32
      %dma_start3A_117 = tpu.memref_slice %dma_start3A_115[%mul3A_111, %dma_start3A_116] : memref<50176x32xf32, #tpu.memory_space<hbm>> -> memref<3136x32xf32, #tpu.memory_space<hbm>>
      %dma_start3A_118 = arith.constant 0 : i32
      %dma_start3A_119 = tpu.memref_slice %arg8[%mul3A_109, %dma_start3A_118] : memref<50176x32xf32, #tpu.memory_space<vmem_shared>> -> memref<3136x32xf32, #tpu.memory_space<vmem_shared>>
      tpu.enqueue_dma source(%dma_start3A_119 : memref<3136x32xf32, #tpu.memory_space<vmem_shared>>) target(%dma_start3A_117 : memref<3136x32xf32, #tpu.memory_space<hbm>>) target_semaphore(%run_scoped3A : memref<!tpu.dma_semaphore, #tpu.memory_space<semaphore_mem>>)
      %dma_wait3A_120 = arith.constant 0 : i32
      %dma_wait3A_121 = arith.constant 0 : i32
      %dma_wait3A_122 = tpu.memref_slice %arg5[%arg0, %dma_wait3A_120, %dma_wait3A_121] : memref<2x50176x32xf32, #tpu.memory_space<hbm>> -> memref<1x50176x32xf32, #tpu.memory_space<hbm>>
      %dma_wait3A_123 = tpu.memref_squeeze %dma_wait3A_122 : memref<1x50176x32xf32, #tpu.memory_space<hbm>> -> memref<50176x32xf32, #tpu.memory_space<hbm>>
      %dma_wait3A_124 = arith.constant 0 : i32
      %dma_wait3A_125 = tpu.memref_slice %dma_wait3A_123[%mul3A_111, %dma_wait3A_124] : memref<50176x32xf32, #tpu.memory_space<hbm>> -> memref<3136x32xf32, #tpu.memory_space<hbm>>
      %dma_wait3A_126 = arith.constant 0 : i32
      %dma_wait3A_127 = tpu.memref_slice %arg8[%mul3A_109, %dma_wait3A_126] : memref<50176x32xf32, #tpu.memory_space<vmem_shared>> -> memref<3136x32xf32, #tpu.memory_space<vmem_shared>>
      tpu.wait_dma2 semaphore(%run_scoped3A : memref<!tpu.dma_semaphore, #tpu.memory_space<semaphore_mem>>) src(%dma_wait3A_127 : memref<3136x32xf32, #tpu.memory_space<vmem_shared>>) dst(%dma_wait3A_125 : memref<3136x32xf32, #tpu.memory_space<hbm>>)
      tpu.yield
    }) : () -> ()
    return
  }
}

module attributes {stable_mosaic.version = 14 : i64} {
  func.func @body(%arg0: i32, %arg1: memref<1024x128xf32, #tpu.memory_space<vmem>>, %arg2: memref<3x1024xf32, #tpu.memory_space<vmem>>, %arg3: memref<128x32xf32, #tpu.memory_space<vmem>>, %arg4: memref<1x32xf32, #tpu.memory_space<vmem>>, %arg5: memref<32x32xf32, #tpu.memory_space<vmem>>, %arg6: memref<32x32xf32, #tpu.memory_space<vmem>>, %arg7: memref<1x32xf32, #tpu.memory_space<vmem>>, %arg8: memref<1024x32xf32, #tpu.memory_space<vmem>>, %arg9: memref<1024x48xf32, #tpu.memory_space<vmem>>, %arg10: memref<1024x48xf32, #tpu.memory_space<vmem>>) attributes {dimension_semantics = [#tpu.dimension_semantics<arbitrary>], iteration_bounds = array<i64: 49>, scalar_prefetch = 0 : i64, scratch_operands = 0 : i64, tpu.core_type = #tpu.core_type<tc>, window_params = [{transform_indices = @transform_0, window_bounds = array<i64: 1024, 128>}, {transform_indices = @transform_1, window_bounds = array<i64: 3, 1024>}, {pipeline_mode = #tpu.pipeline_mode<synchronous>, transform_indices = @transform_2, window_bounds = array<i64: 128, 32>}, {pipeline_mode = #tpu.pipeline_mode<synchronous>, transform_indices = @transform_3, window_bounds = array<i64: 1, 32>}, {pipeline_mode = #tpu.pipeline_mode<synchronous>, transform_indices = @transform_4, window_bounds = array<i64: 32, 32>}, {pipeline_mode = #tpu.pipeline_mode<synchronous>, transform_indices = @transform_5, window_bounds = array<i64: 32, 32>}, {pipeline_mode = #tpu.pipeline_mode<synchronous>, transform_indices = @transform_6, window_bounds = array<i64: 1, 32>}, {transform_indices = @transform_7, window_bounds = array<i64: 1024, 32>}, {transform_indices = @transform_8, window_bounds = array<i64: 1024, 48>}, {transform_indices = @transform_9, window_bounds = array<i64: 1024, 48>}]} {
    %get3A = arith.constant 0 : index
    %get3A_0 = arith.constant 0 : index
    %get3A_1 = vector.load %arg1[%get3A, %get3A_0] : memref<1024x128xf32, #tpu.memory_space<vmem>>, vector<1024x128xf32>
    %get3A_2 = arith.constant 0 : index
    %get3A_3 = arith.constant 0 : index
    %get3A_4 = vector.load %arg3[%get3A_2, %get3A_3] : memref<128x32xf32, #tpu.memory_space<vmem>>, vector<128x32xf32>
    %dot_general3A = arith.constant dense<0.000000e+00> : vector<1024x32xf32>
    %dot_general3A_5 = tpu.matmul %get3A_1, %get3A_4, %dot_general3A {dimension_numbers = #tpu.dot_dimension_numbers<[1], [0], [0], [1], [0, 0, 1, 1], [], []>, transpose_lhs_hint = false} : vector<1024x128xf32>, vector<128x32xf32>, vector<1024x32xf32> -> vector<1024x32xf32>
    %get3A_6 = arith.constant 0 : index
    %get3A_7 = arith.constant 0 : index
    %get3A_8 = vector.load %arg4[%get3A_6, %get3A_7] : memref<1x32xf32, #tpu.memory_space<vmem>>, vector<1x32xf32>
    %add3A = vector.broadcast %get3A_8 : vector<1x32xf32> to vector<1024x32xf32>
    %add3A_9 = arith.addf %dot_general3A_5, %add3A : vector<1024x32xf32>
    %logistic3A = arith.negf %add3A_9 : vector<1024x32xf32>
    %logistic3A_10 = math.exp %logistic3A : vector<1024x32xf32>
    %logistic3A_11 = arith.constant 1.000000e+00 : f32
    %logistic3A_12 = vector.broadcast %logistic3A_11 : f32 to vector<1024x32xf32>
    %logistic3A_13 = arith.addf %logistic3A_12, %logistic3A_10 : vector<1024x32xf32>
    %logistic3A_14 = arith.divf %logistic3A_12, %logistic3A_13 : vector<1024x32xf32>
    %mul3A = arith.mulf %add3A_9, %logistic3A_14 : vector<1024x32xf32>
    %swap3A = arith.constant 0 : index
    %swap3A_15 = arith.constant 0 : index
    %swap3A_16 = vector.load %arg8[%swap3A, %swap3A_15] : memref<1024x32xf32, #tpu.memory_space<vmem>>, vector<1024x32xf32>
    tpu.vector_store %arg8[%swap3A, %swap3A_15], %mul3A {strides = array<i32>} : memref<1024x32xf32, #tpu.memory_space<vmem>>, vector<1024x32xf32>,
    %get3A_17 = arith.constant 0 : index
    %get3A_18 = arith.constant 0 : index
    %get3A_19 = vector.load %arg2[%get3A_17, %get3A_18] : memref<3x1024xf32, #tpu.memory_space<vmem>>, vector<3x1024xf32>
    %transpose3A = tpu.transpose %get3A_19, [1, 0] : vector<3x1024xf32> -> vector<1024x3xf32>
    %broadcast_in_dim3A = arith.constant 0.000000e+00 : f32
    %broadcast_in_dim3A_20 = vector.broadcast %broadcast_in_dim3A : f32 to vector<1024x13xf32>
    %get3A_21 = arith.constant 0 : index
    %get3A_22 = arith.constant 0 : index
    %get3A_23 = vector.load %arg5[%get3A_21, %get3A_22] : memref<32x32xf32, #tpu.memory_space<vmem>>, vector<32x32xf32>
    %dot_general3A_24 = arith.constant dense<0.000000e+00> : vector<1024x32xf32>
    %dot_general3A_25 = tpu.matmul %mul3A, %get3A_23, %dot_general3A_24 {dimension_numbers = #tpu.dot_dimension_numbers<[1], [0], [0], [1], [0, 0, 1, 1], [], []>, transpose_lhs_hint = false} : vector<1024x32xf32>, vector<32x32xf32>, vector<1024x32xf32> -> vector<1024x32xf32>
    %get3A_26 = arith.constant 0 : index
    %get3A_27 = arith.constant 0 : index
    %get3A_28 = vector.load %arg7[%get3A_26, %get3A_27] : memref<1x32xf32, #tpu.memory_space<vmem>>, vector<1x32xf32>
    %add3A_29 = vector.broadcast %get3A_28 : vector<1x32xf32> to vector<1024x32xf32>
    %add3A_30 = arith.addf %dot_general3A_25, %add3A_29 : vector<1024x32xf32>
    %concatenate3A = tpu.concatenate %add3A_30, %transpose3A, %broadcast_in_dim3A_20 in 1 : vector<1024x32xf32>, vector<1024x3xf32>, vector<1024x13xf32> -> vector<1024x48xf32>
    %swap3A_31 = arith.constant 0 : index
    %swap3A_32 = arith.constant 0 : index
    %swap3A_33 = vector.load %arg9[%swap3A_31, %swap3A_32] : memref<1024x48xf32, #tpu.memory_space<vmem>>, vector<1024x48xf32>
    tpu.vector_store %arg9[%swap3A_31, %swap3A_32], %concatenate3A {strides = array<i32>} : memref<1024x48xf32, #tpu.memory_space<vmem>>, vector<1024x48xf32>,
    %get3A_34 = arith.constant 0 : index
    %get3A_35 = arith.constant 0 : index
    %get3A_36 = vector.load %arg6[%get3A_34, %get3A_35] : memref<32x32xf32, #tpu.memory_space<vmem>>, vector<32x32xf32>
    %dot_general3A_37 = arith.constant dense<0.000000e+00> : vector<1024x32xf32>
    %dot_general3A_38 = tpu.matmul %mul3A, %get3A_36, %dot_general3A_37 {dimension_numbers = #tpu.dot_dimension_numbers<[1], [0], [0], [1], [0, 0, 1, 1], [], []>, transpose_lhs_hint = false} : vector<1024x32xf32>, vector<32x32xf32>, vector<1024x32xf32> -> vector<1024x32xf32>
    %concatenate3A_39 = tpu.concatenate %dot_general3A_38, %transpose3A, %broadcast_in_dim3A_20 in 1 : vector<1024x32xf32>, vector<1024x3xf32>, vector<1024x13xf32> -> vector<1024x48xf32>
    %swap3A_40 = arith.constant 0 : index
    %swap3A_41 = arith.constant 0 : index
    %swap3A_42 = vector.load %arg10[%swap3A_40, %swap3A_41] : memref<1024x48xf32, #tpu.memory_space<vmem>>, vector<1024x48xf32>
    tpu.vector_store %arg10[%swap3A_40, %swap3A_41], %concatenate3A_39 {strides = array<i32>} : memref<1024x48xf32, #tpu.memory_space<vmem>>, vector<1024x48xf32>,
    return
  }
  func.func @transform_0(%arg0: i32) -> (i32, i32) {
    %c0_i32 = arith.constant 0 : i32
    %c0_i32_0 = arith.constant 0 : i32
    return %arg0, %c0_i32 : i32, i32
  }
  func.func @transform_1(%arg0: i32) -> (i32, i32) {
    %c0_i32 = arith.constant 0 : i32
    %c0_i32_0 = arith.constant 0 : i32
    return %c0_i32, %arg0 : i32, i32
  }
  func.func @transform_2(%arg0: i32) -> (i32, i32) {
    %c0_i32 = arith.constant 0 : i32
    %c0_i32_0 = arith.constant 0 : i32
    %c0_i32_1 = arith.constant 0 : i32
    return %c0_i32, %c0_i32_0 : i32, i32
  }
  func.func @transform_3(%arg0: i32) -> (i32, i32) {
    %c0_i32 = arith.constant 0 : i32
    %c0_i32_0 = arith.constant 0 : i32
    %c0_i32_1 = arith.constant 0 : i32
    return %c0_i32, %c0_i32_0 : i32, i32
  }
  func.func @transform_4(%arg0: i32) -> (i32, i32) {
    %c0_i32 = arith.constant 0 : i32
    %c0_i32_0 = arith.constant 0 : i32
    %c0_i32_1 = arith.constant 0 : i32
    return %c0_i32, %c0_i32_0 : i32, i32
  }
  func.func @transform_5(%arg0: i32) -> (i32, i32) {
    %c0_i32 = arith.constant 0 : i32
    %c0_i32_0 = arith.constant 0 : i32
    %c0_i32_1 = arith.constant 0 : i32
    return %c0_i32, %c0_i32_0 : i32, i32
  }
  func.func @transform_6(%arg0: i32) -> (i32, i32) {
    %c0_i32 = arith.constant 0 : i32
    %c0_i32_0 = arith.constant 0 : i32
    %c0_i32_1 = arith.constant 0 : i32
    return %c0_i32, %c0_i32_0 : i32, i32
  }
  func.func @transform_7(%arg0: i32) -> (i32, i32) {
    %c0_i32 = arith.constant 0 : i32
    %c0_i32_0 = arith.constant 0 : i32
    return %arg0, %c0_i32 : i32, i32
  }
  func.func @transform_8(%arg0: i32) -> (i32, i32) {
    %c0_i32 = arith.constant 0 : i32
    %c0_i32_0 = arith.constant 0 : i32
    return %arg0, %c0_i32 : i32, i32
  }
  func.func @transform_9(%arg0: i32) -> (i32, i32) {
    %c0_i32 = arith.constant 0 : i32
    %c0_i32_0 = arith.constant 0 : i32
    return %arg0, %c0_i32 : i32, i32
  }
}

module attributes {stable_mosaic.version = 14 : i64} {
  func.func @body(%arg0: i32, %arg1: memref<512x128xf32, #tpu.memory_space<vmem>>, %arg2: memref<512x64xf32, #tpu.memory_space<vmem>>, %arg3: memref<64x128xf32, #tpu.memory_space<vmem>>, %arg4: memref<128x128xf32, #tpu.memory_space<vmem>>, %arg5: memref<1x128xf32, #tpu.memory_space<vmem>>, %arg6: memref<128x128xf32, #tpu.memory_space<vmem>>, %arg7: memref<1x128xf32, #tpu.memory_space<vmem>>, %arg8: memref<128x4xf32, #tpu.memory_space<vmem>>, %arg9: memref<1x4xf32, #tpu.memory_space<vmem>>, %arg10: memref<4x128xf32, #tpu.memory_space<vmem>>, %arg11: memref<512x128xf32, #tpu.memory_space<vmem>>) attributes {dimension_semantics = [#tpu.dimension_semantics<arbitrary>], iteration_bounds = array<i64: 396>, scalar_prefetch = 0 : i64, scratch_operands = 0 : i64, tpu.core_type = #tpu.core_type<tc>, window_params = [{transform_indices = @transform_0, window_bounds = array<i64: 512, 128>}, {transform_indices = @transform_1, window_bounds = array<i64: 512, 64>}, {pipeline_mode = #tpu.pipeline_mode<synchronous>, transform_indices = @transform_2, window_bounds = array<i64: 64, 128>}, {pipeline_mode = #tpu.pipeline_mode<synchronous>, transform_indices = @transform_3, window_bounds = array<i64: 128, 128>}, {pipeline_mode = #tpu.pipeline_mode<synchronous>, transform_indices = @transform_4, window_bounds = array<i64: 1, 128>}, {pipeline_mode = #tpu.pipeline_mode<synchronous>, transform_indices = @transform_5, window_bounds = array<i64: 128, 128>}, {pipeline_mode = #tpu.pipeline_mode<synchronous>, transform_indices = @transform_6, window_bounds = array<i64: 1, 128>}, {pipeline_mode = #tpu.pipeline_mode<synchronous>, transform_indices = @transform_7, window_bounds = array<i64: 128, 4>}, {pipeline_mode = #tpu.pipeline_mode<synchronous>, transform_indices = @transform_8, window_bounds = array<i64: 1, 4>}, {pipeline_mode = #tpu.pipeline_mode<synchronous>, transform_indices = @transform_9, window_bounds = array<i64: 4, 128>}, {transform_indices = @transform_10, window_bounds = array<i64: 512, 128>}]} {
    %get3A = arith.constant 0 : index
    %get3A_0 = arith.constant 0 : index
    %get3A_1 = vector.load %arg1[%get3A, %get3A_0] : memref<512x128xf32, #tpu.memory_space<vmem>>, vector<512x128xf32>
    %get3A_2 = arith.constant 0 : index
    %get3A_3 = arith.constant 0 : index
    %get3A_4 = vector.load %arg2[%get3A_2, %get3A_3] : memref<512x64xf32, #tpu.memory_space<vmem>>, vector<512x64xf32>
    %get3A_5 = arith.constant 0 : index
    %get3A_6 = arith.constant 0 : index
    %get3A_7 = vector.load %arg3[%get3A_5, %get3A_6] : memref<64x128xf32, #tpu.memory_space<vmem>>, vector<64x128xf32>
    %dot_general3A = arith.constant dense<0.000000e+00> : vector<512x128xf32>
    %dot_general3A_8 = tpu.matmul %get3A_4, %get3A_7, %dot_general3A {dimension_numbers = #tpu.dot_dimension_numbers<[1], [0], [0], [1], [0, 0, 1, 1], [], []>, transpose_lhs_hint = false} : vector<512x64xf32>, vector<64x128xf32>, vector<512x128xf32> -> vector<512x128xf32>
    %add3A = arith.addf %get3A_1, %dot_general3A_8 : vector<512x128xf32>
    %logistic3A = arith.negf %add3A : vector<512x128xf32>
    %logistic3A_9 = math.exp %logistic3A : vector<512x128xf32>
    %logistic3A_10 = arith.constant 1.000000e+00 : f32
    %logistic3A_11 = vector.broadcast %logistic3A_10 : f32 to vector<512x128xf32>
    %logistic3A_12 = arith.addf %logistic3A_11, %logistic3A_9 : vector<512x128xf32>
    %logistic3A_13 = arith.divf %logistic3A_11, %logistic3A_12 : vector<512x128xf32>
    %mul3A = arith.mulf %add3A, %logistic3A_13 : vector<512x128xf32>
    %get3A_14 = arith.constant 0 : index
    %get3A_15 = arith.constant 0 : index
    %get3A_16 = vector.load %arg4[%get3A_14, %get3A_15] : memref<128x128xf32, #tpu.memory_space<vmem>>, vector<128x128xf32>
    %dot_general3A_17 = arith.constant dense<0.000000e+00> : vector<512x128xf32>
    %dot_general3A_18 = tpu.matmul %mul3A, %get3A_16, %dot_general3A_17 {dimension_numbers = #tpu.dot_dimension_numbers<[1], [0], [0], [1], [0, 0, 1, 1], [], []>, transpose_lhs_hint = false} : vector<512x128xf32>, vector<128x128xf32>, vector<512x128xf32> -> vector<512x128xf32>
    %get3A_19 = arith.constant 0 : index
    %get3A_20 = arith.constant 0 : index
    %get3A_21 = vector.load %arg5[%get3A_19, %get3A_20] : memref<1x128xf32, #tpu.memory_space<vmem>>, vector<1x128xf32>
    %add3A_22 = vector.broadcast %get3A_21 : vector<1x128xf32> to vector<512x128xf32>
    %add3A_23 = arith.addf %dot_general3A_18, %add3A_22 : vector<512x128xf32>
    %logistic3A_24 = arith.negf %add3A_23 : vector<512x128xf32>
    %logistic3A_25 = math.exp %logistic3A_24 : vector<512x128xf32>
    %logistic3A_26 = arith.constant 1.000000e+00 : f32
    %logistic3A_27 = vector.broadcast %logistic3A_26 : f32 to vector<512x128xf32>
    %logistic3A_28 = arith.addf %logistic3A_27, %logistic3A_25 : vector<512x128xf32>
    %logistic3A_29 = arith.divf %logistic3A_27, %logistic3A_28 : vector<512x128xf32>
    %mul3A_30 = arith.mulf %add3A_23, %logistic3A_29 : vector<512x128xf32>
    %get3A_31 = arith.constant 0 : index
    %get3A_32 = arith.constant 0 : index
    %get3A_33 = vector.load %arg6[%get3A_31, %get3A_32] : memref<128x128xf32, #tpu.memory_space<vmem>>, vector<128x128xf32>
    %dot_general3A_34 = arith.constant dense<0.000000e+00> : vector<512x128xf32>
    %dot_general3A_35 = tpu.matmul %mul3A_30, %get3A_33, %dot_general3A_34 {dimension_numbers = #tpu.dot_dimension_numbers<[1], [0], [0], [1], [0, 0, 1, 1], [], []>, transpose_lhs_hint = false} : vector<512x128xf32>, vector<128x128xf32>, vector<512x128xf32> -> vector<512x128xf32>
    %get3A_36 = arith.constant 0 : index
    %get3A_37 = arith.constant 0 : index
    %get3A_38 = vector.load %arg7[%get3A_36, %get3A_37] : memref<1x128xf32, #tpu.memory_space<vmem>>, vector<1x128xf32>
    %add3A_39 = vector.broadcast %get3A_38 : vector<1x128xf32> to vector<512x128xf32>
    %add3A_40 = arith.addf %dot_general3A_35, %add3A_39 : vector<512x128xf32>
    %logistic3A_41 = arith.negf %add3A_40 : vector<512x128xf32>
    %logistic3A_42 = math.exp %logistic3A_41 : vector<512x128xf32>
    %logistic3A_43 = arith.constant 1.000000e+00 : f32
    %logistic3A_44 = vector.broadcast %logistic3A_43 : f32 to vector<512x128xf32>
    %logistic3A_45 = arith.addf %logistic3A_44, %logistic3A_42 : vector<512x128xf32>
    %logistic3A_46 = arith.divf %logistic3A_44, %logistic3A_45 : vector<512x128xf32>
    %mul3A_47 = arith.mulf %add3A_40, %logistic3A_46 : vector<512x128xf32>
    %get3A_48 = arith.constant 0 : index
    %get3A_49 = arith.constant 0 : index
    %get3A_50 = vector.load %arg8[%get3A_48, %get3A_49] : memref<128x4xf32, #tpu.memory_space<vmem>>, vector<128x4xf32>
    %dot_general3A_51 = arith.constant dense<0.000000e+00> : vector<512x4xf32>
    %dot_general3A_52 = tpu.matmul %mul3A_47, %get3A_50, %dot_general3A_51 {dimension_numbers = #tpu.dot_dimension_numbers<[1], [0], [0], [1], [0, 0, 1, 1], [], []>, transpose_lhs_hint = false} : vector<512x128xf32>, vector<128x4xf32>, vector<512x4xf32> -> vector<512x4xf32>
    %get3A_53 = arith.constant 0 : index
    %get3A_54 = arith.constant 0 : index
    %get3A_55 = vector.load %arg9[%get3A_53, %get3A_54] : memref<1x4xf32, #tpu.memory_space<vmem>>, vector<1x4xf32>
    %add3A_56 = vector.broadcast %get3A_55 : vector<1x4xf32> to vector<512x4xf32>
    %add3A_57 = arith.addf %dot_general3A_52, %add3A_56 : vector<512x4xf32>
    %logistic3A_58 = arith.negf %add3A_57 : vector<512x4xf32>
    %logistic3A_59 = math.exp %logistic3A_58 : vector<512x4xf32>
    %logistic3A_60 = arith.constant 1.000000e+00 : f32
    %logistic3A_61 = vector.broadcast %logistic3A_60 : f32 to vector<512x4xf32>
    %logistic3A_62 = arith.addf %logistic3A_61, %logistic3A_59 : vector<512x4xf32>
    %logistic3A_63 = arith.divf %logistic3A_61, %logistic3A_62 : vector<512x4xf32>
    %get3A_64 = arith.constant 0 : index
    %get3A_65 = arith.constant 0 : index
    %get3A_66 = vector.load %arg10[%get3A_64, %get3A_65] : memref<4x128xf32, #tpu.memory_space<vmem>>, vector<4x128xf32>
    %dot_general3A_67 = arith.constant dense<0.000000e+00> : vector<512x128xf32>
    %dot_general3A_68 = tpu.matmul %logistic3A_63, %get3A_66, %dot_general3A_67 {dimension_numbers = #tpu.dot_dimension_numbers<[1], [0], [0], [1], [0, 0, 1, 1], [], []>, transpose_lhs_hint = false} : vector<512x4xf32>, vector<4x128xf32>, vector<512x128xf32> -> vector<512x128xf32>
    %mul3A_69 = arith.mulf %mul3A_30, %dot_general3A_68 : vector<512x128xf32>
    %swap3A = arith.constant 0 : index
    %swap3A_70 = arith.constant 0 : index
    %swap3A_71 = vector.load %arg11[%swap3A, %swap3A_70] : memref<512x128xf32, #tpu.memory_space<vmem>>, vector<512x128xf32>
    tpu.vector_store %arg11[%swap3A, %swap3A_70], %mul3A_69 {strides = array<i32>} : memref<512x128xf32, #tpu.memory_space<vmem>>, vector<512x128xf32>,
    return
  }
  func.func @transform_0(%arg0: i32) -> (i32, i32) {
    %c0_i32 = arith.constant 0 : i32
    %c0_i32_0 = arith.constant 0 : i32
    return %arg0, %c0_i32 : i32, i32
  }
  func.func @transform_1(%arg0: i32) -> (i32, i32) {
    %min3A = arith.constant 390 : i32
    %min3A_0 = arith.minsi %arg0, %min3A : i32
    %c0_i32 = arith.constant 0 : i32
    %c0_i32_1 = arith.constant 0 : i32
    return %min3A_0, %c0_i32 : i32, i32
  }
  func.func @transform_2(%arg0: i32) -> (i32, i32) {
    %c0_i32 = arith.constant 0 : i32
    %c0_i32_0 = arith.constant 0 : i32
    %c0_i32_1 = arith.constant 0 : i32
    return %c0_i32, %c0_i32_0 : i32, i32
  }
  func.func @transform_3(%arg0: i32) -> (i32, i32) {
    %c0_i32 = arith.constant 0 : i32
    %c0_i32_0 = arith.constant 0 : i32
    %c0_i32_1 = arith.constant 0 : i32
    return %c0_i32, %c0_i32_0 : i32, i32
  }
  func.func @transform_4(%arg0: i32) -> (i32, i32) {
    %c0_i32 = arith.constant 0 : i32
    %c0_i32_0 = arith.constant 0 : i32
    %c0_i32_1 = arith.constant 0 : i32
    return %c0_i32, %c0_i32_0 : i32, i32
  }
  func.func @transform_5(%arg0: i32) -> (i32, i32) {
    %c0_i32 = arith.constant 0 : i32
    %c0_i32_0 = arith.constant 0 : i32
    %c0_i32_1 = arith.constant 0 : i32
    return %c0_i32, %c0_i32_0 : i32, i32
  }
  func.func @transform_6(%arg0: i32) -> (i32, i32) {
    %c0_i32 = arith.constant 0 : i32
    %c0_i32_0 = arith.constant 0 : i32
    %c0_i32_1 = arith.constant 0 : i32
    return %c0_i32, %c0_i32_0 : i32, i32
  }
  func.func @transform_7(%arg0: i32) -> (i32, i32) {
    %c0_i32 = arith.constant 0 : i32
    %c0_i32_0 = arith.constant 0 : i32
    %c0_i32_1 = arith.constant 0 : i32
    return %c0_i32, %c0_i32_0 : i32, i32
  }
  func.func @transform_8(%arg0: i32) -> (i32, i32) {
    %c0_i32 = arith.constant 0 : i32
    %c0_i32_0 = arith.constant 0 : i32
    %c0_i32_1 = arith.constant 0 : i32
    return %c0_i32, %c0_i32_0 : i32, i32
  }
  func.func @transform_9(%arg0: i32) -> (i32, i32) {
    %c0_i32 = arith.constant 0 : i32
    %c0_i32_0 = arith.constant 0 : i32
    %c0_i32_1 = arith.constant 0 : i32
    return %c0_i32, %c0_i32_0 : i32, i32
  }
  func.func @transform_10(%arg0: i32) -> (i32, i32) {
    %c0_i32 = arith.constant 0 : i32
    %c0_i32_0 = arith.constant 0 : i32
    return %arg0, %c0_i32 : i32, i32
  }
}

module attributes {stable_mosaic.version = 14 : i64} {
  func.func @body(%arg0: i32, %arg1: memref<1024x32xf32, #tpu.memory_space<vmem>>, %arg2: memref<2x1024x32xf32, #tpu.memory_space<vmem>>, %arg3: memref<16x1024xf32, #tpu.memory_space<vmem>>, %arg4: memref<1x1x1024xi32, #tpu.memory_space<vmem>>, %arg5: memref<32x32xf32, #tpu.memory_space<vmem>>, %arg6: memref<32x32xf32, #tpu.memory_space<vmem>>, %arg7: memref<16x32xf32, #tpu.memory_space<vmem>>, %arg8: memref<1x32xf32, #tpu.memory_space<vmem>>, %arg9: memref<32x32xf32, #tpu.memory_space<vmem>>, %arg10: memref<1x32xf32, #tpu.memory_space<vmem>>, %arg11: memref<32x32xf32, #tpu.memory_space<vmem>>, %arg12: memref<1x32xf32, #tpu.memory_space<vmem>>, %arg13: memref<32x32xf32, #tpu.memory_space<vmem>>, %arg14: memref<1x32xf32, #tpu.memory_space<vmem>>, %arg15: memref<50x32xf32, #tpu.memory_space<vmem>>) attributes {dimension_semantics = [#tpu.dimension_semantics<arbitrary>], iteration_bounds = array<i64: 49>, scalar_prefetch = 0 : i64, scratch_operands = 0 : i64, tpu.core_type = #tpu.core_type<tc>, window_params = [{transform_indices = @transform_0, window_bounds = array<i64: 1024, 32>}, {transform_indices = @transform_1, window_bounds = array<i64: 2, 1024, 32>}, {transform_indices = @transform_2, window_bounds = array<i64: 16, 1024>}, {transform_indices = @transform_3, window_bounds = array<i64: 1, 1, 1024>}, {pipeline_mode = #tpu.pipeline_mode<synchronous>, transform_indices = @transform_4, window_bounds = array<i64: 32, 32>}, {pipeline_mode = #tpu.pipeline_mode<synchronous>, transform_indices = @transform_5, window_bounds = array<i64: 32, 32>}, {pipeline_mode = #tpu.pipeline_mode<synchronous>, transform_indices = @transform_6, window_bounds = array<i64: 16, 32>}, {pipeline_mode = #tpu.pipeline_mode<synchronous>, transform_indices = @transform_7, window_bounds = array<i64: 1, 32>}, {pipeline_mode = #tpu.pipeline_mode<synchronous>, transform_indices = @transform_8, window_bounds = array<i64: 32, 32>}, {pipeline_mode = #tpu.pipeline_mode<synchronous>, transform_indices = @transform_9, window_bounds = array<i64: 1, 32>}, {pipeline_mode = #tpu.pipeline_mode<synchronous>, transform_indices = @transform_10, window_bounds = array<i64: 32, 32>}, {pipeline_mode = #tpu.pipeline_mode<synchronous>, transform_indices = @transform_11, window_bounds = array<i64: 1, 32>}, {pipeline_mode = #tpu.pipeline_mode<synchronous>, transform_indices = @transform_12, window_bounds = array<i64: 32, 32>}, {pipeline_mode = #tpu.pipeline_mode<synchronous>, transform_indices = @transform_13, window_bounds = array<i64: 1, 32>}, {pipeline_mode = #tpu.pipeline_mode<synchronous>, transform_indices = @transform_14, window_bounds = array<i64: 50, 32>}]} {
    %get3A = arith.constant 0 : index
    %get3A_0 = arith.constant 0 : index
    %get3A_1 = vector.load %arg1[%get3A, %get3A_0] : memref<1024x32xf32, #tpu.memory_space<vmem>>, vector<1024x32xf32>
    %get3A_2 = arith.constant 0 : index
    %get3A_3 = arith.constant 0 : index
    %get3A_4 = arith.constant 0 : index
    %get3A_5 = vector.load %arg2[%get3A_2, %get3A_3, %get3A_4] : memref<2x1024x32xf32, #tpu.memory_space<vmem>>, vector<1x1024x32xf32>
    %get3A_6 = vector.shape_cast %get3A_5 : vector<1x1024x32xf32> to vector<1024x32xf32>
    %get3A_7 = arith.constant 1 : index
    %get3A_8 = arith.constant 0 : index
    %get3A_9 = arith.constant 0 : index
    %get3A_10 = vector.load %arg2[%get3A_7, %get3A_8, %get3A_9] : memref<2x1024x32xf32, #tpu.memory_space<vmem>>, vector<1x1024x32xf32>
    %get3A_11 = vector.shape_cast %get3A_10 : vector<1x1024x32xf32> to vector<1024x32xf32>
    %add3A = arith.addf %get3A_6, %get3A_11 : vector<1024x32xf32>
    %get3A_12 = arith.constant 0 : index
    %get3A_13 = arith.constant 0 : index
    %get3A_14 = vector.load %arg3[%get3A_12, %get3A_13] : memref<16x1024xf32, #tpu.memory_space<vmem>>, vector<16x1024xf32>
    %get3A_15 = arith.constant 0 : index
    %get3A_16 = arith.constant 0 : index
    %get3A_17 = vector.load %arg7[%get3A_15, %get3A_16] : memref<16x32xf32, #tpu.memory_space<vmem>>, vector<16x32xf32>
    %dot_general3A = arith.constant dense<0.000000e+00> : vector<1024x32xf32>
    %dot_general3A_18 = tpu.matmul %get3A_14, %get3A_17, %dot_general3A {dimension_numbers = #tpu.dot_dimension_numbers<[0], [0], [1], [1], [0, 1, 1, 1], [], []>, transpose_lhs_hint = false} : vector<16x1024xf32>, vector<16x32xf32>, vector<1024x32xf32> -> vector<1024x32xf32>
    %get3A_19 = arith.constant 0 : index
    %get3A_20 = arith.constant 0 : index
    %get3A_21 = vector.load %arg5[%get3A_19, %get3A_20] : memref<32x32xf32, #tpu.memory_space<vmem>>, vector<32x32xf32>
    %dot_general3A_22 = arith.constant dense<0.000000e+00> : vector<1024x32xf32>
    %dot_general3A_23 = tpu.matmul %get3A_1, %get3A_21, %dot_general3A_22 {dimension_numbers = #tpu.dot_dimension_numbers<[1], [0], [0], [1], [0, 0, 1, 1], [], []>, transpose_lhs_hint = false} : vector<1024x32xf32>, vector<32x32xf32>, vector<1024x32xf32> -> vector<1024x32xf32>
    %get3A_24 = arith.constant 0 : index
    %get3A_25 = arith.constant 0 : index
    %get3A_26 = vector.load %arg6[%get3A_24, %get3A_25] : memref<32x32xf32, #tpu.memory_space<vmem>>, vector<32x32xf32>
    %dot_general3A_27 = arith.constant dense<0.000000e+00> : vector<1024x32xf32>
    %dot_general3A_28 = tpu.matmul %add3A, %get3A_26, %dot_general3A_27 {dimension_numbers = #tpu.dot_dimension_numbers<[1], [0], [0], [1], [0, 0, 1, 1], [], []>, transpose_lhs_hint = false} : vector<1024x32xf32>, vector<32x32xf32>, vector<1024x32xf32> -> vector<1024x32xf32>
    %add3A_29 = arith.addf %dot_general3A_23, %dot_general3A_28 : vector<1024x32xf32>
    %add3A_30 = arith.addf %add3A_29, %dot_general3A_18 : vector<1024x32xf32>
    %get3A_31 = arith.constant 0 : index
    %get3A_32 = arith.constant 0 : index
    %get3A_33 = vector.load %arg8[%get3A_31, %get3A_32] : memref<1x32xf32, #tpu.memory_space<vmem>>, vector<1x32xf32>
    %add3A_34 = vector.broadcast %get3A_33 : vector<1x32xf32> to vector<1024x32xf32>
    %add3A_35 = arith.addf %add3A_30, %add3A_34 : vector<1024x32xf32>
    %logistic3A = arith.negf %add3A_35 : vector<1024x32xf32>
    %logistic3A_36 = math.exp %logistic3A : vector<1024x32xf32>
    %logistic3A_37 = arith.constant 1.000000e+00 : f32
    %logistic3A_38 = vector.broadcast %logistic3A_37 : f32 to vector<1024x32xf32>
    %logistic3A_39 = arith.addf %logistic3A_38, %logistic3A_36 : vector<1024x32xf32>
    %logistic3A_40 = arith.divf %logistic3A_38, %logistic3A_39 : vector<1024x32xf32>
    %mul3A = arith.mulf %add3A_35, %logistic3A_40 : vector<1024x32xf32>
    %get3A_41 = arith.constant 0 : index
    %get3A_42 = arith.constant 0 : index
    %get3A_43 = vector.load %arg9[%get3A_41, %get3A_42] : memref<32x32xf32, #tpu.memory_space<vmem>>, vector<32x32xf32>
    %dot_general3A_44 = arith.constant dense<0.000000e+00> : vector<1024x32xf32>
    %dot_general3A_45 = tpu.matmul %mul3A, %get3A_43, %dot_general3A_44 {dimension_numbers = #tpu.dot_dimension_numbers<[1], [0], [0], [1], [0, 0, 1, 1], [], []>, transpose_lhs_hint = false} : vector<1024x32xf32>, vector<32x32xf32>, vector<1024x32xf32> -> vector<1024x32xf32>
    %add3A_46 = arith.addf %get3A_1, %dot_general3A_45 : vector<1024x32xf32>
    %get3A_47 = arith.constant 0 : index
    %get3A_48 = arith.constant 0 : index
    %get3A_49 = vector.load %arg10[%get3A_47, %get3A_48] : memref<1x32xf32, #tpu.memory_space<vmem>>, vector<1x32xf32>
    %add3A_50 = vector.broadcast %get3A_49 : vector<1x32xf32> to vector<1024x32xf32>
    %add3A_51 = arith.addf %add3A_46, %add3A_50 : vector<1024x32xf32>
    %get3A_52 = arith.constant 0 : index
    %get3A_53 = arith.constant 0 : index
    %get3A_54 = vector.load %arg11[%get3A_52, %get3A_53] : memref<32x32xf32, #tpu.memory_space<vmem>>, vector<32x32xf32>
    %dot_general3A_55 = arith.constant dense<0.000000e+00> : vector<1024x32xf32>
    %dot_general3A_56 = tpu.matmul %add3A_51, %get3A_54, %dot_general3A_55 {dimension_numbers = #tpu.dot_dimension_numbers<[1], [0], [0], [1], [0, 0, 1, 1], [], []>, transpose_lhs_hint = false} : vector<1024x32xf32>, vector<32x32xf32>, vector<1024x32xf32> -> vector<1024x32xf32>
    %get3A_57 = arith.constant 0 : index
    %get3A_58 = arith.constant 0 : index
    %get3A_59 = vector.load %arg12[%get3A_57, %get3A_58] : memref<1x32xf32, #tpu.memory_space<vmem>>, vector<1x32xf32>
    %add3A_60 = vector.broadcast %get3A_59 : vector<1x32xf32> to vector<1024x32xf32>
    %add3A_61 = arith.addf %dot_general3A_56, %add3A_60 : vector<1024x32xf32>
    %logistic3A_62 = arith.negf %add3A_61 : vector<1024x32xf32>
    %logistic3A_63 = math.exp %logistic3A_62 : vector<1024x32xf32>
    %logistic3A_64 = arith.constant 1.000000e+00 : f32
    %logistic3A_65 = vector.broadcast %logistic3A_64 : f32 to vector<1024x32xf32>
    %logistic3A_66 = arith.addf %logistic3A_65, %logistic3A_63 : vector<1024x32xf32>
    %logistic3A_67 = arith.divf %logistic3A_65, %logistic3A_66 : vector<1024x32xf32>
    %mul3A_68 = arith.mulf %add3A_61, %logistic3A_67 : vector<1024x32xf32>
    %get3A_69 = arith.constant 0 : index
    %get3A_70 = arith.constant 0 : index
    %get3A_71 = vector.load %arg13[%get3A_69, %get3A_70] : memref<32x32xf32, #tpu.memory_space<vmem>>, vector<32x32xf32>
    %dot_general3A_72 = arith.constant dense<0.000000e+00> : vector<1024x32xf32>
    %dot_general3A_73 = tpu.matmul %mul3A_68, %get3A_71, %dot_general3A_72 {dimension_numbers = #tpu.dot_dimension_numbers<[1], [0], [0], [1], [0, 0, 1, 1], [], []>, transpose_lhs_hint = false} : vector<1024x32xf32>, vector<32x32xf32>, vector<1024x32xf32> -> vector<1024x32xf32>
    %get3A_74 = arith.constant 0 : index
    %get3A_75 = arith.constant 0 : index
    %get3A_76 = vector.load %arg14[%get3A_74, %get3A_75] : memref<1x32xf32, #tpu.memory_space<vmem>>, vector<1x32xf32>
    %add3A_77 = vector.broadcast %get3A_76 : vector<1x32xf32> to vector<1024x32xf32>
    %add3A_78 = arith.addf %dot_general3A_73, %add3A_77 : vector<1024x32xf32>
    %mul3A_79 = arith.constant 1024 : i32
    %mul3A_80 = arith.muli %arg0, %mul3A_79 : i32
    %iota3A = tpu.iota {dimensions = array<i32: 0>} : vector<1024x1xi32>
    %add3A_81 = vector.broadcast %mul3A_80 : i32 to vector<1024x1xi32>
    %add3A_82 = arith.addi %add3A_81, %iota3A : vector<1024x1xi32>
    %lt3A = arith.constant 50000 : i32
    %lt3A_83 = vector.broadcast %lt3A : i32 to vector<1024x1xi32>
    %lt3A_84 = arith.cmpi slt, %add3A_82, %lt3A_83 : vector<1024x1xi32>
    %jit3A = arith.constant 0.000000e+00 : f32
    %broadcast_in_dim3A = vector.shape_cast %lt3A_84 : vector<1024x1xi1> to vector<1024x1xi1>
    %broadcast_in_dim3A_85 = vector.broadcast %broadcast_in_dim3A : vector<1024x1xi1> to vector<1024x32xi1>
    %broadcast_in_dim3A_86 = vector.broadcast %jit3A : f32 to vector<1024x32xf32>
    %select_n3A = arith.select %broadcast_in_dim3A_85, %add3A_78, %broadcast_in_dim3A_86 : vector<1024x32xi1>, vector<1024x32xf32>
    %get3A_87 = arith.constant 0 : index
    %get3A_88 = arith.constant 0 : index
    %get3A_89 = arith.constant 0 : index
    %get3A_90 = vector.load %arg4[%get3A_87, %get3A_88, %get3A_89] : memref<1x1x1024xi32, #tpu.memory_space<vmem>>, vector<1x1x1024xi32>
    %get3A_91 = vector.shape_cast %get3A_90 : vector<1x1x1024xi32> to vector<1024xi32>
    %iota3A_92 = tpu.iota {dimensions = array<i32: 0>} : vector<50x1024xi32>
    %broadcast_in_dim3A_93 = vector.shape_cast %get3A_91 : vector<1024xi32> to vector<1x1024xi32>
    %eq3A = vector.broadcast %broadcast_in_dim3A_93 : vector<1x1024xi32> to vector<50x1024xi32>
    %eq3A_94 = arith.cmpi eq, %iota3A_92, %eq3A : vector<50x1024xi32>
    %convert_element_type3A = arith.extui %eq3A_94 : vector<50x1024xi1> to vector<50x1024xi32>
    %convert_element_type3A_95 = arith.sitofp %convert_element_type3A : vector<50x1024xi32> to vector<50x1024xf32>
    %eq3A_96 = arith.constant 0 : i32
    %eq3A_97 = arith.cmpi eq, %arg0, %eq3A_96 : i32
    %convert_element_type3A_98 = arith.extui %eq3A_97 : i1 to i32
    %cond3A = arith.constant 0 : i32
    %cond3A_99 = arith.cmpi ne, %convert_element_type3A_98, %cond3A : i32
    scf.if %cond3A_99 {
      %broadcast_in_dim3A_108 = arith.constant 0.000000e+00 : f32
      %broadcast_in_dim3A_109 = vector.broadcast %broadcast_in_dim3A_108 : f32 to vector<50x32xf32>
      %swap3A_110 = arith.constant 0 : index
      %swap3A_111 = arith.constant 0 : index
      %swap3A_112 = vector.load %arg15[%swap3A_110, %swap3A_111] : memref<50x32xf32, #tpu.memory_space<vmem>>, vector<50x32xf32>
      tpu.vector_store %arg15[%swap3A_110, %swap3A_111], %broadcast_in_dim3A_109 {strides = array<i32>} : memref<50x32xf32, #tpu.memory_space<vmem>>, vector<50x32xf32>,
    } else {
    }
    %get3A_100 = arith.constant 0 : index
    %get3A_101 = arith.constant 0 : index
    %get3A_102 = vector.load %arg15[%get3A_100, %get3A_101] : memref<50x32xf32, #tpu.memory_space<vmem>>, vector<50x32xf32>
    %dot_general3A_103 = arith.constant dense<0.000000e+00> : vector<50x32xf32>
    %dot_general3A_104 = tpu.matmul %convert_element_type3A_95, %select_n3A, %dot_general3A_103 {dimension_numbers = #tpu.dot_dimension_numbers<[1], [0], [0], [1], [0, 0, 1, 1], [], []>, transpose_lhs_hint = false} : vector<50x1024xf32>, vector<1024x32xf32>, vector<50x32xf32> -> vector<50x32xf32>
    %add3A_105 = arith.addf %get3A_102, %dot_general3A_104 : vector<50x32xf32>
    %swap3A = arith.constant 0 : index
    %swap3A_106 = arith.constant 0 : index
    %swap3A_107 = vector.load %arg15[%swap3A, %swap3A_106] : memref<50x32xf32, #tpu.memory_space<vmem>>, vector<50x32xf32>
    tpu.vector_store %arg15[%swap3A, %swap3A_106], %add3A_105 {strides = array<i32>} : memref<50x32xf32, #tpu.memory_space<vmem>>, vector<50x32xf32>,
    return
  }
  func.func @transform_0(%arg0: i32) -> (i32, i32) {
    %c0_i32 = arith.constant 0 : i32
    %c0_i32_0 = arith.constant 0 : i32
    return %arg0, %c0_i32 : i32, i32
  }
  func.func @transform_1(%arg0: i32) -> (i32, i32, i32) {
    %c0_i32 = arith.constant 0 : i32
    %c0_i32_0 = arith.constant 0 : i32
    %c0_i32_1 = arith.constant 0 : i32
    return %c0_i32, %arg0, %c0_i32_0 : i32, i32, i32
  }
  func.func @transform_2(%arg0: i32) -> (i32, i32) {
    %c0_i32 = arith.constant 0 : i32
    %c0_i32_0 = arith.constant 0 : i32
    return %c0_i32, %arg0 : i32, i32
  }
  func.func @transform_3(%arg0: i32) -> (i32, i32, i32) {
    %c0_i32 = arith.constant 0 : i32
    %c0_i32_0 = arith.constant 0 : i32
    %c0_i32_1 = arith.constant 0 : i32
    return %arg0, %c0_i32, %c0_i32_0 : i32, i32, i32
  }
  func.func @transform_4(%arg0: i32) -> (i32, i32) {
    %c0_i32 = arith.constant 0 : i32
    %c0_i32_0 = arith.constant 0 : i32
    %c0_i32_1 = arith.constant 0 : i32
    return %c0_i32, %c0_i32_0 : i32, i32
  }
  func.func @transform_5(%arg0: i32) -> (i32, i32) {
    %c0_i32 = arith.constant 0 : i32
    %c0_i32_0 = arith.constant 0 : i32
    %c0_i32_1 = arith.constant 0 : i32
    return %c0_i32, %c0_i32_0 : i32, i32
  }
  func.func @transform_6(%arg0: i32) -> (i32, i32) {
    %c0_i32 = arith.constant 0 : i32
    %c0_i32_0 = arith.constant 0 : i32
    %c0_i32_1 = arith.constant 0 : i32
    return %c0_i32, %c0_i32_0 : i32, i32
  }
  func.func @transform_7(%arg0: i32) -> (i32, i32) {
    %c0_i32 = arith.constant 0 : i32
    %c0_i32_0 = arith.constant 0 : i32
    %c0_i32_1 = arith.constant 0 : i32
    return %c0_i32, %c0_i32_0 : i32, i32
  }
  func.func @transform_8(%arg0: i32) -> (i32, i32) {
    %c0_i32 = arith.constant 0 : i32
    %c0_i32_0 = arith.constant 0 : i32
    %c0_i32_1 = arith.constant 0 : i32
    return %c0_i32, %c0_i32_0 : i32, i32
  }
  func.func @transform_9(%arg0: i32) -> (i32, i32) {
    %c0_i32 = arith.constant 0 : i32
    %c0_i32_0 = arith.constant 0 : i32
    %c0_i32_1 = arith.constant 0 : i32
    return %c0_i32, %c0_i32_0 : i32, i32
  }
  func.func @transform_10(%arg0: i32) -> (i32, i32) {
    %c0_i32 = arith.constant 0 : i32
    %c0_i32_0 = arith.constant 0 : i32
    %c0_i32_1 = arith.constant 0 : i32
    return %c0_i32, %c0_i32_0 : i32, i32
  }
  func.func @transform_11(%arg0: i32) -> (i32, i32) {
    %c0_i32 = arith.constant 0 : i32
    %c0_i32_0 = arith.constant 0 : i32
    %c0_i32_1 = arith.constant 0 : i32
    return %c0_i32, %c0_i32_0 : i32, i32
  }
  func.func @transform_12(%arg0: i32) -> (i32, i32) {
    %c0_i32 = arith.constant 0 : i32
    %c0_i32_0 = arith.constant 0 : i32
    %c0_i32_1 = arith.constant 0 : i32
    return %c0_i32, %c0_i32_0 : i32, i32
  }
  func.func @transform_13(%arg0: i32) -> (i32, i32) {
    %c0_i32 = arith.constant 0 : i32
    %c0_i32_0 = arith.constant 0 : i32
    %c0_i32_1 = arith.constant 0 : i32
    return %c0_i32, %c0_i32_0 : i32, i32
  }
  func.func @transform_14(%arg0: i32) -> (i32, i32) {
    %c0_i32 = arith.constant 0 : i32
    %c0_i32_0 = arith.constant 0 : i32
    %c0_i32_1 = arith.constant 0 : i32
    return %c0_i32, %c0_i32_0 : i32, i32
  }
}

module attributes {stable_mosaic.version = 14 : i64} {
  func.func @body(%arg0: memref<50x32xf32, #tpu.memory_space<vmem>>, %arg1: memref<32x32xf32, #tpu.memory_space<vmem>>, %arg2: memref<1x32xf32, #tpu.memory_space<vmem>>, %arg3: memref<32x1xf32, #tpu.memory_space<vmem>>, %arg4: memref<1x1xf32, #tpu.memory_space<vmem>>, %arg5: memref<50x1xf32, #tpu.memory_space<vmem>>) attributes {dimension_semantics = [], scalar_prefetch = 0 : i64, scratch_operands = 0 : i64, tpu.core_type = #tpu.core_type<tc>} {
    %get3A = arith.constant 0 : index
    %get3A_0 = arith.constant 0 : index
    %get3A_1 = vector.load %arg0[%get3A, %get3A_0] : memref<50x32xf32, #tpu.memory_space<vmem>>, vector<50x32xf32>
    %get3A_2 = arith.constant 0 : index
    %get3A_3 = arith.constant 0 : index
    %get3A_4 = vector.load %arg1[%get3A_2, %get3A_3] : memref<32x32xf32, #tpu.memory_space<vmem>>, vector<32x32xf32>
    %dot_general3A = arith.constant dense<0.000000e+00> : vector<50x32xf32>
    %dot_general3A_5 = tpu.matmul %get3A_1, %get3A_4, %dot_general3A {dimension_numbers = #tpu.dot_dimension_numbers<[1], [0], [0], [1], [0, 0, 1, 1], [], []>, transpose_lhs_hint = false} : vector<50x32xf32>, vector<32x32xf32>, vector<50x32xf32> -> vector<50x32xf32>
    %get3A_6 = arith.constant 0 : index
    %get3A_7 = arith.constant 0 : index
    %get3A_8 = vector.load %arg2[%get3A_6, %get3A_7] : memref<1x32xf32, #tpu.memory_space<vmem>>, vector<1x32xf32>
    %add3A = vector.broadcast %get3A_8 : vector<1x32xf32> to vector<50x32xf32>
    %add3A_9 = arith.addf %dot_general3A_5, %add3A : vector<50x32xf32>
    %logistic3A = arith.negf %add3A_9 : vector<50x32xf32>
    %logistic3A_10 = math.exp %logistic3A : vector<50x32xf32>
    %logistic3A_11 = arith.constant 1.000000e+00 : f32
    %logistic3A_12 = vector.broadcast %logistic3A_11 : f32 to vector<50x32xf32>
    %logistic3A_13 = arith.addf %logistic3A_12, %logistic3A_10 : vector<50x32xf32>
    %logistic3A_14 = arith.divf %logistic3A_12, %logistic3A_13 : vector<50x32xf32>
    %mul3A = arith.mulf %add3A_9, %logistic3A_14 : vector<50x32xf32>
    %get3A_15 = arith.constant 0 : index
    %get3A_16 = arith.constant 0 : index
    %get3A_17 = vector.load %arg3[%get3A_15, %get3A_16] : memref<32x1xf32, #tpu.memory_space<vmem>>, vector<32x1xf32>
    %dot_general3A_18 = arith.constant dense<0.000000e+00> : vector<50x1xf32>
    %dot_general3A_19 = tpu.matmul %mul3A, %get3A_17, %dot_general3A_18 {dimension_numbers = #tpu.dot_dimension_numbers<[1], [0], [0], [1], [0, 0, 1, 1], [], []>, transpose_lhs_hint = false} : vector<50x32xf32>, vector<32x1xf32>, vector<50x1xf32> -> vector<50x1xf32>
    %get3A_20 = arith.constant 0 : index
    %get3A_21 = arith.constant 0 : index
    %get3A_22 = vector.load %arg4[%get3A_20, %get3A_21] : memref<1x1xf32, #tpu.memory_space<vmem>>, vector<1x1xf32>
    %add3A_23 = vector.broadcast %get3A_22 : vector<1x1xf32> to vector<50x1xf32>
    %add3A_24 = arith.addf %dot_general3A_19, %add3A_23 : vector<50x1xf32>
    %swap3A = arith.constant 0 : index
    %swap3A_25 = arith.constant 0 : index
    %swap3A_26 = vector.load %arg5[%swap3A, %swap3A_25] : memref<50x1xf32, #tpu.memory_space<vmem>>, vector<50x1xf32>
    tpu.vector_store %arg5[%swap3A, %swap3A_25], %add3A_24 {strides = array<i32>} : memref<50x1xf32, #tpu.memory_space<vmem>>, vector<50x1xf32>,
    return
  }
}

</mosaic_0001>

<sc_bundles>
// kernel: kernel.11.cloned.1.call-start
scs
__scs_entry_jumppad:
0x0: {  	(pc) =	sbr.rel $0x88, $3  }
0x1: {  	(tag) =	ssettag $0x0;
	lr =	simm.s32 $0x1  }
0x2: {  	[smem:$0x3F84] =	sst lr;
	_ =	strace $0xD0000000  }
0x3: {  	_ = 	snop  }
0x4: {  	_ = 	snop  }
0x5: {  	_ = 	snop  }
0x6: {  	_ = 	snop  }
0x7: {  	_ = 	snop  }
__scs_overlays_trampoline_lowered:
0x8: {  	[smem:$0x3F93] =	sst s0  }
0x9: {  	[smem:$0x3F94] =	sst s1  }
0xa: {  	[smem:$0x3F95] =	sst s2  }
0xb: {  	[smem:$0x3F96] =	sst s3  }
0xc: {  	[smem:$0x3F97] =	sst s4  }
0xd: {  	[smem:$0x3F98] =	sst s5  }
0xe: {  	[smem:$0x3F99] =	sst s6  }
0xf: {  	[smem:$0x3F9A] =	sst s7  }
0x10: {  	[smem:$0x3F9B] =	sst s8  }
0x11: {  	[smem:$0x3F9C] =	sst s9;
	s0 =	simm.s32 @!p0 $0x0  }
0x12: {  	s1 =	sld [smem:$0x3F82];
	s0 =	simm.s32 @p0 $0x1  }
0x13: {  	[smem:$0x3F9D] =	sst s0;
	s0 =	simm.s32 @!p1 $0x0  }
0x14: {  	s2 =	sld [smem:$0x3F81];
	s0 =	simm.s32 @p1 $0x1  }
0x15: {  	[smem:$0x3F9E] =	sst s0;
	s0 =	simm.s32 @!p2 $0x0  }
0x16: {  	s3 =	sld [smem:$0x3FDB];
	s0 =	simm.s32 @p2 $0x1  }
0x17: {  	s4 =	simm.s32 $0x1BF5;
	[smem:$0x3FA0] =	sst s0  }
0x18: {  	s0 =	sld [smem:$0x3F83];
	_ =	swait.ge [sflag:s4], $0x0  }
0x19: {  	s7 =	sld [smem:$0x3F84]  }
0x1a: {  	s8 =	sadd.s32 $0xFFFFE003, lr  }
0x1b: {  	s9 =	sadd.s32 $0xFFFFFEF7, lr;
	s5 =	simm.s32 $0xFFFFFFFF;
	p2 =	slt.u32 s8, $0xFFFFF086  }
0x1c: {  	p1 =	slt.u32 s9, $0xF7A;
	s5 =	simm.s32 @!p2 $0x0  }
0x1d: {  	s5 =	simm.s32 @p1 $0x1;
	p0 =	seq.s32 s7, s2  }
0x1e: {  	s7 =	smul.u32 @!p0 $0xF7A, s2;
	p2 =	seq.s32 @!p0 s5, $0x0  }
0x1f: {  	s9 =	smul.u32 $0xF7A, s1;
	s8 =	simm.s32 @!p0 $0x1BF5;
	p2 =	por !p2, p0  }
0x20: {  	[sflag:s8] =	ssyncset.s32 @!p0 $0xFFFFF086;
	s6 =	sadd.s32 @!p0 s3, s7;
	s7 =	simm.s32 @!p0 $0x108  }
0x21: {  	s3 =	sadd.s32 s3, s9;
	s6 =	sadd.s32 @!p0 $0x88, s6;
	s7 =	simm.s32 @p2 $0x1082  }
0x22: {  	[simem:s7], [sflag:s8] =	dma.local @!p0 [hbm:s6], $0xF7A  }
0x23: {  	s9 =	sor.u32 $0xD0000000, s2;
	s6 =	simm.s32 $0x108;
	_ =	swait.ge @!p0 [sflag:s8], $0x0  }
0x24: {  	s3 =	sadd.s32 $0x88, s3;
	s6 =	simm.s32 @!p1 $0x1082;
	[sflag:s4] =	ssyncset.s32 $0xFFFFF086  }
0x25: {  	[simem:s6], [sflag:s4] =	dma.local [hbm:s3], $0xF7A  }
0x26: {  	[smem:$0x3F84] =	sst s1;
	(tag) =	ssettag s2;
	_ =	strace s9  }
0x27: {  	s1 =	sld [smem:$0x3F94]  }
0x28: {  	s2 =	sld [smem:$0x3F95]  }
0x29: {  	s4 =	sld [smem:$0x3F97]  }
0x2a: {  	p0 =	seq.s32 s5, $0x0;
	s5 =	sld [smem:$0x3F98]  }
0x2b: {  	s6 =	sld [smem:$0x3F99]  }
0x2c: {  	s7 =	sld [smem:$0x3F9A]  }
0x2d: {  	s3 =	simm.s32 $0x108;
	s8 =	sld [smem:$0x3F9B]  }
0x2e: {  	s3 =	simm.s32 @!p0 $0x1082;
	s9 =	sld [smem:$0x3F9C]  }
0x2f: {  	lr =	sadd.s32 s0, s3;
	s0 =	sld [smem:$0x3F93]  }
0x30: {  	s3 =	sld [smem:$0x3F96]  }
0x31: {  	[smem:$0x3F9F] =	sst s10  }
0x32: {  	s10 =	sld [smem:$0x3F9D];
	_ =	sdelay $0x3  }
0x33: {  	p0 =	seq.s32 s10, $0x1;
	s10 =	sld [smem:$0x3F9F];
	_ =	sdelay $0x3  }
0x34: {  	[smem:$0x3F9F] =	sst s10  }
0x35: {  	s10 =	sld [smem:$0x3F9E];
	_ =	sdelay $0x3  }
0x36: {  	p1 =	seq.s32 s10, $0x1;
	s10 =	sld [smem:$0x3F9F];
	_ =	sdelay $0x3  }
0x37: {  	[smem:$0x3F9F] =	sst s10  }
0x38: {  	s10 =	sld [smem:$0x3FA0]  }
0x39: {  	_ = 	snop;
	(pc) =	sbr.ind lr, $3  }
0x3a: {  	_ = 	snop  }
0x3b: {  	_ = 	snop  }
0x3c: {  	p2 =	seq.s32 s10, $0x1;
	s10 =	sld [smem:$0x3F9F]  }
0x3d: {  	_ =	shalt  }
0x3e: {  	_ =	shalt  }
0x3f: {  	_ =	shalt  }
0x40: {  	_ =	shalt  }
0x41: {  	_ =	shalt  }
0x42: {  	_ =	shalt  }
0x43: {  	_ =	shalt  }
0x44: {  	_ =	shalt  }
0x45: {  	_ =	shalt  }
0x46: {  	_ =	shalt  }
0x47: {  	_ =	shalt  }
0x48: {  	_ =	shalt  }
0x49: {  	_ =	shalt  }
0x4a: {  	_ =	shalt  }
0x4b: {  	_ =	shalt  }
0x4c: {  	_ =	shalt  }
0x4d: {  	_ =	shalt  }
0x4e: {  	_ =	shalt  }
0x4f: {  	_ =	shalt  }
0x50: {  	_ =	shalt  }
0x51: {  	_ =	shalt  }
0x52: {  	_ =	shalt  }
0x53: {  	_ =	shalt  }
0x54: {  	_ =	shalt  }
0x55: {  	_ =	shalt  }
0x56: {  	_ =	shalt  }
0x57: {  	_ =	shalt  }
0x58: {  	_ =	shalt  }
0x59: {  	_ =	shalt  }
0x5a: {  	_ =	shalt  }
0x5b: {  	_ =	shalt  }
0x5c: {  	_ =	shalt  }
0x5d: {  	_ =	shalt  }
0x5e: {  	_ =	shalt  }
0x5f: {  	_ =	shalt  }
0x60: {  	_ =	shalt  }
0x61: {  	_ =	shalt  }
0x62: {  	_ =	shalt  }
0x63: {  	_ =	shalt  }
0x64: {  	_ =	shalt  }
0x65: {  	_ =	shalt  }
0x66: {  	_ =	shalt  }
0x67: {  	_ =	shalt  }
0x68: {  	_ =	shalt  }
0x69: {  	_ =	shalt  }
0x6a: {  	_ =	shalt  }
0x6b: {  	_ =	shalt  }
0x6c: {  	_ =	shalt  }
0x6d: {  	_ =	shalt  }
0x6e: {  	_ =	shalt  }
0x6f: {  	_ =	shalt  }
0x70: {  	_ =	shalt  }
0x71: {  	_ =	shalt  }
0x72: {  	_ =	shalt  }
0x73: {  	_ =	shalt  }
0x74: {  	_ =	shalt  }
0x75: {  	_ =	shalt  }
0x76: {  	_ =	shalt  }
0x77: {  	_ =	shalt  }
0x78: {  	_ =	shalt  }
0x79: {  	_ =	shalt  }
0x7a: {  	_ =	shalt  }
0x7b: {  	_ =	shalt  }
0x7c: {  	_ =	shalt  }
0x7d: {  	_ =	shalt  }
0x7e: {  	_ =	shalt  }
0x7f: {  	_ =	shalt  }
0x80: {  	_ =	shalt  }
0x81: {  	_ =	shalt  }
0x82: {  	_ =	shalt  }
0x83: {  	_ =	shalt  }
0x84: {  	_ =	shalt  }
0x85: {  	_ =	shalt  }
0x86: {  	_ =	shalt  }
0x87: {  	_ =	shalt  }
.Lfunc_end0:
.L_simem_size_0:
called_computation.1_lowered:
.L_overlay_start_0:
0x88: {  	s2 =	sld [smem:$0x3FD9]  }
0x89: {  	s3 =	sld [smem:$0x3FFE];
	_ =	sdelay $0x1  }
0x8a: {  	s1 =	srdreg.scid  }
0x8b: {  	s0 =	sand.u32 $0x1, s1  }
0x8c: {  	s16 =	sshll.u32 s0, $0xA;
	s2 =	sadd.s32 s3, s2  }
0x8d: {  	s2 =	sadd.s32 s2, s16  }
0x8e: {  	[smem:$0x3FAB] =	sst s2  }
0x8f: {  	_ = 	snop  }
0x90: {  	(tm) =	ssettm $0x1  }
0x91: {  	s17 =	sld [smem:$0x3FFB];
	_ =	sdelay $0x3  }
0x92: {  	_ =	strace s17  }
0x93: {  	s2 =	sld [smem:$0x3FFC];
	_ =	sdelay $0x3  }
0x94: {  	_ =	strace s2  }
0x95: {  	s2 =	sld [smem:$0x3FFD];
	_ =	sdelay $0x3  }
0x96: {  	_ =	strace s2  }
0x97: {  	_ =	strace $0x8FFFFFFF  }
0x98: {  	s18 =	sld [smem:$0x3FDB];
	_ =	sdelay $0x1  }
0x99: {  	s19 =	simm.s32 $_scs_section_size  }
0x9a: {  	s4 =	simm.s32 $_size__tile_overlayer_lowered;
	s5 =	simm.s32 $_tile_overlayer_lowered  }
0x9b: {  	s22 =	simm.s32 $0x1BFF;
	s21 =	sshll.u32 s5, $0x1;
	s2 =	sadd.s32 s19, s18  }
0x9c: {  	s6 =	simm.s32 $0x0;
	s20 =	sshll.u32 s4, $0x1;
	s4 =	sadd.s32 s21, s2  }
0x9d: {  	[timem:s6], [sflag:s22] =	dma.local [hbm:s4], s20  }
0x9e: {  	_ =	swait.ge [sflag:s22], s20  }
0x9f: {  	s3 =	ssub.s32 $0x0, s20;
	[sflag:s22] =	ssyncset.done $0x0  }
0xa0: {  	[sflag:s22] =	ssyncadd.s32 s3;
	_ =	sdelay $0x1  }
0xa1: {  	s23 =	simm.s32 $0x1B8B  }
0xa2: {  	_ =	swait.ge [sflag:s23], $0x1  }
0xa3: {  	[sflag:s23] =	ssyncset.done $0x0  }
0xa4: {  	s25 =	simm.s32 $0x1B8E;
	s24 =	sld [smem:$0x3FFE];
	[sflag:s23] =	ssyncadd.s32 $0xFFFFFFFF  }
0xa5: {  	s26 =	simm.s32 $execute0_lowered;
	[smem:$0x3FD2] =	sst s25  }
0xa6: {  	s4 =	sshll.u32 s26, $0x1;
	_ =	strace $0x80000049;
	[dreg:$0x1] =	wrdreg $0xFFFFFFFF  }
0xa7: {  	s28 =	simm.s32 $_size_execute0_lowered;
	s2 =	sadd.s32 s2, s4;
	[dreg:$0x0] =	wrdreg $0x0  }
0xa8: {  	s4 =	sshll.u32 s28, $0x1;
	[dreg:$0x2] =	wrdreg s2  }
0xa9: {  	[dreg:$0x3] =	wrdreg s4  }
0xaa: {  	[dreg:$0x4] =	wrdreg $0xC0  }
0xab: {  	_ =	task [dreg:s6], $0x5FFFF  }
0xac: {  	[dreg:$0x1] =	wrdreg $0xFFFFFFFF  }
0xad: {  	[dreg:$0x0] =	wrdreg $0x60  }
0xae: {  	[dreg:$0x2] =	wrdreg s24  }
0xaf: {  	[dreg:$0x3] =	wrdreg $0x63000  }
0xb0: {  	[dreg:$0x4] =	wrdreg $0x9  }
0xb1: {  	_ =	task.clear_ibuf [dreg:s6], $0x5FFFF;
	_ =	strace $0x90000049  }
0xb2: {  	s29 =	simm.s32 $0x9;
	_ =	strace $0x8000004B  }
0xb3: {  	_ =	swait.ge [sflag:s29], $0x1  }
0xb4: {  	[sflag:s29] =	ssyncadd.s32 $0xFFFFFFFF  }
0xb5: {  	_ =	strace $0x9000004B  }
0xb6: {  	_ =	sfence  }
0xb7: {  	s30 =	sld [smem:$0x0];
	_ =	sdelay $0x2  }
0xb8: {  	s31 =	sshll.u32 s1, $0xD;
	s1 =	sshrl.u32 s1, $0x2  }
0xb9: {  	s3 =	sand.u32 $0x4000, s31;
	s1 =	sadd.s32 s1, s30  }
0xba: {  	s0 =	sor.u32 s3, s0;
	s1 =	sshll.u32 s1, $0x11  }
0xbb: {  	s0 =	sor.u32 s1, s0  }
0xbc: {  	s0 =	sadd.s32 $0x8F2B, s0  }
0xbd: {  	[sflag:s0] =	ssyncadd.remote.s32 $0x1  }
0xbe: {  	_ =	sfence.sel $0xFFFF  }
0xbf: {  	[dreg:$0x0] =	wrdreg $0xFFFFFFFF;
	(pc) =	sbr.abs _section_cstart, $3  }
0xc0: {  	[dreg:$0x1] =	wrdreg $0xFFFFFFFF  }
0xc1: {  	_ =	task.clear_ibuf [dreg:s6], $0x2FFFF;
	_ =	strace $0x9FFFFFFF  }
0xc2: {  	(tm) =	ssettm $0x7FFFFFFF  }
0xc3: {  	_ =	shalt  }
tec
execute0_lowered:
.L_overlay_start_1:
0x0: {  	(tag) =	ssettag $0x1  }
0x1: {  	s7 =	rddreg [dreg:$0x0];
	s1 =	srdreg.scid  }
0x2: {  	s0 =	stileid.u32;
	s2 =	rddreg [dreg:$0x1]  }
0x3: {  	s3 =	simm.s32 $0x0;
	s14 =	simm.s32 $0x1;
	s15 =	simm.s32 $0x80  }
0x4: {  	s16 =	simm.s32 $0x2;
	s6 =	sand.u32 $0x1, s1;
	s1 =	rddreg [dreg:$0x2]  }
0x5: {  	s4 =	sshll.u32 s0, $0x1;
	[smem:$0x7FF] =	sst s3;
	s5 =	sadd.s32 $0x5B1400, s7  }
0x6: {  	s12 =	smul.u32 $0x18800, s0;
	s30 =	sshll.u32 s0, $0x6;
	s8 =	sor.u32 s6, s4  }
0x7: {  	_ =	strace $0x8000004A;
	s10 =	smul.u32 $0x31000, s6;
	s11 =	ssub.s32 $0x2, s6  }
0x8: {  	s6 =	sadd.s32 $0x3C00, s7;
	s4 =	smul.u32 $0x6300, s8;
	s13 =	sshrl.u32 s11, $0x1  }
0x9: {  	s8 =	smul.u32 $0x18C00, s8;
	s31 =	sadd.s32 s12, s2;
	s18 =	sshrl.u32 s12, $0x3  }
.Ltmp0:
0xa: {  	s12 =	simm.s32 $0x3;
	s10 =	sadd.s32 s10, s7;
	(pc) =	sbr.rel .LBB2_1-.Ltmp0, $4  }
0xb: {  	s11 =	ssub.s32 s11, s13;
	s13 =	simm.s32 $0x300;
	s9 =	sshrl.u32 s4, $0x3  }
0xc: {  	s8 =	sadd.s32 s5, s8;
	s17 =	sadd.s32 $0x7EC00, s10;
	s10 =	smax.u32 s11, $0x1  }
0xd: {  	s11 =	sshrl.u32 s31, $0x3;
	s9 =	sadd.s32 s9, s7;
	s7 =	sor.u32 $0x1C03, s30  }
0xe: {  	s17 =	sadd.s32 s18, s17;
	s18 =	simm.s32 $0x0;
	s9 =	sadd.s32 $0x66000, s9  }
.LBB2_5:
0xf: {  	_ =	swait.ge [sflag:s16], $0x1000  }
0x10: {  	[sflag:s16] =	ssyncset.done $0x0  }
0x11: {  	[sflag:s16] =	ssyncadd.s32 $0xFFFFF000  }
0x12: {  	_ =	swait.ge [sflag:s16], $0x1000  }
0x13: {  	[sflag:s16] =	ssyncset.done $0x0  }
0x14: {  	[sflag:s16] =	ssyncadd.s32 $0xFFFFF000  }
0x15: {  	_ =	swait.ge [sflag:s16], $0x1000  }
0x16: {  	s18 =	sadd.s32 $0x1, s18;
	[sflag:s16] =	ssyncset.done $0x0  }
0x17: {  	p0 =	sne.s32 s18, s10;
	[sflag:s16] =	ssyncadd.s32 $0xFFFFF000  }
.Ltmp1:
0x18: {  	[bflag:$0x0] =	sbarrier.arrive $0xFFFF;
	(pc) =	sbr.rel @!p0 .LBB2_6-.Ltmp1, $4  }
0x19: {  	[hbm:s17], [sflag:s7] =	dma.local [spmem:s11], $0x3100  }
0x1a: {  	_ =	swait.ge [sflag:s12], $0x3100  }
0x1b: {  	[sflag:s12] =	ssyncset.done $0x0  }
0x1c: {  	[sflag:s12] =	ssyncadd.s32 $0xFFFFCF00  }
.LBB2_1:
0x1d: {  	[spmem:s11], [sflag:s7] =	dma.local [hbm:s6], $0x3100  }
0x1e: {  	_ =	swait.ge [sflag:s12], $0x3100  }
0x1f: {  	[sflag:s12] =	ssyncset.done $0x0  }
.Ltmp2:
0x20: {  	[sflag:s12] =	ssyncadd.s32 $0xFFFFCF00;
	(pc) =	sbr.rel .LBB2_2-.Ltmp2, $4  }
0x21: {  	[bflag:$0x0] =	sbarrier.arrive $0xFFFF  }
0x22: {  	[tilespmem:s13], [sflag:$0x1] =	stream.linear.gather [hbm4b:s8+s3], $0x3000, $0x38;
	[tilespmem:$0x1EB00] =	vst v63  }
0x23: {  	s20 =	simm.s32 $0x0  }
0x24: {  	[tilespmem:s3], [sflag:$0x1] =	stream.linear.gather [hbm4b:s9+s3], $0x180, $0x38;
	[tilespmem:$0x1EB00] =	vst v63  }
.LBB2_4:
0x25: {  	s20 =	smul.u32 $0xC000, s21  }
0x26: {  	s30 =	smul.u32 $0x600, s21  }
0x27: {  	s20 =	sshrl.u32 s20, $0x2  }
0x28: {  	p0 =	slt.u32 s19, $0x42;
	s21 =	sshrl.u32 s30, $0x2;
	s22 =	sor.u32 $0x300, s20  }
0x29: {  	[spmem:s2] =	stream.indirect.scatter.add.f32 [tilespmem:s22], [sflag:$0x2], $0x20, s21, s15, $0xb8;
	[tilespmem:$0x1EB00] =	vst v63  }
.Ltmp3:
0x2a: {  	s31 =	sadd.s32 $0x1300, s20;
	s23 =	sadd.s32 $0x80, s21;
	(pc) =	sbr.rel @!p0 .LBB2_5-.Ltmp3, $4  }
0x2b: {  	[spmem:s2] =	stream.indirect.scatter.add.f32 [tilespmem:s31], [sflag:$0x2], $0x20, s23, s15, $0xb8;
	[tilespmem:$0x1EB00] =	vst v63  }
0x2c: {  	s20 =	sadd.s32 $0x2300, s20;
	s21 =	sadd.s32 $0x100, s21  }
0x2d: {  	[spmem:s2] =	stream.indirect.scatter.add.f32 [tilespmem:s20], [sflag:$0x2], $0x20, s21, s15, $0xb8;
	[tilespmem:$0x1EB00] =	vst v63  }
0x2e: {  	s20 =	smov.u32 s19  }
.LBB2_2:
0x2f: {  	_ =	swait.ge [sflag:s14], $0x3000  }
0x30: {  	[sflag:s14] =	ssyncset.done $0x0  }
0x31: {  	[sflag:s14] =	ssyncadd.s32 $0xFFFFD000  }
0x32: {  	_ =	swait.ge [sflag:s14], $0x180  }
0x33: {  	p0 =	seq.s32 s20, $0x0;
	[sflag:s14] =	ssyncset.done $0x0  }
0x34: {  	s19 =	simm.s32 @!p0 $0x2;
	[sflag:s14] =	ssyncadd.s32 $0xFFFFFE80  }
0x35: {  	_ =	swait.ge @!p0 [sflag:s19], $0x1000  }
0x36: {  	[sflag:s19] =	ssyncset.done @!p0 $0x0  }
0x37: {  	p1 =	seq.s32 @!p0 s20, $0x41;
	[sflag:s19] =	ssyncadd.s32 @!p0 $0xFFFFF000  }
0x38: {  	p1 =	por p0, !p1;
	_ =	swait.ge @!p0 [sflag:s19], $0x1000  }
.Ltmp4:
0x39: {  	[sflag:s19] =	ssyncset.done @!p0 $0x0;
	(pc) =	sbr.rel @!p1 .LBB2_4-.Ltmp4, $4  }
0x3a: {  	[sflag:s19] =	ssyncadd.s32 @!p0 $0xFFFFF000  }
0x3b: {  	_ =	swait.ge @!p0 [sflag:s19], $0x1000  }
0x3c: {  	[sflag:s19] =	ssyncset.done @!p0 $0x0  }
0x3d: {  	s21 =	sand.u32 $0x1, s20;
	[sflag:s19] =	ssyncadd.s32 @!p0 $0xFFFFF000;
	s19 =	simm.s32 @!p0 $0x42  }
0x3e: {  	s19 =	sadd.s32 @!p0 $0x1, s20  }
0x3f: {  	s19 =	simm.s32 @p0 $0x1  }
0x40: {  	s31 =	smul.u32 $0x180, s19  }
0x41: {  	s22 =	sxor.u32 $0x1, s21  }
0x42: {  	s23 =	smul.u32 $0xC000, s22;
	s24 =	sadd.s32 s4, s31  }
0x43: {  	s22 =	smul.u32 $0x600, s22;
	s24 =	sshll.u32 s24, $0x2  }
.Ltmp5:
0x44: {  	s23 =	sshrl.u32 s23, $0x2;
	s24 =	sand.u32 $0x1FFFFE00, s24;
	(pc) =	sbr.rel .LBB2_4-.Ltmp5, $4  }
0x45: {  	s23 =	sor.u32 $0x300, s23;
	s20 =	sshrl.u32 s31, $0x3;
	s24 =	sadd.s32 s5, s24  }
0x46: {  	[tilespmem:s23], [sflag:$0x1] =	stream.linear.gather [hbm4b:s24+s3], $0x3000, $0x38;
	[tilespmem:$0x1EB00] =	vst v63  }
0x47: {  	s22 =	sshrl.u32 s22, $0x2;
	s20 =	sadd.s32 s9, s20  }
0x48: {  	[tilespmem:s22], [sflag:$0x1] =	stream.linear.gather [hbm4b:s20+s3], $0x180, $0x38;
	[tilespmem:$0x1EB00] =	vst v63  }
.LBB2_6:
0x49: {  	_ =	sfence.sel $0x180000  }
0x4a: {  	[bflag:$0x0] =	sbarrier.arrive $0xFFFF  }
0x4b: {  	p0 =	sne.s32 s0, $0x0;
	_ =	strace $0x9000004A  }
0x4c: {  	s0 =	sadd.s32 @!p0 $0x100000, s1;
	[bflag:$0x2] =	sbarrier.arrive $0xFFFF  }
0x4d: {  	[sflag:s0] =	ssyncadd.tile.s32 @!p0 $0x1;
	_ =	shalt  }
.Lfunc_end2:
_tile_overlayer_lowered:
.L_overlay_start_2:
0x4e: {  	(tag) =	ssettag $0x2  }
0x4f: {  	s0 =	rddreg [dreg:$0x0];
	s2 =	stileid.u32  }
0x50: {  	s1 =	rddreg [dreg:$0x1];
	p0 =	sne.s32 s2, $0x0  }
0x51: {  	s3 =	rddreg [dreg:$0x2];
	[bflag:$0x3] =	sbarrier.arrive $0xFFFF;
	s2 =	simm.s32 @!p0 $0x1C03  }
0x52: {  	[timem:s3], [sflag:s2] =	dma.local @!p0 [hbm:s0], s1  }
0x53: {  	s0 =	simm.s32 @!p0 $0x3  }
0x54: {  	_ =	swait.ge @!p0 [sflag:s0], s1  }
0x55: {  	s1 =	ssub.s32 @!p0 $0x0, s1;
	[sflag:s0] =	ssyncset.done @!p0 $0x0  }
0x56: {  	[sflag:s0] =	ssyncadd.s32 @!p0 s1  }
0x57: {  	[bflag:$0x3] =	sbarrier.arrive $0xFFFF  }
0x58: {  	_ =	shalt  }

// kernel: kernel.8.cloned.1.call-start
scs
__scs_entry_jumppad:
0x0: {  	(pc) =	sbr.rel $0x88, $3  }
0x1: {  	(tag) =	ssettag $0x0;
	lr =	simm.s32 $0x1  }
0x2: {  	[smem:$0x3F84] =	sst lr;
	_ =	strace $0xD0000000  }
0x3: {  	_ = 	snop  }
0x4: {  	_ = 	snop  }
0x5: {  	_ = 	snop  }
0x6: {  	_ = 	snop  }
0x7: {  	_ = 	snop  }
__scs_overlays_trampoline_lowered:
0x8: {  	[smem:$0x3F93] =	sst s0  }
0x9: {  	[smem:$0x3F94] =	sst s1  }
0xa: {  	[smem:$0x3F95] =	sst s2  }
0xb: {  	[smem:$0x3F96] =	sst s3  }
0xc: {  	[smem:$0x3F97] =	sst s4  }
0xd: {  	[smem:$0x3F98] =	sst s5  }
0xe: {  	[smem:$0x3F99] =	sst s6  }
0xf: {  	[smem:$0x3F9A] =	sst s7  }
0x10: {  	[smem:$0x3F9B] =	sst s8  }
0x11: {  	[smem:$0x3F9C] =	sst s9;
	s0 =	simm.s32 @!p0 $0x0  }
0x12: {  	s1 =	sld [smem:$0x3F82];
	s0 =	simm.s32 @p0 $0x1  }
0x13: {  	[smem:$0x3F9D] =	sst s0;
	s0 =	simm.s32 @!p1 $0x0  }
0x14: {  	s2 =	sld [smem:$0x3F81];
	s0 =	simm.s32 @p1 $0x1  }
0x15: {  	[smem:$0x3F9E] =	sst s0;
	s0 =	simm.s32 @!p2 $0x0  }
0x16: {  	s3 =	sld [smem:$0x3FDB];
	s0 =	simm.s32 @p2 $0x1  }
0x17: {  	s4 =	simm.s32 $0x1BF5;
	[smem:$0x3FA0] =	sst s0  }
0x18: {  	s0 =	sld [smem:$0x3F83];
	_ =	swait.ge [sflag:s4], $0x0  }
0x19: {  	s7 =	sld [smem:$0x3F84]  }
0x1a: {  	s8 =	sadd.s32 $0xFFFFE003, lr  }
0x1b: {  	s9 =	sadd.s32 $0xFFFFFEF7, lr;
	s5 =	simm.s32 $0xFFFFFFFF;
	p2 =	slt.u32 s8, $0xFFFFF086  }
0x1c: {  	p1 =	slt.u32 s9, $0xF7A;
	s5 =	simm.s32 @!p2 $0x0  }
0x1d: {  	s5 =	simm.s32 @p1 $0x1;
	p0 =	seq.s32 s7, s2  }
0x1e: {  	s7 =	smul.u32 @!p0 $0xF7A, s2;
	p2 =	seq.s32 @!p0 s5, $0x0  }
0x1f: {  	s9 =	smul.u32 $0xF7A, s1;
	s8 =	simm.s32 @!p0 $0x1BF5;
	p2 =	por !p2, p0  }
0x20: {  	[sflag:s8] =	ssyncset.s32 @!p0 $0xFFFFF086;
	s6 =	sadd.s32 @!p0 s3, s7;
	s7 =	simm.s32 @!p0 $0x108  }
0x21: {  	s3 =	sadd.s32 s3, s9;
	s6 =	sadd.s32 @!p0 $0x88, s6;
	s7 =	simm.s32 @p2 $0x1082  }
0x22: {  	[simem:s7], [sflag:s8] =	dma.local @!p0 [hbm:s6], $0xF7A  }
0x23: {  	s9 =	sor.u32 $0xD0000000, s2;
	s6 =	simm.s32 $0x108;
	_ =	swait.ge @!p0 [sflag:s8], $0x0  }
0x24: {  	s3 =	sadd.s32 $0x88, s3;
	s6 =	simm.s32 @!p1 $0x1082;
	[sflag:s4] =	ssyncset.s32 $0xFFFFF086  }
0x25: {  	[simem:s6], [sflag:s4] =	dma.local [hbm:s3], $0xF7A  }
0x26: {  	[smem:$0x3F84] =	sst s1;
	(tag) =	ssettag s2;
	_ =	strace s9  }
0x27: {  	s1 =	sld [smem:$0x3F94]  }
0x28: {  	s2 =	sld [smem:$0x3F95]  }
0x29: {  	s4 =	sld [smem:$0x3F97]  }
0x2a: {  	p0 =	seq.s32 s5, $0x0;
	s5 =	sld [smem:$0x3F98]  }
0x2b: {  	s6 =	sld [smem:$0x3F99]  }
0x2c: {  	s7 =	sld [smem:$0x3F9A]  }
0x2d: {  	s3 =	simm.s32 $0x108;
	s8 =	sld [smem:$0x3F9B]  }
0x2e: {  	s3 =	simm.s32 @!p0 $0x1082;
	s9 =	sld [smem:$0x3F9C]  }
0x2f: {  	lr =	sadd.s32 s0, s3;
	s0 =	sld [smem:$0x3F93]  }
0x30: {  	s3 =	sld [smem:$0x3F96]  }
0x31: {  	[smem:$0x3F9F] =	sst s10  }
0x32: {  	s10 =	sld [smem:$0x3F9D];
	_ =	sdelay $0x3  }
0x33: {  	p0 =	seq.s32 s10, $0x1;
	s10 =	sld [smem:$0x3F9F];
	_ =	sdelay $0x3  }
0x34: {  	[smem:$0x3F9F] =	sst s10  }
0x35: {  	s10 =	sld [smem:$0x3F9E];
	_ =	sdelay $0x3  }
0x36: {  	p1 =	seq.s32 s10, $0x1;
	s10 =	sld [smem:$0x3F9F];
	_ =	sdelay $0x3  }
0x37: {  	[smem:$0x3F9F] =	sst s10  }
0x38: {  	s10 =	sld [smem:$0x3FA0]  }
0x39: {  	_ = 	snop;
	(pc) =	sbr.ind lr, $3  }
0x3a: {  	_ = 	snop  }
0x3b: {  	_ = 	snop  }
0x3c: {  	p2 =	seq.s32 s10, $0x1;
	s10 =	sld [smem:$0x3F9F]  }
0x3d: {  	_ =	shalt  }
0x3e: {  	_ =	shalt  }
0x3f: {  	_ =	shalt  }
0x40: {  	_ =	shalt  }
0x41: {  	_ =	shalt  }
0x42: {  	_ =	shalt  }
0x43: {  	_ =	shalt  }
0x44: {  	_ =	shalt  }
0x45: {  	_ =	shalt  }
0x46: {  	_ =	shalt  }
0x47: {  	_ =	shalt  }
0x48: {  	_ =	shalt  }
0x49: {  	_ =	shalt  }
0x4a: {  	_ =	shalt  }
0x4b: {  	_ =	shalt  }
0x4c: {  	_ =	shalt  }
0x4d: {  	_ =	shalt  }
0x4e: {  	_ =	shalt  }
0x4f: {  	_ =	shalt  }
0x50: {  	_ =	shalt  }
0x51: {  	_ =	shalt  }
0x52: {  	_ =	shalt  }
0x53: {  	_ =	shalt  }
0x54: {  	_ =	shalt  }
0x55: {  	_ =	shalt  }
0x56: {  	_ =	shalt  }
0x57: {  	_ =	shalt  }
0x58: {  	_ =	shalt  }
0x59: {  	_ =	shalt  }
0x5a: {  	_ =	shalt  }
0x5b: {  	_ =	shalt  }
0x5c: {  	_ =	shalt  }
0x5d: {  	_ =	shalt  }
0x5e: {  	_ =	shalt  }
0x5f: {  	_ =	shalt  }
0x60: {  	_ =	shalt  }
0x61: {  	_ =	shalt  }
0x62: {  	_ =	shalt  }
0x63: {  	_ =	shalt  }
0x64: {  	_ =	shalt  }
0x65: {  	_ =	shalt  }
0x66: {  	_ =	shalt  }
0x67: {  	_ =	shalt  }
0x68: {  	_ =	shalt  }
0x69: {  	_ =	shalt  }
0x6a: {  	_ =	shalt  }
0x6b: {  	_ =	shalt  }
0x6c: {  	_ =	shalt  }
0x6d: {  	_ =	shalt  }
0x6e: {  	_ =	shalt  }
0x6f: {  	_ =	shalt  }
0x70: {  	_ =	shalt  }
0x71: {  	_ =	shalt  }
0x72: {  	_ =	shalt  }
0x73: {  	_ =	shalt  }
0x74: {  	_ =	shalt  }
0x75: {  	_ =	shalt  }
0x76: {  	_ =	shalt  }
0x77: {  	_ =	shalt  }
0x78: {  	_ =	shalt  }
0x79: {  	_ =	shalt  }
0x7a: {  	_ =	shalt  }
0x7b: {  	_ =	shalt  }
0x7c: {  	_ =	shalt  }
0x7d: {  	_ =	shalt  }
0x7e: {  	_ =	shalt  }
0x7f: {  	_ =	shalt  }
0x80: {  	_ =	shalt  }
0x81: {  	_ =	shalt  }
0x82: {  	_ =	shalt  }
0x83: {  	_ =	shalt  }
0x84: {  	_ =	shalt  }
0x85: {  	_ =	shalt  }
0x86: {  	_ =	shalt  }
0x87: {  	_ =	shalt  }
.Lfunc_end0:
.L_simem_size_0:
called_computation_lowered:
.L_overlay_start_0:
0x88: {  	s2 =	sld [smem:$0x3FD9]  }
0x89: {  	s3 =	sld [smem:$0x3FFE];
	_ =	sdelay $0x1  }
0x8a: {  	s1 =	srdreg.scid  }
0x8b: {  	s0 =	sand.u32 $0x1, s1  }
0x8c: {  	s17 =	sshll.u32 s0, $0xA;
	s2 =	sadd.s32 s3, s2  }
0x8d: {  	s2 =	sadd.s32 s2, s17  }
0x8e: {  	[smem:$0x3FAB] =	sst s2  }
0x8f: {  	_ = 	snop  }
0x90: {  	s2 =	sld [smem:$0x3FD0];
	(tm) =	ssettm $0x1  }
0x91: {  	s18 =	sld [smem:$0x3FFB];
	_ =	sdelay $0x3  }
0x92: {  	_ =	strace s18  }
0x93: {  	s3 =	sld [smem:$0x3FFC];
	_ =	sdelay $0x3  }
0x94: {  	_ =	strace s3  }
0x95: {  	s3 =	sld [smem:$0x3FFD];
	_ =	sdelay $0x3  }
0x96: {  	_ =	strace s3  }
0x97: {  	_ =	strace $0x8FFFFFFF  }
0x98: {  	s19 =	sld [smem:$0x3FDB];
	_ =	sdelay $0x1  }
0x99: {  	s4 =	simm.s32 $_scs_section_size  }
0x9a: {  	s5 =	simm.s32 $_size__tile_overlayer_lowered;
	s6 =	simm.s32 $_tile_overlayer_lowered  }
0x9b: {  	s22 =	simm.s32 $0x1BFF;
	s21 =	sshll.u32 s6, $0x1;
	s3 =	sadd.s32 s4, s19  }
0x9c: {  	s7 =	simm.s32 $0x0;
	s20 =	sshll.u32 s5, $0x1;
	s5 =	sadd.s32 s21, s3  }
0x9d: {  	[timem:s7], [sflag:s22] =	dma.local [hbm:s5], s20  }
0x9e: {  	_ =	swait.ge [sflag:s22], s20  }
0x9f: {  	s4 =	ssub.s32 $0x0, s20;
	[sflag:s22] =	ssyncset.done $0x0  }
0xa0: {  	[sflag:s22] =	ssyncadd.s32 s4;
	_ =	sdelay $0x1  }
0xa1: {  	s23 =	simm.s32 $0x1B8B  }
0xa2: {  	_ =	swait.ge [sflag:s23], $0x1  }
0xa3: {  	[sflag:s23] =	ssyncset.done $0x0  }
0xa4: {  	s25 =	simm.s32 $0x1B8E;
	s24 =	sld [smem:$0x3FFE];
	[sflag:s23] =	ssyncadd.s32 $0xFFFFFFFF  }
0xa5: {  	s26 =	simm.s32 $execute0_lowered;
	[smem:$0x3FD2] =	sst s25  }
0xa6: {  	s5 =	sshll.u32 s26, $0x1;
	_ =	strace $0x80000046;
	[dreg:$0x1] =	wrdreg $0xFFFFFFFF  }
0xa7: {  	s28 =	simm.s32 $_size_execute0_lowered;
	s3 =	sadd.s32 s3, s5;
	[dreg:$0x0] =	wrdreg $0x0  }
0xa8: {  	s5 =	sshll.u32 s28, $0x1;
	[dreg:$0x2] =	wrdreg s3  }
0xa9: {  	[dreg:$0x3] =	wrdreg s5  }
0xaa: {  	[dreg:$0x4] =	wrdreg $0xC0  }
0xab: {  	_ =	task [dreg:s7], $0x5FFFF  }
0xac: {  	[dreg:$0x1] =	wrdreg $0xFFFFFFFF  }
0xad: {  	[dreg:$0x0] =	wrdreg $0x60  }
0xae: {  	[dreg:$0x2] =	wrdreg s24  }
0xaf: {  	[dreg:$0x3] =	wrdreg s2  }
0xb0: {  	[dreg:$0x4] =	wrdreg $0x9  }
0xb1: {  	_ =	task.clear_ibuf [dreg:s7], $0x5FFFF;
	_ =	strace $0x90000046  }
0xb2: {  	s29 =	simm.s32 $0x9;
	_ =	strace $0x80000048  }
0xb3: {  	_ =	swait.ge [sflag:s29], $0x1  }
0xb4: {  	[sflag:s29] =	ssyncadd.s32 $0xFFFFFFFF  }
0xb5: {  	_ =	strace $0x90000048  }
0xb6: {  	_ =	sfence  }
0xb7: {  	s30 =	sld [smem:$0x0];
	_ =	sdelay $0x2  }
0xb8: {  	s31 =	sshll.u32 s1, $0xD;
	s1 =	sshrl.u32 s1, $0x2  }
0xb9: {  	s3 =	sand.u32 $0x4000, s31;
	s1 =	sadd.s32 s1, s30  }
0xba: {  	s0 =	sor.u32 s3, s0;
	s1 =	sshll.u32 s1, $0x11  }
0xbb: {  	s0 =	sor.u32 s1, s0  }
0xbc: {  	s0 =	sadd.s32 $0x8F2B, s0  }
0xbd: {  	[sflag:s0] =	ssyncadd.remote.s32 $0x1  }
0xbe: {  	_ =	sfence.sel $0xFFFF  }
0xbf: {  	[dreg:$0x0] =	wrdreg $0xFFFFFFFF;
	(pc) =	sbr.abs _section_cstart, $3  }
0xc0: {  	[dreg:$0x1] =	wrdreg $0xFFFFFFFF  }
0xc1: {  	_ =	task.clear_ibuf [dreg:s7], $0x2FFFF;
	_ =	strace $0x9FFFFFFF  }
0xc2: {  	(tm) =	ssettm $0x7FFFFFFF  }
0xc3: {  	_ =	shalt  }
tec
execute0_lowered:
.L_overlay_start_1:
0x0: {  	(tag) =	ssettag $0x1  }
0x1: {  	s0 =	rddreg [dreg:$0x0];
	s3 =	simm.s32 $0x0  }
0x2: {  	s2 =	stileid.u32;
	s1 =	srdreg.scid;
	s10 =	simm.s32 $0x58  }
0x3: {  	s17 =	simm.s32 $0x4;
	s18 =	simm.s32 $0x300;
	s19 =	simm.s32 $0x180  }
0x4: {  	s20 =	simm.s32 $0x600;
	s21 =	simm.s32 $0x9600;
	s22 =	simm.s32 $0x480  }
0x5: {  	s23 =	simm.s32 $0x1;
	s24 =	simm.s32 $0x2;
	s25 =	simm.s32 $0x0  }
0x6: {  	[smem:$0x7FF] =	sst s3;
	s5 =	smul.u32 $0x2C, s2;
	s1 =	sand.u32 $0x1, s1  }
0x7: {  	s8 =	smul.u32 $0x58, s2;
	s4 =	sadd.s32 $0x24FC00, s0;
	s6 =	sadd.s32 $0x3C00, s0  }
0x8: {  	s7 =	sadd.s32 $0x4D400, s0;
	p0 =	seq.s32 s1, $0x0;
	s5 =	sadd.s32 $0x580, s5  }
0x9: {  	s9 =	sadd.s32 $0x299400, s0;
	s1 =	ssub.s32 $0x2, s1;
	s5 =	smov.u32 @p0 s8  }
0xa: {  	_ =	strace $0x80000047;
	s30 =	sshrl.u32 s1, $0x1;
	s12 =	smul.u32 $0x30, s5  }
0xb: {  	s10 =	simm.s32 @!p0 $0x2C;
	s8 =	sadd.s32 $0x7EC00, s0;
	s0 =	ssub.s32 s1, s30  }
0xc: {  	s15 =	smax.u32 s0, $0x1;
	s31 =	sor.u32 $0x30, s12;
	s11 =	sadd.s32 s7, s12  }
0xd: {  	s12 =	sadd.s32 s8, s12;
	s13 =	sadd.s32 s7, s31;
	s14 =	sadd.s32 s8, s31  }
.LBB2_1:
0xe: {  	s0 =	rddreg [dreg:$0x1];
	s1 =	simm.s32 $0x18600  }
0xf: {  	[tilespmem:s1], [sflag:$0x4] =	stream.linear.gather [hbm4b:s0+s3], $0x20, $0x38;
	[tilespmem:$0x18620] =	vst v63  }
0x10: {  	_ =	swait.ge [sflag:s17], $0x20  }
0x11: {  	[sflag:s17] =	ssyncset.done $0x0  }
0x12: {  	[sflag:s17] =	ssyncadd.s32 $0xFFFFFFE0  }
0x13: {  	[tilespmem:s3], [sflag:$0x4] =	stream.linear.gather [hbm4b:s11+s3], $0x180, $0x38;
	[tilespmem:$0x18620] =	vst v63  }
0x14: {  	_ =	swait.ge [sflag:s17], $0x180  }
0x15: {  	[sflag:s17] =	ssyncset.done $0x0  }
0x16: {  	[sflag:s17] =	ssyncadd.s32 $0xFFFFFE80  }
0x17: {  	[tilespmem:s18], [sflag:$0x4] =	stream.linear.gather [hbm4b:s12+s3], $0x180, $0x38;
	[tilespmem:$0x18620] =	vst v63  }
0x18: {  	_ =	swait.ge [sflag:s17], $0x180  }
0x19: {  	[sflag:s17] =	ssyncset.done $0x0  }
0x1a: {  	[sflag:s17] =	ssyncadd.s32 $0xFFFFFE80  }
0x1b: {  	[tilespmem:s20], [sflag:$0x1] =	stream.indirect.gather [hbm4b:s4+s19], $0x30, s3, s19, $0xb8;
	[tilespmem:$0x18620] =	vst v63  }
0x1c: {  	_ = 	snop  }
0x1d: {  	[tilespmem:s21], [sflag:$0x1] =	stream.indirect.gather [hbm4b:s6+s19], $0x30, s18, s19, $0xb8;
	[tilespmem:$0x18620] =	vst v63  }
0x1e: {  	_ = 	snop  }
0x1f: {  	[tilespmem:s19], [sflag:$0x3] =	stream.linear.gather [hbm4b:s13+s3], $0x180, $0x38;
	[tilespmem:$0x18620] =	vst v63  }
0x20: {  	p0 =	por $0x0, $0x0;
	s28 =	simm.s32 $0x0  }
0x21: {  	[tilespmem:s22], [sflag:$0x3] =	stream.linear.gather [hbm4b:s14+s3], $0x180, $0x38;
	[tilespmem:$0x18620] =	vst v63  }
.LBB2_2:
0x22: {  	s26 =	sadd.s32 $0x1, s28  }
0x23: {  	p1 =	sge.u32 s26, s10  }
0x24: {  	s1 =	simm.s32 @!p1 $0x3  }
0x25: {  	_ =	swait.ge @!p1 [sflag:s1], $0x180  }
0x26: {  	s0 =	sand.u32 $0x1, s28;
	[sflag:s1] =	ssyncset.done @!p1 $0x0  }
0x27: {  	s29 =	sxor.u32 @!p1 $0x1, s0;
	[sflag:s1] =	ssyncadd.s32 @!p1 $0xFFFFFE80  }
0x28: {  	s30 =	smul.u32 @!p1 $0x4800, s29;
	_ =	swait.ge @!p1 [sflag:s1], $0x180  }
0x29: {  	s29 =	smul.u32 @!p1 $0x180, s29;
	[sflag:s1] =	ssyncset.done @!p1 $0x0  }
0x2a: {  	s31 =	simm.s32 @!p1 $0x180;
	[sflag:s1] =	ssyncadd.s32 @!p1 $0xFFFFFE80;
	s1 =	sor.u32 @!p1 $0x600, s30  }
0x2b: {  	[tilespmem:s1], [sflag:$0x1] =	stream.indirect.gather @!p1 [hbm4b:s4+s31], $0x30, s29, s31, $0xb8;
	[tilespmem:$0x18620] =	vst v63  }
0x2c: {  	s1 =	sadd.s32 @!p1 $0x300, s29;
	s29 =	sadd.s32 @!p1 $0x9600, s30  }
0x2d: {  	[tilespmem:s29], [sflag:$0x1] =	stream.indirect.gather @!p1 [hbm4b:s6+s31], $0x30, s1, s31, $0xb8;
	[tilespmem:$0x18620] =	vst v63  }
0x2e: {  	s29 =	simm.s32 $0x1;
	s1 =	sadd.s32 $0x2, s28;
	_ =	swait.ge [sflag:s23], $0x4800  }
0x2f: {  	s29 =	simm.s32 @!p0 $0x0;
	p1 =	sge.u32 s1, s10;
	[sflag:s23] =	ssyncset.done $0x0  }
0x30: {  	s30 =	smul.u32 $0x12000, s29;
	s1 =	sadd.s32 @!p1 s5, s1;
	[sflag:s23] =	ssyncadd.s32 $0xFFFFB800  }
0x31: {  	s1 =	smul.u32 @!p1 $0x30, s1;
	_ =	swait.ge [sflag:s23], $0x4800  }
0x32: {  	s31 =	smul.u32 @!p1 $0x180, s0;
	s16 =	simm.s32 @!p1 $0x0;
	[sflag:s23] =	ssyncset.done $0x0  }
0x33: {  	s30 =	sshrl.u32 s30, $0x2;
	s2 =	sadd.s32 @!p1 s7, s1;
	[sflag:s23] =	ssyncadd.s32 $0xFFFFB800  }
0x34: {  	[tilespmem:s31], [sflag:$0x3] =	stream.linear.gather @!p1 [hbm4b:s2+s16], $0x180, $0x38;
	[tilespmem:$0x18620] =	vst v63  }
0x35: {  	s1 =	sadd.s32 @!p1 s8, s1;
	s2 =	sor.u32 $0x600, s30;
	s31 =	sadd.s32 @!p1 $0x300, s31  }
0x36: {  	[tilespmem:s31], [sflag:$0x3] =	stream.linear.gather @!p1 [hbm4b:s1+s16], $0x180, $0x38;
	[tilespmem:$0x18620] =	vst v63  }
0x37: {  	v0 =	vmov s2;
	s16 =	sadd.s32 $0x9600, s30;
	p1 =	slt.u32 s28, $0x2  }
0x38: {  	s2 =	simm.s32 @!p1 $0x2;
	v1 =	vmov s16  }
0x39: {  	_ =	swait.ge @!p1 [sflag:s2], $0x3000  }
0x3a: {  	[sflag:s2] =	ssyncset.done @!p1 $0x0  }
0x3b: {  	s1 =	simm.s32 $0xB0;
	[sflag:s2] =	ssyncadd.s32 @!p1 $0xFFFFD000  }
0x3c: {  	v2 =	vld.idx.msk [tilespmem:v0+s1+$0xFFFFFF70 ss:$0x1], $0xffff  }
0x3d: {  	v3 =	vld.idx.msk [tilespmem:v1+s1+$0xFFFFFF70 ss:$0x1], $0xffff;
	_ =	sdelay $0x4  }
0x3e: {  	v2 =	vsub.f32 v2, v3;
	_ =	sdelay $0x1  }
0x3f: {  	v2 =	vmul.f32 v2, v2;
	_ =	sdelay $0x1  }
0x40: {  	(xrf2) =	vadd.scan.msk.f32 $0xffff, v2;
	_ =	sdelay $0x3  }
0x41: {  	v5 =	vld.idx.msk [tilespmem:v0+s1+$0xFFFFFF50 ss:$0x1], $0xffff  }
0x42: {  	v7 =	vld.idx.msk [tilespmem:v0+s1+$0xFFFFFF60 ss:$0x1], $0xffff  }
0x43: {  	v4 =	vld.idx.msk [tilespmem:v1+s1+$0xFFFFFF60 ss:$0x1], $0xffff  }
0x44: {  	v6 =	vld.idx.msk [tilespmem:v1+s1+$0xFFFFFF50 ss:$0x1], $0xffff  }
0x45: {  	v2 =	vld [tilespmem:$0x18600]  }
0x46: {  	v3 =	vld [tilespmem:$0x18610]  }
0x47: {  	v8, _, _ =	vpop (xrf2)  }
0x48: {  	v8 =	vbroadcast v8, $0xF;
	_ =	sdelay $0x1  }
0x49: {  	s16 =	smul.u32 $0xC000, s29;
	v5 =	vadd.f32 v6, v5;
	v6 =	vmul.f32 v8, v2  }
0x4a: {  	v4 =	vadd.f32 v4, v7;
	v7 =	vmul.f32 v8, v3  }
0x4b: {  	s2 =	sshrl.u32 s16, $0x2;
	v5 =	vadd.f32 v6, v5  }
0x4c: {  	s29 =	sadd.s32 $0x12640, s2;
	v4 =	vadd.f32 v7, v4  }
0x4d: {  	[tilespmem:s29+$0xFFFFFFC0] =	vst v5  }
0x4e: {  	[tilespmem:s29+$0xFFFFFFD0] =	vst v4  }
0x4f: {  	v4 =	vld.idx.msk [tilespmem:v0+s1+$0xFFFFFFA0 ss:$0x1], $0xffff  }
0x50: {  	v5 =	vld.idx.msk [tilespmem:v1+s1+$0xFFFFFFA0 ss:$0x1], $0xffff;
	_ =	sdelay $0x4  }
0x51: {  	v4 =	vsub.f32 v4, v5;
	_ =	sdelay $0x1  }
0x52: {  	v4 =	vmul.f32 v4, v4;
	_ =	sdelay $0x1  }
0x53: {  	(xrf2) =	vadd.scan.msk.f32 $0xffff, v4;
	_ =	sdelay $0x5  }
0x54: {  	v6 =	vld.idx.msk [tilespmem:v0+s1+$0xFFFFFF80 ss:$0x1], $0xffff  }
0x55: {  	v7 =	vld.idx.msk [tilespmem:v0+s1+$0xFFFFFF90 ss:$0x1], $0xffff  }
0x56: {  	v5 =	vld.idx.msk [tilespmem:v1+s1+$0xFFFFFF80 ss:$0x1], $0xffff  }
0x57: {  	v4 =	vld.idx.msk [tilespmem:v1+s1+$0xFFFFFF90 ss:$0x1], $0xffff  }
0x58: {  	v61, _, _ =	vpop (xrf2)  }
0x59: {  	v8 =	vbroadcast v61, $0xF;
	_ =	sdelay $0x1  }
0x5a: {  	v5 =	vadd.f32 v5, v6;
	v6 =	vmul.f32 v8, v2  }
0x5b: {  	v4 =	vadd.f32 v4, v7;
	v7 =	vmul.f32 v8, v3  }
0x5c: {  	v5 =	vadd.f32 v6, v5  }
0x5d: {  	v4 =	vadd.f32 v7, v4  }
0x5e: {  	[tilespmem:s29+$0xFFFFFFE0] =	vst v5  }
0x5f: {  	[tilespmem:s29+$0xFFFFFFF0] =	vst v4  }
0x60: {  	v4 =	vld.idx.msk [tilespmem:v0+s1+$0xFFFFFFD0 ss:$0x1], $0xffff  }
0x61: {  	v5 =	vld.idx.msk [tilespmem:v1+s1+$0xFFFFFFD0 ss:$0x1], $0xffff;
	_ =	sdelay $0x4  }
0x62: {  	v4 =	vsub.f32 v4, v5;
	_ =	sdelay $0x1  }
0x63: {  	v4 =	vmul.f32 v4, v4;
	_ =	sdelay $0x1  }
0x64: {  	(xrf2) =	vadd.scan.msk.f32 $0xffff, v4;
	_ =	sdelay $0x5  }
0x65: {  	v6 =	vld.idx.msk [tilespmem:v1+s1+$0xFFFFFFB0 ss:$0x1], $0xffff  }
0x66: {  	v7 =	vld.idx.msk [tilespmem:v0+s1+$0xFFFFFFC0 ss:$0x1], $0xffff  }
0x67: {  	v4 =	vld.idx.msk [tilespmem:v0+s1+$0xFFFFFFB0 ss:$0x1], $0xffff  }
0x68: {  	v5 =	vld.idx.msk [tilespmem:v1+s1+$0xFFFFFFC0 ss:$0x1], $0xffff  }
0x69: {  	v62, _, _ =	vpop (xrf2)  }
0x6a: {  	v8 =	vbroadcast v62, $0xF;
	_ =	sdelay $0x1  }
0x6b: {  	v4 =	vadd.f32 v6, v4;
	v6 =	vmul.f32 v8, v2  }
0x6c: {  	v5 =	vadd.f32 v5, v7;
	v7 =	vmul.f32 v8, v3  }
0x6d: {  	v4 =	vadd.f32 v6, v4  }
0x6e: {  	v5 =	vadd.f32 v7, v5  }
0x6f: {  	[tilespmem:s29+$0x0] =	vst v4  }
0x70: {  	[tilespmem:s29+$0x10] =	vst v5  }
0x71: {  	v4 =	vld.idx.msk [tilespmem:v0+s1+$0x0 ss:$0x1], $0xffff  }
0x72: {  	v5 =	vld.idx.msk [tilespmem:v1+s1+$0x0 ss:$0x1], $0xffff;
	_ =	sdelay $0x4  }
0x73: {  	v4 =	vsub.f32 v4, v5;
	_ =	sdelay $0x1  }
0x74: {  	v6 =	vld.idx.msk [tilespmem:v1+s1+$0xFFFFFFF0 ss:$0x1], $0xffff;
	v4 =	vmul.f32 v4, v4  }
0x75: {  	v7 =	vld.idx.msk [tilespmem:v0+s1+$0xFFFFFFF0 ss:$0x1], $0xffff  }
0x76: {  	v63 =	vld.idx.msk [tilespmem:v0+s1+$0xFFFFFFE0 ss:$0x1], $0xffff;
	(xrf2) =	vadd.scan.msk.f32 $0xffff, v4  }
0x77: {  	v9 =	vld.idx.msk [tilespmem:v1+s1+$0xFFFFFFE0 ss:$0x1], $0xffff;
	_ =	sdelay $0x1  }
0x78: {  	s0 =	smul.u32 $0xC000, s0;
	_ =	sdelay $0x1  }
0x79: {  	s0 =	sshrl.u32 s0, $0x2  }
0x7a: {  	s30 =	sadd.s32 $0x12600, s0;
	s0 =	simm.s32 $0x5C0;
	s31 =	smov.u32 s29;
	v5 =	vadd.f32 v9, v63;
	v4 =	vadd.f32 v6, v7  }
.LBB2_3:
0x7b: {  	_ =	sdelay $0x1  }
0x7c: {  	p1 =	sne.s32 s0, $0x11FC0  }
0x7d: {  	s29 =	sadd.s32 $0x80, s29;
	s1 =	smov.u32 s0;
	s0 =	sadd.s32 $0x300, s0;
	v6, _, _ =	vpop (xrf2)  }
0x7e: {  	v6 =	vbroadcast v6, $0xF;
	_ =	sdelay $0x1  }
0x7f: {  	v7 =	vmul.f32 v6, v2;
	v6 =	vmul.f32 v6, v3;
	_ =	sdelay $0x1  }
0x80: {  	v5 =	vadd.f32 v7, v5;
	v4 =	vadd.f32 v6, v4;
	_ =	sdelay $0x1  }
0x81: {  	[tilespmem:s31+$0x20] =	vst v5  }
0x82: {  	s1 =	sshra.s32 s1, $0x2;
	[tilespmem:s31+$0x30] =	vst v4;
	s31 =	smov.u32 s29  }
0x83: {  	v4 =	vld.idx.msk [tilespmem:v0+s1+$0xFFFFFF70 ss:$0x1], $0xffff  }
0x84: {  	v5 =	vld.idx.msk [tilespmem:v1+s1+$0xFFFFFF70 ss:$0x1], $0xffff;
	_ =	sdelay $0x5  }
0x85: {  	v4 =	vsub.f32 v4, v5;
	_ =	sdelay $0x1  }
0x86: {  	v4 =	vmul.f32 v4, v4;
	_ =	sdelay $0x1  }
0x87: {  	(xrf2) =	vadd.scan.msk.f32 $0xffff, v4;
	_ =	sdelay $0x2  }
0x88: {  	v4 =	vld.idx.msk [tilespmem:v1+s1+$0xFFFFFF60 ss:$0x1], $0xffff  }
0x89: {  	v5 =	vld.idx.msk [tilespmem:v0+s1+$0xFFFFFF60 ss:$0x1], $0xffff  }
0x8a: {  	v6 =	vld.idx.msk [tilespmem:v0+s1+$0xFFFFFF50 ss:$0x1], $0xffff  }
0x8b: {  	v7 =	vld.idx.msk [tilespmem:v1+s1+$0xFFFFFF50 ss:$0x1], $0xffff;
	_ =	sdelay $0x3  }
0x8c: {  	v8, _, _ =	vpop (xrf2)  }
0x8d: {  	v8 =	vbroadcast v8, $0xF  }
0x8e: {  	v4 =	vadd.f32 v4, v5;
	v6 =	vadd.f32 v7, v6  }
0x8f: {  	v5 =	vmul.f32 v8, v2;
	v7 =	vmul.f32 v8, v3;
	_ =	sdelay $0x1  }
0x90: {  	v5 =	vadd.f32 v5, v6;
	v4 =	vadd.f32 v7, v4;
	_ =	sdelay $0x1  }
0x91: {  	[tilespmem:s29+$0xFFFFFFC0] =	vst v5  }
0x92: {  	[tilespmem:s29+$0xFFFFFFD0] =	vst v4  }
0x93: {  	v4 =	vld.idx.msk [tilespmem:v0+s1+$0xFFFFFFA0 ss:$0x1], $0xffff  }
0x94: {  	v5 =	vld.idx.msk [tilespmem:v1+s1+$0xFFFFFFA0 ss:$0x1], $0xffff;
	_ =	sdelay $0x5  }
0x95: {  	v4 =	vsub.f32 v4, v5;
	_ =	sdelay $0x1  }
0x96: {  	v4 =	vmul.f32 v4, v4;
	_ =	sdelay $0x1  }
0x97: {  	(xrf2) =	vadd.scan.msk.f32 $0xffff, v4  }
0x98: {  	v4 =	vld.idx.msk [tilespmem:v1+s1+$0xFFFFFF90 ss:$0x1], $0xffff  }
0x99: {  	v5 =	vld.idx.msk [tilespmem:v1+s1+$0xFFFFFF80 ss:$0x1], $0xffff  }
0x9a: {  	v6 =	vld.idx.msk [tilespmem:v0+s1+$0xFFFFFF90 ss:$0x1], $0xffff  }
0x9b: {  	v7 =	vld.idx.msk [tilespmem:v0+s1+$0xFFFFFF80 ss:$0x1], $0xffff;
	_ =	sdelay $0x5  }
0x9c: {  	v4 =	vadd.f32 v4, v6;
	v5 =	vadd.f32 v5, v7;
	v6, _, _ =	vpop (xrf2)  }
0x9d: {  	v6 =	vbroadcast v6, $0xF;
	_ =	sdelay $0x1  }
0x9e: {  	v7 =	vmul.f32 v6, v2;
	v6 =	vmul.f32 v6, v3;
	_ =	sdelay $0x1  }
0x9f: {  	v5 =	vadd.f32 v7, v5;
	v4 =	vadd.f32 v6, v4;
	_ =	sdelay $0x1  }
0xa0: {  	[tilespmem:s29+$0xFFFFFFE0] =	vst v5  }
0xa1: {  	[tilespmem:s29+$0xFFFFFFF0] =	vst v4  }
0xa2: {  	v4 =	vld.idx.msk [tilespmem:v0+s1+$0xFFFFFFD0 ss:$0x1], $0xffff  }
0xa3: {  	v5 =	vld.idx.msk [tilespmem:v1+s1+$0xFFFFFFD0 ss:$0x1], $0xffff;
	_ =	sdelay $0x5  }
0xa4: {  	v4 =	vsub.f32 v4, v5;
	_ =	sdelay $0x1  }
0xa5: {  	v4 =	vmul.f32 v4, v4  }
0xa6: {  	v5 =	vld.idx.msk [tilespmem:v0+s1+$0xFFFFFFB0 ss:$0x1], $0xffff  }
0xa7: {  	v6 =	vld.idx.msk [tilespmem:v1+s1+$0xFFFFFFC0 ss:$0x1], $0xffff;
	(xrf2) =	vadd.scan.msk.f32 $0xffff, v4  }
0xa8: {  	v4 =	vld.idx.msk [tilespmem:v0+s1+$0xFFFFFFC0 ss:$0x1], $0xffff  }
0xa9: {  	v7 =	vld.idx.msk [tilespmem:v1+s1+$0xFFFFFFB0 ss:$0x1], $0xffff;
	_ =	sdelay $0x5  }
0xaa: {  	v4 =	vadd.f32 v6, v4;
	v5 =	vadd.f32 v7, v5;
	_ =	sdelay $0x1  }
0xab: {  	v6, _, _ =	vpop (xrf2)  }
0xac: {  	v6 =	vbroadcast v6, $0xF;
	_ =	sdelay $0x1  }
0xad: {  	v7 =	vmul.f32 v6, v2;
	v6 =	vmul.f32 v6, v3;
	_ =	sdelay $0x1  }
0xae: {  	v5 =	vadd.f32 v7, v5;
	v4 =	vadd.f32 v6, v4;
	_ =	sdelay $0x1  }
0xaf: {  	[tilespmem:s29+$0x0] =	vst v5  }
0xb0: {  	[tilespmem:s29+$0x10] =	vst v4  }
0xb1: {  	v4 =	vld.idx.msk [tilespmem:v0+s1+$0x0 ss:$0x1], $0xffff  }
0xb2: {  	v5 =	vld.idx.msk [tilespmem:v1+s1+$0x0 ss:$0x1], $0xffff  }
0xb3: {  	v6 =	vld.idx.msk [tilespmem:v1+s1+$0xFFFFFFF0 ss:$0x1], $0xffff  }
0xb4: {  	v7 =	vld.idx.msk [tilespmem:v0+s1+$0xFFFFFFF0 ss:$0x1], $0xffff  }
0xb5: {  	v8 =	vld.idx.msk [tilespmem:v0+s1+$0xFFFFFFE0 ss:$0x1], $0xffff  }
0xb6: {  	v9 =	vld.idx.msk [tilespmem:v1+s1+$0xFFFFFFE0 ss:$0x1], $0xffff;
	_ =	sdelay $0x1  }
0xb7: {  	v4 =	vsub.f32 v4, v5;
	_ =	sdelay $0x1  }
0xb8: {  	v4 =	vmul.f32 v4, v4;
	_ =	sdelay $0x1  }
0xb9: {  	(xrf2) =	vadd.scan.msk.f32 $0xffff, v4;
	_ =	sdelay $0x1  }
.Ltmp0:
0xba: {  	(pc) =	sbr.rel @p1 .LBB2_3-.Ltmp0, $2  }
0xbb: {  	_ =	sdelay $0x2  }
0xbc: {  	v5 =	vadd.f32 v9, v8;
	v4 =	vadd.f32 v6, v7  }
0xbd: {  	_ =	sdelay $0x2  }
0xbe: {  	v0, _, _ =	vpop (xrf2)  }
0xbf: {  	v0 =	vbroadcast v0, $0xF;
	_ =	sdelay $0x1  }
0xc0: {  	v1 =	vmul.f32 v0, v2  }
0xc1: {  	p1 =	sne.s32 s26, s10;
	v0 =	vmul.f32 v0, v3  }
.Ltmp1:
0xc2: {  	s0 =	sadd.s32 s5, s28;
	v1 =	vadd.f32 v1, v5;
	(pc) =	sbr.rel @p1 .LBB2_2-.Ltmp1, $4  }
0xc3: {  	s0 =	smul.u32 $0x600, s0;
	v0 =	vadd.f32 v0, v4  }
0xc4: {  	[tilespmem:s31+$0x20] =	vst v1  }
0xc5: {  	p0 =	por !p0, !p0;
	s28 =	smov.u32 s26;
	s0 =	sadd.s32 s9, s0;
	[tilespmem:s31+$0x30] =	vst v0  }
0xc6: {  	[hbm4b:s0+s3] =	stream.linear.scatter [tilespmem:s30], [sflag:$0x2], $0x3000, $0x38;
	[tilespmem:$0x18620] =	vst v63  }
0xc7: {  	s25 =	sadd.s32 $0x1, s25  }
0xc8: {  	_ =	swait.ge [sflag:s24], $0x3000;
	p0 =	sne.s32 s25, s15  }
.Ltmp2:
0xc9: {  	[sflag:s24] =	ssyncset.done $0x0;
	(pc) =	sbr.rel @p0 .LBB2_1-.Ltmp2, $4  }
0xca: {  	[sflag:s24] =	ssyncadd.s32 $0xFFFFD000  }
0xcb: {  	_ =	swait.ge [sflag:s24], $0x3000  }
0xcc: {  	[sflag:s24] =	ssyncset.done $0x0  }
0xcd: {  	[sflag:s24] =	ssyncadd.s32 $0xFFFFD000  }
0xce: {  	_ =	sfence.sel $0x180000  }
0xcf: {  	[bflag:$0x0] =	sbarrier.arrive $0xFFFF  }
0xd0: {  	_ =	strace $0x90000047  }
0xd1: {  	s0 =	stileid.u32;
	[bflag:$0x2] =	sbarrier.arrive $0xFFFF  }
0xd2: {  	p0 =	sne.s32 s0, $0x0;
	s0 =	rddreg [dreg:$0x2]  }
0xd3: {  	s0 =	sadd.s32 @!p0 $0x100000, s0  }
0xd4: {  	[sflag:s0] =	ssyncadd.tile.s32 @!p0 $0x1;
	_ =	shalt  }
.Lfunc_end2:
_tile_overlayer_lowered:
.L_overlay_start_2:
0xd5: {  	(tag) =	ssettag $0x2  }
0xd6: {  	s0 =	rddreg [dreg:$0x0];
	s2 =	stileid.u32  }
0xd7: {  	s1 =	rddreg [dreg:$0x1];
	p0 =	sne.s32 s2, $0x0  }
0xd8: {  	s3 =	rddreg [dreg:$0x2];
	[bflag:$0x3] =	sbarrier.arrive $0xFFFF;
	s2 =	simm.s32 @!p0 $0x1C04  }
0xd9: {  	[timem:s3], [sflag:s2] =	dma.local @!p0 [hbm:s0], s1  }
0xda: {  	s0 =	simm.s32 @!p0 $0x4  }
0xdb: {  	_ =	swait.ge @!p0 [sflag:s0], s1  }
0xdc: {  	s1 =	ssub.s32 @!p0 $0x0, s1;
	[sflag:s0] =	ssyncset.done @!p0 $0x0  }
0xdd: {  	[sflag:s0] =	ssyncadd.s32 @!p0 s1  }
0xde: {  	[bflag:$0x3] =	sbarrier.arrive $0xFFFF  }
0xdf: {  	_ =	shalt  }

</sc_bundles>
